<compile_context>
chip_gen: v7x
topology: tpu7x:2x2x1
jax: 0.10.2.dev20260603
libtpu: 0.0.44.dev20260713+nightly
codegen_flags: <defaults>
</compile_context>

<pallas_src>
import functools

import jax
import jax.numpy as jnp
from jax import lax
from jax.experimental import pallas as pl
from jax.experimental.pallas import tpu as pltpu
from jax.experimental.pallas import tpu_sc as plsc

N = 10000
NPAD = 10112
E = 320000
NW = 32
CW = 128
CW2 = 128
EPAD = 327680
RB = 1000
SUBROWS = NPAD // 16



def _sc_segsum(table, src_r, dst_r, zeros, zerosv, with_cnt, cw=CW):
    chunks = EPAD // (NW * cw)
    ib = 32 if cw <= 64 else 16
    nblk = chunks // ib
    mesh = plsc.VectorSubcoreMesh(core_axis_name="c", subcore_axis_name="s")
    out_type = [jax.ShapeDtypeStruct((2, NPAD, 128), jnp.float32)]
    if with_cnt:
        out_type.append(jax.ShapeDtypeStruct((NW, NPAD), jnp.float32))

    @functools.partial(
        pl.kernel,
        out_type=tuple(out_type),
        mesh=mesh,
        compiler_params=pltpu.CompilerParams(needs_layout_passes=False),
        scratch_types=(
            [pltpu.VMEM((ib, cw), jnp.int32) for _ in range(2)]
            + [pltpu.VMEM((cw, 128), jnp.float32) for _ in range(2)]
            + ([pltpu.VMEM((NPAD,), jnp.float32)] if with_cnt else [])
            + [pltpu.VMEM_SHARED((NPAD, 128), jnp.float32)]
            + [pltpu.SemaphoreType.DMA for _ in range(4)]
        ),
    )
    def k(table_hbm, src_hbm, dst_hbm, zeros_hbm, zerosv_hbm, *refs):
        if with_cnt:
            out_hbm, cnt_hbm = refs[0], refs[1]
            refs = refs[2:]
        else:
            out_hbm = refs[0]
            cnt_v = None
            refs = refs[1:]
        is_v, id_v, rows_a, rows_b = refs[0:4]
        refs = refs[4:]
        if with_cnt:
            cnt_v = refs[0]
            refs = refs[1:]
        acc_sh, gsa, gsb, ssa, ssb = refs
        cid = lax.axis_index("c")
        sid = lax.axis_index("s")
        wid = sid * 2 + cid
        r0 = sid * SUBROWS
        pltpu.sync_copy(zeros_hbm.at[pl.ds(r0, SUBROWS)],
                        acc_sh.at[pl.ds(r0, SUBROWS)])
        if with_cnt:
            pltpu.sync_copy(zerosv_hbm, cnt_v)
        plsc.subcore_barrier()
        ones16 = jnp.ones((16,), jnp.float32)
        c0 = wid * chunks

        def g_issue(q, buf, sem):
            pltpu.async_copy(table_hbm.at[is_v.at[q]], buf, sem)

        def g_drain(q, buf, sem):
            pltpu.make_async_copy(table_hbm.at[is_v.at[q]], buf, sem).wait()

        def cnt_add(q):
            if with_cnt:
                for v in range(cw // 16):
                    plsc.addupdate_scatter(
                        cnt_v, [id_v[q, pl.ds(v * 16, 16)]], ones16)

        def blk_body(blk, carry):
            b0 = c0 + blk * ib
            pltpu.sync_copy(src_hbm.at[pl.ds(b0, ib)], is_v)
            pltpu.sync_copy(dst_hbm.at[pl.ds(b0, ib)], id_v)
            g_issue(0, rows_a, gsa)
            g_issue(1, rows_b, gsb)

            def pair(p, carry2):
                qa = 2 * p
                qb = 2 * p + 1
                g_drain(qa, rows_a, gsa)
                da = pltpu.async_copy(rows_a, acc_sh.at[id_v.at[qa]], ssa,
                                      add=True)
                da.wait()

                @pl.when(qa + 2 < ib)
                def _():
                    g_issue(qa + 2, rows_a, gsa)

                g_drain(qb, rows_b, gsb)
                db = pltpu.async_copy(rows_b, acc_sh.at[id_v.at[qb]], ssb,
                                      add=True)
                db.wait()

                @pl.when(qb + 2 < ib)
                def _():
                    g_issue(qb + 2, rows_b, gsb)

                return carry2

            lax.fori_loop(0, ib // 2, pair, 0)
            if with_cnt:
                def cnt_blk(q, carry3):
                    cnt_add(q)
                    return carry3
                lax.fori_loop(0, ib, cnt_blk, 0)
            return carry

        lax.fori_loop(0, nblk, blk_body, 0)
        plsc.subcore_barrier()
        pltpu.sync_copy(acc_sh.at[pl.ds(r0, SUBROWS)],
                        out_hbm.at[cid, pl.ds(r0, SUBROWS)])
        if with_cnt:
            pltpu.sync_copy(cnt_v, cnt_hbm.at[wid])

    return k(table, src_r, dst_r, zeros, zerosv)


def _prep_edges(edge_index, cw):
    src = edge_index[0].astype(jnp.int32)
    dst = edge_index[1].astype(jnp.int32)
    pad = EPAD - E
    src_p = jnp.concatenate([src, jnp.zeros((pad,), jnp.int32)])
    dst_p = jnp.concatenate([dst, jnp.full((pad,), N, jnp.int32)])
    return src_p.reshape(EPAD // cw, cw), dst_p.reshape(EPAD // cw, cw)



def _dotT(a, w):
    return lax.dot_general(a, w, (((1,), (1,)), ((), ())),
                           preferred_element_type=jnp.float32)


def _layer1_block(p_ref, cp_ref, x_ref, wl_ref, bl_ref, wr_ref, g_ref, b_ref,
                  wl2_ref, wr2_ref, xp_ref, xr_ref, cnt_ref):
    agg = p_ref[0] + p_ref[1]
    cnt = jnp.sum(cp_ref[...], axis=-1)
    cntc = jnp.maximum(cnt, 1.0)
    mean = agg / cntc[:, None]
    h = _dotT(mean, wl_ref[...]) + _dotT(x_ref[...], wr_ref[...]) + bl_ref[...]
    h = jnp.maximum(h, 0.0)
    mu = jnp.mean(h, axis=1, keepdims=True)
    var = jnp.mean((h - mu) ** 2, axis=1, keepdims=True)
    hn = (h - mu) * lax.rsqrt(var + 1e-5) * g_ref[...] + b_ref[...]
    xp_ref[...] = _dotT(hn, wl2_ref[...])
    xr_ref[...] = _dotT(hn, wr2_ref[...])
    cnt_ref[...] = jnp.broadcast_to(cntc[:, None], (RB, 8))


def _layer1(P, CPT, x, Wl, bl, Wr, g, b, Wl2, Wr2):
    return pl.pallas_call(
        _layer1_block,
        grid=(N // RB,),
        in_specs=[
            pl.BlockSpec((2, RB, 128), lambda i: (0, i, 0)),
            pl.BlockSpec((RB, NW), lambda i: (i, 0)),
            pl.BlockSpec((RB, 128), lambda i: (i, 0)),
            pl.BlockSpec((256, 128), lambda i: (0, 0)),
            pl.BlockSpec((256,), lambda i: (0,)),
            pl.BlockSpec((256, 128), lambda i: (0, 0)),
            pl.BlockSpec((256,), lambda i: (0,)),
            pl.BlockSpec((256,), lambda i: (0,)),
            pl.BlockSpec((128, 256), lambda i: (0, 0)),
            pl.BlockSpec((128, 256), lambda i: (0, 0)),
        ],
        out_specs=[
            pl.BlockSpec((RB, 128), lambda i: (i, 0)),
            pl.BlockSpec((RB, 128), lambda i: (i, 0)),
            pl.BlockSpec((RB, 8), lambda i: (i, 0)),
        ],
        out_shape=[
            jax.ShapeDtypeStruct((N, 128), jnp.float32),
            jax.ShapeDtypeStruct((N, 128), jnp.float32),
            jax.ShapeDtypeStruct((N, 8), jnp.float32),
        ],
    )(P, CPT, x, Wl, bl, Wr, g, b, Wl2, Wr2)


def _layer2_block(q_ref, cnt_ref, xr_ref, bl_ref, g_ref, b_ref,
                  w1_ref, b1_ref, w2_ref, b2_ref, w3_ref, b3_ref, o_ref):
    rinv = 1.0 / cnt_ref[:, :1]
    h = (q_ref[0] + q_ref[1]) * rinv + xr_ref[...] + bl_ref[...]
    h = jnp.maximum(h, 0.0)
    mu = jnp.mean(h, axis=1, keepdims=True)
    var = jnp.mean((h - mu) ** 2, axis=1, keepdims=True)
    hn = (h - mu) * lax.rsqrt(var + 1e-5) * g_ref[...] + b_ref[...]
    z = jnp.maximum(_dotT(hn, w1_ref[...]) + b1_ref[...], 0.0)
    z = jnp.maximum(_dotT(z, w2_ref[...]) + b2_ref[...], 0.0)
    z = jnp.maximum(_dotT(z, w3_ref[...]) + b3_ref[...], 0.0)
    o_ref[...] = z


def _layer2(Q, cnt, Xr, bl, g, b, W1, b1, W2, b2, W3, b3):
    full = lambda r, c: pl.BlockSpec((r, c), lambda i: (0, 0))
    vec = lambda r: pl.BlockSpec((r,), lambda i: (0,))
    return pl.pallas_call(
        _layer2_block,
        grid=(N // RB,),
        in_specs=[
            pl.BlockSpec((2, RB, 128), lambda i: (0, i, 0)),
            pl.BlockSpec((RB, 8), lambda i: (i, 0)),
            pl.BlockSpec((RB, 128), lambda i: (i, 0)),
            vec(128), vec(128), vec(128),
            full(256, 128), vec(256), full(128, 256), vec(128),
            full(64, 128), vec(64),
        ],
        out_specs=pl.BlockSpec((RB, 64), lambda i: (i, 0)),
        out_shape=jax.ShapeDtypeStruct((N, 64), jnp.float32),
    )(Q, cnt, Xr, bl, g, b, W1, b1, W2, b2, W3, b3)


def _final_block(x_ref, y_ref, o_ref):
    o_ref[...] = lax.dot_general(x_ref[...], y_ref[...],
                                 (((1,), (1,)), ((), ())),
                                 preferred_element_type=jnp.float32)


def _final_matmul(x, y):
    RBF = 400
    return pl.pallas_call(
        _final_block,
        grid=(N // RBF,),
        in_specs=[pl.BlockSpec((RBF, 64), lambda i: (i, 0)),
                  pl.BlockSpec((N, 64), lambda i: (0, 0))],
        out_specs=pl.BlockSpec((RBF, N), lambda i: (i, 0)),
        out_shape=jax.ShapeDtypeStruct((N, N), jnp.float32),
    )(x, y)


def _branch(x, edge_index, Wl1, bl1, Wr1, g1, b1, Wl2, bl2, Wr2, g2, b2,
            W1, c1, W2, c2, W3, c3):
    src_r, dst_r = _prep_edges(edge_index, CW)
    src_r2, dst_r2 = _prep_edges(edge_index, CW2)
    zeros128 = jnp.zeros((NPAD, 128), jnp.float32)
    zerosv = jnp.zeros((NPAD,), jnp.float32)
    P, CNTP = _sc_segsum(x, src_r, dst_r, zeros128, zerosv, True, CW)
    Xp, Xr, cnt = _layer1(P, CNTP.T, x, Wl1, bl1, Wr1, g1, b1, Wl2, Wr2)
    (Q,) = _sc_segsum(Xp, src_r2, dst_r2, zeros128, zerosv, False, CW2)
    return _layer2(Q, cnt, Xr, bl2, g2, b2, W1, c1, W2, c2, W3, c3)


def kernel(mm_edge_index, dd_edge_index, x_m, x_d,
           Wl_x1, bl_x1, Wr_x1, g_x1, b_x1,
           Wl_x2, bl_x2, Wr_x2, g_x2, b_x2,
           Wl_y1, bl_y1, Wr_y1, g_y1, b_y1,
           Wl_y2, bl_y2, Wr_y2, g_y2, b_y2,
           W1x, b1x, W2x, b2x, W3x, b3x,
           W1y, b1y, W2y, b2y, W3y, b3y):
    xk = _branch(x_m, mm_edge_index, Wl_x1, bl_x1, Wr_x1, g_x1, b_x1,
                 Wl_x2, bl_x2, Wr_x2, g_x2, b_x2,
                 W1x, b1x, W2x, b2x, W3x, b3x)
    yk = _branch(x_d, dd_edge_index, Wl_y1, bl_y1, Wr_y1, g_y1, b_y1,
                 Wl_y2, bl_y2, Wr_y2, g_y2, b_y2,
                 W1y, b1y, W2y, b2y, W3y, b3y)
    return _final_matmul(xk, yk)

# --- scband reference (transcript-rebuilt; emitter-appended) ---
"""Pipeline reference for scband-model-3796751090164 (READ-ONLY COPY).

The authoritative reference and input builder live on the scoring server;
editing this copy changes nothing except your own understanding.
"""

import jax, jax.numpy as jnp
import numpy as np

FG = 128
FD = 128
K = 64
M = 10000
D = 10000
E_MM = 320000
E_DD = 320000


def _ln(x, g, b, eps=1e-5):
    mu = jnp.mean(x, axis=-1, keepdims=True)
    var = jnp.mean((x - mu) ** 2, axis=-1, keepdims=True)
    return (x - mu) / jnp.sqrt(var + eps) * g + b


def _sage(x, edge_index, Wl, bl, Wr, n):
    src = edge_index[0]
    dst = edge_index[1]
    agg = jax.ops.segment_sum(x[src], dst, num_segments=n)
    cnt = jax.ops.segment_sum(jnp.ones((edge_index.shape[1],), x.dtype), dst, num_segments=n)
    mean = agg / jnp.clip(cnt, 1.0)[:, None]
    return mean @ Wl.T + bl + x @ Wr.T


def setup_inputs(seed: int = 0):
    key = jax.random.key(seed)
    ks = [jax.random.fold_in(key, i) for i in range(32)]
    s = 0.05
    inp = {}
    inp['mm_edge_index'] = jax.random.randint(ks[0], (2, E_MM), 0, M)
    inp['dd_edge_index'] = jax.random.randint(ks[1], (2, E_DD), 0, D)
    inp['x_m'] = jax.random.normal(ks[2], (M, FG), jnp.float32)
    inp['x_d'] = jax.random.normal(ks[3], (D, FD), jnp.float32)
    inp['Wl_x1'] = jax.random.normal(ks[4], (2 * FG, FG), jnp.float32) * s
    inp['bl_x1'] = jnp.zeros((2 * FG,), jnp.float32)
    inp['Wr_x1'] = jax.random.normal(ks[5], (2 * FG, FG), jnp.float32) * s
    inp['g_x1'] = jnp.ones((2 * FG,), jnp.float32)
    inp['b_x1'] = jnp.zeros((2 * FG,), jnp.float32)
    inp['Wl_x2'] = jax.random.normal(ks[6], (FG, 2 * FG), jnp.float32) * s
    inp['bl_x2'] = jnp.zeros((FG,), jnp.float32)
    inp['Wr_x2'] = jax.random.normal(ks[7], (FG, 2 * FG), jnp.float32) * s
    inp['g_x2'] = jnp.ones((FG,), jnp.float32)
    inp['b_x2'] = jnp.zeros((FG,), jnp.float32)
    inp['Wl_y1'] = jax.random.normal(ks[8], (2 * FD, FD), jnp.float32) * s
    inp['bl_y1'] = jnp.zeros((2 * FD,), jnp.float32)
    inp['Wr_y1'] = jax.random.normal(ks[9], (2 * FD, FD), jnp.float32) * s
    inp['g_y1'] = jnp.ones((2 * FD,), jnp.float32)
    inp['b_y1'] = jnp.zeros((2 * FD,), jnp.float32)
    inp['Wl_y2'] = jax.random.normal(ks[10], (FD, 2 * FD), jnp.float32) * s
    inp['bl_y2'] = jnp.zeros((FD,), jnp.float32)
    inp['Wr_y2'] = jax.random.normal(ks[11], (FD, 2 * FD), jnp.float32) * s
    inp['g_y2'] = jnp.ones((FD,), jnp.float32)
    inp['b_y2'] = jnp.zeros((FD,), jnp.float32)
    inp['W1x'] = jax.random.normal(ks[12], (256, FG), jnp.float32) * s
    inp['b1x'] = jnp.zeros((256,), jnp.float32)
    inp['W2x'] = jax.random.normal(ks[13], (128, 256), jnp.float32) * s
    inp['b2x'] = jnp.zeros((128,), jnp.float32)
    inp['W3x'] = jax.random.normal(ks[14], (K, 128), jnp.float32) * s
    inp['b3x'] = jnp.zeros((K,), jnp.float32)
    inp['W1y'] = jax.random.normal(ks[15], (256, FD), jnp.float32) * s
    inp['b1y'] = jnp.zeros((256,), jnp.float32)
    inp['W2y'] = jax.random.normal(ks[16], (128, 256), jnp.float32) * s
    inp['b2y'] = jnp.zeros((128,), jnp.float32)
    inp['W3y'] = jax.random.normal(ks[17], (K, 128), jnp.float32) * s
    inp['b3y'] = jnp.zeros((K,), jnp.float32)
    return inp


def reference(mm_edge_index, dd_edge_index, x_m, x_d,
              Wl_x1, bl_x1, Wr_x1, g_x1, b_x1,
              Wl_x2, bl_x2, Wr_x2, g_x2, b_x2,
              Wl_y1, bl_y1, Wr_y1, g_y1, b_y1,
              Wl_y2, bl_y2, Wr_y2, g_y2, b_y2,
              W1x, b1x, W2x, b2x, W3x, b3x,
              W1y, b1y, W2y, b2y, W3y, b3y):
    X1 = jax.nn.relu(_sage(x_m, mm_edge_index, Wl_x1, bl_x1, Wr_x1, M))
    X1 = _ln(X1, g_x1, b_x1)
    X = jax.nn.relu(_sage(X1, mm_edge_index, Wl_x2, bl_x2, Wr_x2, M))
    X = _ln(X, g_x2, b_x2)
    Y1 = jax.nn.relu(_sage(x_d, dd_edge_index, Wl_y1, bl_y1, Wr_y1, D))
    Y1 = _ln(Y1, g_y1, b_y1)
    Y = jax.nn.relu(_sage(Y1, dd_edge_index, Wl_y2, bl_y2, Wr_y2, D))
    Y = _ln(Y, g_y2, b_y2)
    x = jax.nn.relu(X @ W1x.T + b1x)
    x = jax.nn.relu(x @ W2x.T + b2x)
    x = jax.nn.relu(x @ W3x.T + b3x)
    y = jax.nn.relu(Y @ W1y.T + b1y)
    y = jax.nn.relu(y @ W2y.T + b2y)
    y = jax.nn.relu(y @ W3y.T + b3y)
    return x @ y.T

if __name__ == "__main__":
    import jax
    _d = setup_inputs()
    print(jax.jit(kernel)(*tuple(_d.values())))

</pallas_src>

<mosaic_0001>
#map = affine_map<(d0, d1) -> (0, 0)>
#map1 = affine_map<(d0, d1) -> (0)>
#map2 = affine_map<(d0, d1) -> (0, 0, 0)>
module attributes {stable_mosaic.version = 14 : i64} {
  func.func @k(%arg0: i32, %arg1: i32, %arg2: memref<10000x128xf32, #tpu.memory_space<hbm>>, %arg3: memref<2560x128xi32, #tpu.memory_space<hbm>>, %arg4: memref<2560x128xi32, #tpu.memory_space<hbm>>, %arg5: memref<10112x128xf32, #tpu.memory_space<hbm>>, %arg6: memref<10112xf32, #tpu.memory_space<hbm>>, %arg7: memref<2x10112x128xf32, #tpu.memory_space<hbm>>, %arg8: memref<32x10112xf32, #tpu.memory_space<hbm>>, %arg9: memref<16x128xi32, #tpu.memory_space<vmem>>, %arg10: memref<16x128xi32, #tpu.memory_space<vmem>>, %arg11: memref<128x128xf32, #tpu.memory_space<vmem>>, %arg12: memref<128x128xf32, #tpu.memory_space<vmem>>, %arg13: memref<10112xf32, #tpu.memory_space<vmem>>, %arg14: memref<10112x128xf32, #tpu.memory_space<vmem_shared>>, %arg15: memref<!tpu.dma_semaphore, #tpu.memory_space<semaphore_mem>>, %arg16: memref<!tpu.dma_semaphore, #tpu.memory_space<semaphore_mem>>, %arg17: memref<!tpu.dma_semaphore, #tpu.memory_space<semaphore_mem>>, %arg18: memref<!tpu.dma_semaphore, #tpu.memory_space<semaphore_mem>>) attributes {dimension_semantics = [#tpu.dimension_semantics<core_parallel>, #tpu.dimension_semantics<subcore_parallel>], iteration_bounds = array<i64: 2, 16>, scalar_prefetch = 0 : i64, scratch_operands = 10 : i64, tpu.core_type = #tpu.core_type<sc_vector_subcore>, window_params = [{transform_indices = #map}, {transform_indices = #map}, {transform_indices = #map}, {transform_indices = #map}, {transform_indices = #map1}, {transform_indices = #map2}, {transform_indices = #map}]} {
    %mul3A = arith.constant 2 : i32
    %mul3A_0 = arith.muli %arg1, %mul3A : i32
    %add3A = arith.addi %mul3A_0, %arg0 : i32
    %mul3A_1 = arith.constant 632 : i32
    %mul3A_2 = arith.muli %arg1, %mul3A_1 : i32
    "tpu.region"() ({
      %run_scoped3A = tpu.sem_alloc : memref<!tpu.dma_semaphore, #tpu.memory_space<semaphore_mem>>
      %dma_start3A = arith.constant 0 : i32
      %dma_start3A_12 = tpu.memref_slice %arg14[%mul3A_2, %dma_start3A] : memref<10112x128xf32, #tpu.memory_space<vmem_shared>> -> memref<632x128xf32, #tpu.memory_space<vmem_shared>>
      %dma_start3A_13 = arith.constant 0 : i32
      %dma_start3A_14 = tpu.memref_slice %arg5[%mul3A_2, %dma_start3A_13] : memref<10112x128xf32, #tpu.memory_space<hbm>> -> memref<632x128xf32, #tpu.memory_space<hbm>>
      tpu.enqueue_dma source(%dma_start3A_14 : memref<632x128xf32, #tpu.memory_space<hbm>>) target(%dma_start3A_12 : memref<632x128xf32, #tpu.memory_space<vmem_shared>>) target_semaphore(%run_scoped3A : memref<!tpu.dma_semaphore, #tpu.memory_space<semaphore_mem>>)
      %dma_wait3A = arith.constant 0 : i32
      %dma_wait3A_15 = tpu.memref_slice %arg14[%mul3A_2, %dma_wait3A] : memref<10112x128xf32, #tpu.memory_space<vmem_shared>> -> memref<632x128xf32, #tpu.memory_space<vmem_shared>>
      %dma_wait3A_16 = arith.constant 0 : i32
      %dma_wait3A_17 = tpu.memref_slice %arg5[%mul3A_2, %dma_wait3A_16] : memref<10112x128xf32, #tpu.memory_space<hbm>> -> memref<632x128xf32, #tpu.memory_space<hbm>>
      tpu.wait_dma2 semaphore(%run_scoped3A : memref<!tpu.dma_semaphore, #tpu.memory_space<semaphore_mem>>) src(%dma_wait3A_17 : memref<632x128xf32, #tpu.memory_space<hbm>>) dst(%dma_wait3A_15 : memref<632x128xf32, #tpu.memory_space<vmem_shared>>)
      tpu.yield
    }) : () -> ()
    "tpu.region"() ({
      %run_scoped3A = tpu.sem_alloc : memref<!tpu.dma_semaphore, #tpu.memory_space<semaphore_mem>>
      tpu.enqueue_dma source(%arg6 : memref<10112xf32, #tpu.memory_space<hbm>>) target(%arg13 : memref<10112xf32, #tpu.memory_space<vmem>>) target_semaphore(%run_scoped3A : memref<!tpu.dma_semaphore, #tpu.memory_space<semaphore_mem>>)
      tpu.wait_dma2 semaphore(%run_scoped3A : memref<!tpu.dma_semaphore, #tpu.memory_space<semaphore_mem>>) src(%arg6 : memref<10112xf32, #tpu.memory_space<hbm>>) dst(%arg13 : memref<10112xf32, #tpu.memory_space<vmem>>)
      tpu.yield
    }) : () -> ()
    %barrier3A = arith.constant 0 : index
    tpu.barrier barrier_id(%barrier3A)
    %broadcast_in_dim3A = arith.constant 1.000000e+00 : f32
    %broadcast_in_dim3A_3 = vector.broadcast %broadcast_in_dim3A : f32 to vector<16xf32>
    %mul3A_4 = arith.constant 80 : i32
    %mul3A_5 = arith.muli %add3A, %mul3A_4 : i32
    %scan3A = arith.constant 0 : i32
    %scan3A_6 = arith.constant 0 : i32
    %scan3A_7 = arith.constant 5 : i32
    %scan3A_8 = arith.addi %scan3A_6, %scan3A_7 : i32
    %scan3A_9 = arith.constant 1 : i32
    scf.for %scan3A_12 = %scan3A_6 to %scan3A_8 step %scan3A_9  : i32 {
      %mul3A_13 = arith.constant 16 : i32
      %mul3A_14 = arith.muli %scan3A_12, %mul3A_13 : i32
      %add3A_15 = arith.addi %mul3A_5, %mul3A_14 : i32
      "tpu.region"() ({
        %run_scoped3A = tpu.sem_alloc : memref<!tpu.dma_semaphore, #tpu.memory_space<semaphore_mem>>
        %dma_start3A_41 = arith.constant 0 : i32
        %dma_start3A_42 = tpu.memref_slice %arg3[%add3A_15, %dma_start3A_41] : memref<2560x128xi32, #tpu.memory_space<hbm>> -> memref<16x128xi32, #tpu.memory_space<hbm>>
        %dma_start3A_43 = arith.constant 0 : i32
        %dma_start3A_44 = tpu.memref_slice %arg3[%add3A_15, %dma_start3A_43] : memref<2560x128xi32, #tpu.memory_space<hbm>> -> memref<16x128xi32, #tpu.memory_space<hbm>>
        tpu.enqueue_dma source(%dma_start3A_44 : memref<16x128xi32, #tpu.memory_space<hbm>>) target(%arg9 : memref<16x128xi32, #tpu.memory_space<vmem>>) target_semaphore(%run_scoped3A : memref<!tpu.dma_semaphore, #tpu.memory_space<semaphore_mem>>)
        %dma_wait3A = arith.constant 0 : i32
        %dma_wait3A_45 = tpu.memref_slice %arg3[%add3A_15, %dma_wait3A] : memref<2560x128xi32, #tpu.memory_space<hbm>> -> memref<16x128xi32, #tpu.memory_space<hbm>>
        %dma_wait3A_46 = arith.constant 0 : i32
        %dma_wait3A_47 = tpu.memref_slice %arg3[%add3A_15, %dma_wait3A_46] : memref<2560x128xi32, #tpu.memory_space<hbm>> -> memref<16x128xi32, #tpu.memory_space<hbm>>
        tpu.wait_dma2 semaphore(%run_scoped3A : memref<!tpu.dma_semaphore, #tpu.memory_space<semaphore_mem>>) src(%dma_wait3A_47 : memref<16x128xi32, #tpu.memory_space<hbm>>) dst(%arg9 : memref<16x128xi32, #tpu.memory_space<vmem>>)
        tpu.yield
      }) : () -> ()
      "tpu.region"() ({
        %run_scoped3A = tpu.sem_alloc : memref<!tpu.dma_semaphore, #tpu.memory_space<semaphore_mem>>
        %dma_start3A_41 = arith.constant 0 : i32
        %dma_start3A_42 = tpu.memref_slice %arg4[%add3A_15, %dma_start3A_41] : memref<2560x128xi32, #tpu.memory_space<hbm>> -> memref<16x128xi32, #tpu.memory_space<hbm>>
        %dma_start3A_43 = arith.constant 0 : i32
        %dma_start3A_44 = tpu.memref_slice %arg4[%add3A_15, %dma_start3A_43] : memref<2560x128xi32, #tpu.memory_space<hbm>> -> memref<16x128xi32, #tpu.memory_space<hbm>>
        tpu.enqueue_dma source(%dma_start3A_44 : memref<16x128xi32, #tpu.memory_space<hbm>>) target(%arg10 : memref<16x128xi32, #tpu.memory_space<vmem>>) target_semaphore(%run_scoped3A : memref<!tpu.dma_semaphore, #tpu.memory_space<semaphore_mem>>)
        %dma_wait3A = arith.constant 0 : i32
        %dma_wait3A_45 = tpu.memref_slice %arg4[%add3A_15, %dma_wait3A] : memref<2560x128xi32, #tpu.memory_space<hbm>> -> memref<16x128xi32, #tpu.memory_space<hbm>>
        %dma_wait3A_46 = arith.constant 0 : i32
        %dma_wait3A_47 = tpu.memref_slice %arg4[%add3A_15, %dma_wait3A_46] : memref<2560x128xi32, #tpu.memory_space<hbm>> -> memref<16x128xi32, #tpu.memory_space<hbm>>
        tpu.wait_dma2 semaphore(%run_scoped3A : memref<!tpu.dma_semaphore, #tpu.memory_space<semaphore_mem>>) src(%dma_wait3A_47 : memref<16x128xi32, #tpu.memory_space<hbm>>) dst(%arg10 : memref<16x128xi32, #tpu.memory_space<vmem>>)
        tpu.yield
      }) : () -> ()
      %dma_start3A = arith.constant 0 : i32
      %dma_start3A_16 = arith.constant 0 : i32
      %dma_start3A_17 = tpu.memref_slice %arg9[%dma_start3A, %dma_start3A_16] : memref<16x128xi32, #tpu.memory_space<vmem>> -> memref<1x128xi32, #tpu.memory_space<vmem>>
      %dma_start3A_18 = tpu.memref_squeeze %dma_start3A_17 : memref<1x128xi32, #tpu.memory_space<vmem>> -> memref<128xi32, #tpu.memory_space<vmem>>
      %dma_start3A_19 = arith.constant 0 : i32
      %dma_start3A_20 = arith.constant 0 : i32
      %dma_start3A_21 = tpu.memref_slice %arg2[%dma_start3A_19, %dma_start3A_20] : memref<10000x128xf32, #tpu.memory_space<hbm>> -> memref<10000x128xf32, #tpu.memory_space<hbm>>
      tpu.enqueue_indirect_dma source(%dma_start3A_21 : memref<10000x128xf32, #tpu.memory_space<hbm>>) target(%arg11 : memref<128x128xf32, #tpu.memory_space<vmem>>) offsets(%dma_start3A_18 : memref<128xi32, #tpu.memory_space<vmem>>) semaphore(%arg15 : memref<!tpu.dma_semaphore, #tpu.memory_space<semaphore_mem>>)
      %dma_start3A_22 = arith.constant 1 : i32
      %dma_start3A_23 = arith.constant 0 : i32
      %dma_start3A_24 = tpu.memref_slice %arg9[%dma_start3A_22, %dma_start3A_23] : memref<16x128xi32, #tpu.memory_space<vmem>> -> memref<1x128xi32, #tpu.memory_space<vmem>>
      %dma_start3A_25 = tpu.memref_squeeze %dma_start3A_24 : memref<1x128xi32, #tpu.memory_space<vmem>> -> memref<128xi32, #tpu.memory_space<vmem>>
      %dma_start3A_26 = arith.constant 0 : i32
      %dma_start3A_27 = arith.constant 0 : i32
      %dma_start3A_28 = tpu.memref_slice %arg2[%dma_start3A_26, %dma_start3A_27] : memref<10000x128xf32, #tpu.memory_space<hbm>> -> memref<10000x128xf32, #tpu.memory_space<hbm>>
      tpu.enqueue_indirect_dma source(%dma_start3A_28 : memref<10000x128xf32, #tpu.memory_space<hbm>>) target(%arg12 : memref<128x128xf32, #tpu.memory_space<vmem>>) offsets(%dma_start3A_25 : memref<128xi32, #tpu.memory_space<vmem>>) semaphore(%arg16 : memref<!tpu.dma_semaphore, #tpu.memory_space<semaphore_mem>>)
      %scan3A_29 = arith.constant 0 : i32
      %scan3A_30 = arith.constant 0 : i32
      %scan3A_31 = arith.constant 8 : i32
      %scan3A_32 = arith.addi %scan3A_30, %scan3A_31 : i32
      %scan3A_33 = arith.constant 1 : i32
      scf.for %scan3A_41 = %scan3A_30 to %scan3A_32 step %scan3A_33  : i32 {
        %mul3A_42 = arith.constant 2 : i32
        %mul3A_43 = arith.muli %mul3A_42, %scan3A_41 : i32
        %mul3A_44 = arith.constant 2 : i32
        %mul3A_45 = arith.muli %mul3A_44, %scan3A_41 : i32
        %add3A_46 = arith.constant 1 : i32
        %add3A_47 = arith.addi %mul3A_45, %add3A_46 : i32
        %dma_wait3A = arith.constant 0 : i32
        %dma_wait3A_48 = tpu.memref_slice %arg9[%mul3A_43, %dma_wait3A] : memref<16x128xi32, #tpu.memory_space<vmem>> -> memref<1x128xi32, #tpu.memory_space<vmem>>
        %dma_wait3A_49 = tpu.memref_squeeze %dma_wait3A_48 : memref<1x128xi32, #tpu.memory_space<vmem>> -> memref<128xi32, #tpu.memory_space<vmem>>
        %dma_wait3A_50 = arith.constant 0 : i32
        %dma_wait3A_51 = arith.constant 0 : i32
        %dma_wait3A_52 = tpu.memref_slice %arg2[%dma_wait3A_50, %dma_wait3A_51] : memref<10000x128xf32, #tpu.memory_space<hbm>> -> memref<10000x128xf32, #tpu.memory_space<hbm>>
        tpu.wait_indirect_dma semaphore(%arg15 : memref<!tpu.dma_semaphore, #tpu.memory_space<semaphore_mem>>) src(%dma_wait3A_52 : memref<10000x128xf32, #tpu.memory_space<hbm>>) dst(%arg11 : memref<128x128xf32, #tpu.memory_space<vmem>>)
        %dma_start3A_53 = arith.constant 0 : i32
        %dma_start3A_54 = tpu.memref_slice %arg10[%mul3A_43, %dma_start3A_53] : memref<16x128xi32, #tpu.memory_space<vmem>> -> memref<1x128xi32, #tpu.memory_space<vmem>>
        %dma_start3A_55 = tpu.memref_squeeze %dma_start3A_54 : memref<1x128xi32, #tpu.memory_space<vmem>> -> memref<128xi32, #tpu.memory_space<vmem>>
        %dma_start3A_56 = arith.constant 0 : i32
        %dma_start3A_57 = arith.constant 0 : i32
        %dma_start3A_58 = tpu.memref_slice %arg14[%dma_start3A_56, %dma_start3A_57] : memref<10112x128xf32, #tpu.memory_space<vmem_shared>> -> memref<10112x128xf32, #tpu.memory_space<vmem_shared>>
        tpu.enqueue_indirect_dma source(%arg11 : memref<128x128xf32, #tpu.memory_space<vmem>>) target(%dma_start3A_58 : memref<10112x128xf32, #tpu.memory_space<vmem_shared>>) offsets(%dma_start3A_55 : memref<128xi32, #tpu.memory_space<vmem>>) semaphore(%arg17 : memref<!tpu.dma_semaphore, #tpu.memory_space<semaphore_mem>>) {add = true}
        %dma_wait3A_59 = arith.constant 0 : i32
        %dma_wait3A_60 = tpu.memref_slice %arg10[%mul3A_43, %dma_wait3A_59] : memref<16x128xi32, #tpu.memory_space<vmem>> -> memref<1x128xi32, #tpu.memory_space<vmem>>
        %dma_wait3A_61 = tpu.memref_squeeze %dma_wait3A_60 : memref<1x128xi32, #tpu.memory_space<vmem>> -> memref<128xi32, #tpu.memory_space<vmem>>
        %dma_wait3A_62 = arith.constant 0 : i32
        %dma_wait3A_63 = arith.constant 0 : i32
        %dma_wait3A_64 = tpu.memref_slice %arg14[%dma_wait3A_62, %dma_wait3A_63] : memref<10112x128xf32, #tpu.memory_space<vmem_shared>> -> memref<10112x128xf32, #tpu.memory_space<vmem_shared>>
        tpu.wait_indirect_dma semaphore(%arg17 : memref<!tpu.dma_semaphore, #tpu.memory_space<semaphore_mem>>) src(%arg11 : memref<128x128xf32, #tpu.memory_space<vmem>>) dst(%dma_wait3A_64 : memref<10112x128xf32, #tpu.memory_space<vmem_shared>>)
        %add3A_65 = arith.constant 2 : i32
        %add3A_66 = arith.addi %mul3A_43, %add3A_65 : i32
        %lt3A = arith.constant 16 : i32
        %lt3A_67 = arith.cmpi slt, %add3A_66, %lt3A : i32
        %convert_element_type3A = arith.extui %lt3A_67 : i1 to i32
        %cond3A = arith.constant 0 : i32
        %cond3A_68 = arith.cmpi ne, %convert_element_type3A, %cond3A : i32
        scf.if %cond3A_68 {
          %add3A_94 = arith.constant 2 : i32
          %add3A_95 = arith.addi %mul3A_43, %add3A_94 : i32
          %dma_start3A_96 = arith.constant 0 : i32
          %dma_start3A_97 = tpu.memref_slice %arg9[%add3A_95, %dma_start3A_96] : memref<16x128xi32, #tpu.memory_space<vmem>> -> memref<1x128xi32, #tpu.memory_space<vmem>>
          %dma_start3A_98 = tpu.memref_squeeze %dma_start3A_97 : memref<1x128xi32, #tpu.memory_space<vmem>> -> memref<128xi32, #tpu.memory_space<vmem>>
          %dma_start3A_99 = arith.constant 0 : i32
          %dma_start3A_100 = arith.constant 0 : i32
          %dma_start3A_101 = tpu.memref_slice %arg2[%dma_start3A_99, %dma_start3A_100] : memref<10000x128xf32, #tpu.memory_space<hbm>> -> memref<10000x128xf32, #tpu.memory_space<hbm>>
          tpu.enqueue_indirect_dma source(%dma_start3A_101 : memref<10000x128xf32, #tpu.memory_space<hbm>>) target(%arg11 : memref<128x128xf32, #tpu.memory_space<vmem>>) offsets(%dma_start3A_98 : memref<128xi32, #tpu.memory_space<vmem>>) semaphore(%arg15 : memref<!tpu.dma_semaphore, #tpu.memory_space<semaphore_mem>>)
        } else {
        }
        %dma_wait3A_69 = arith.constant 0 : i32
        %dma_wait3A_70 = tpu.memref_slice %arg9[%add3A_47, %dma_wait3A_69] : memref<16x128xi32, #tpu.memory_space<vmem>> -> memref<1x128xi32, #tpu.memory_space<vmem>>
        %dma_wait3A_71 = tpu.memref_squeeze %dma_wait3A_70 : memref<1x128xi32, #tpu.memory_space<vmem>> -> memref<128xi32, #tpu.memory_space<vmem>>
        %dma_wait3A_72 = arith.constant 0 : i32
        %dma_wait3A_73 = arith.constant 0 : i32
        %dma_wait3A_74 = tpu.memref_slice %arg2[%dma_wait3A_72, %dma_wait3A_73] : memref<10000x128xf32, #tpu.memory_space<hbm>> -> memref<10000x128xf32, #tpu.memory_space<hbm>>
        tpu.wait_indirect_dma semaphore(%arg16 : memref<!tpu.dma_semaphore, #tpu.memory_space<semaphore_mem>>) src(%dma_wait3A_74 : memref<10000x128xf32, #tpu.memory_space<hbm>>) dst(%arg12 : memref<128x128xf32, #tpu.memory_space<vmem>>)
        %dma_start3A_75 = arith.constant 0 : i32
        %dma_start3A_76 = tpu.memref_slice %arg10[%add3A_47, %dma_start3A_75] : memref<16x128xi32, #tpu.memory_space<vmem>> -> memref<1x128xi32, #tpu.memory_space<vmem>>
        %dma_start3A_77 = tpu.memref_squeeze %dma_start3A_76 : memref<1x128xi32, #tpu.memory_space<vmem>> -> memref<128xi32, #tpu.memory_space<vmem>>
        %dma_start3A_78 = arith.constant 0 : i32
        %dma_start3A_79 = arith.constant 0 : i32
        %dma_start3A_80 = tpu.memref_slice %arg14[%dma_start3A_78, %dma_start3A_79] : memref<10112x128xf32, #tpu.memory_space<vmem_shared>> -> memref<10112x128xf32, #tpu.memory_space<vmem_shared>>
        tpu.enqueue_indirect_dma source(%arg12 : memref<128x128xf32, #tpu.memory_space<vmem>>) target(%dma_start3A_80 : memref<10112x128xf32, #tpu.memory_space<vmem_shared>>) offsets(%dma_start3A_77 : memref<128xi32, #tpu.memory_space<vmem>>) semaphore(%arg18 : memref<!tpu.dma_semaphore, #tpu.memory_space<semaphore_mem>>) {add = true}
        %dma_wait3A_81 = arith.constant 0 : i32
        %dma_wait3A_82 = tpu.memref_slice %arg10[%add3A_47, %dma_wait3A_81] : memref<16x128xi32, #tpu.memory_space<vmem>> -> memref<1x128xi32, #tpu.memory_space<vmem>>
        %dma_wait3A_83 = tpu.memref_squeeze %dma_wait3A_82 : memref<1x128xi32, #tpu.memory_space<vmem>> -> memref<128xi32, #tpu.memory_space<vmem>>
        %dma_wait3A_84 = arith.constant 0 : i32
        %dma_wait3A_85 = arith.constant 0 : i32
        %dma_wait3A_86 = tpu.memref_slice %arg14[%dma_wait3A_84, %dma_wait3A_85] : memref<10112x128xf32, #tpu.memory_space<vmem_shared>> -> memref<10112x128xf32, #tpu.memory_space<vmem_shared>>
        tpu.wait_indirect_dma semaphore(%arg18 : memref<!tpu.dma_semaphore, #tpu.memory_space<semaphore_mem>>) src(%arg12 : memref<128x128xf32, #tpu.memory_space<vmem>>) dst(%dma_wait3A_86 : memref<10112x128xf32, #tpu.memory_space<vmem_shared>>)
        %add3A_87 = arith.constant 2 : i32
        %add3A_88 = arith.addi %add3A_47, %add3A_87 : i32
        %lt3A_89 = arith.constant 16 : i32
        %lt3A_90 = arith.cmpi slt, %add3A_88, %lt3A_89 : i32
        %convert_element_type3A_91 = arith.extui %lt3A_90 : i1 to i32
        %cond3A_92 = arith.constant 0 : i32
        %cond3A_93 = arith.cmpi ne, %convert_element_type3A_91, %cond3A_92 : i32
        scf.if %cond3A_93 {
          %add3A_94 = arith.constant 2 : i32
          %add3A_95 = arith.addi %add3A_47, %add3A_94 : i32
          %dma_start3A_96 = arith.constant 0 : i32
          %dma_start3A_97 = tpu.memref_slice %arg9[%add3A_95, %dma_start3A_96] : memref<16x128xi32, #tpu.memory_space<vmem>> -> memref<1x128xi32, #tpu.memory_space<vmem>>
          %dma_start3A_98 = tpu.memref_squeeze %dma_start3A_97 : memref<1x128xi32, #tpu.memory_space<vmem>> -> memref<128xi32, #tpu.memory_space<vmem>>
          %dma_start3A_99 = arith.constant 0 : i32
          %dma_start3A_100 = arith.constant 0 : i32
          %dma_start3A_101 = tpu.memref_slice %arg2[%dma_start3A_99, %dma_start3A_100] : memref<10000x128xf32, #tpu.memory_space<hbm>> -> memref<10000x128xf32, #tpu.memory_space<hbm>>
          tpu.enqueue_indirect_dma source(%dma_start3A_101 : memref<10000x128xf32, #tpu.memory_space<hbm>>) target(%arg12 : memref<128x128xf32, #tpu.memory_space<vmem>>) offsets(%dma_start3A_98 : memref<128xi32, #tpu.memory_space<vmem>>) semaphore(%arg16 : memref<!tpu.dma_semaphore, #tpu.memory_space<semaphore_mem>>)
        } else {
        }
      }
      %scan3A_34 = arith.constant 8 : i32
      %scan3A_35 = arith.constant 0 : i32
      %scan3A_36 = arith.constant 0 : i32
      %scan3A_37 = arith.constant 16 : i32
      %scan3A_38 = arith.addi %scan3A_36, %scan3A_37 : i32
      %scan3A_39 = arith.constant 1 : i32
      scf.for %scan3A_41 = %scan3A_36 to %scan3A_38 step %scan3A_39  : i32 {
        %get3A = arith.index_cast %scan3A_41 : i32 to index
        %get3A_42 = arith.constant 0 : index
        %get3A_43 = tpu.vector_load %arg10[%get3A, %get3A_42] {strides = array<i32>} : memref<16x128xi32, #tpu.memory_space<vmem>>, vector<16xi32>,
        tpu.vector_store_idx %arg13[%get3A_43], %broadcast_in_dim3A_3 {add = true} : memref<10112xf32, #tpu.memory_space<vmem>>[vector<16xi32>], vector<16xf32>,
        %get3A_44 = arith.index_cast %scan3A_41 : i32 to index
        %get3A_45 = arith.constant 16 : index
        %get3A_46 = tpu.vector_load %arg10[%get3A_44, %get3A_45] {strides = array<i32>} : memref<16x128xi32, #tpu.memory_space<vmem>>, vector<16xi32>,
        tpu.vector_store_idx %arg13[%get3A_46], %broadcast_in_dim3A_3 {add = true} : memref<10112xf32, #tpu.memory_space<vmem>>[vector<16xi32>], vector<16xf32>,
        %get3A_47 = arith.index_cast %scan3A_41 : i32 to index
        %get3A_48 = arith.constant 32 : index
        %get3A_49 = tpu.vector_load %arg10[%get3A_47, %get3A_48] {strides = array<i32>} : memref<16x128xi32, #tpu.memory_space<vmem>>, vector<16xi32>,
        tpu.vector_store_idx %arg13[%get3A_49], %broadcast_in_dim3A_3 {add = true} : memref<10112xf32, #tpu.memory_space<vmem>>[vector<16xi32>], vector<16xf32>,
        %get3A_50 = arith.index_cast %scan3A_41 : i32 to index
        %get3A_51 = arith.constant 48 : index
        %get3A_52 = tpu.vector_load %arg10[%get3A_50, %get3A_51] {strides = array<i32>} : memref<16x128xi32, #tpu.memory_space<vmem>>, vector<16xi32>,
        tpu.vector_store_idx %arg13[%get3A_52], %broadcast_in_dim3A_3 {add = true} : memref<10112xf32, #tpu.memory_space<vmem>>[vector<16xi32>], vector<16xf32>,
        %get3A_53 = arith.index_cast %scan3A_41 : i32 to index
        %get3A_54 = arith.constant 64 : index
        %get3A_55 = tpu.vector_load %arg10[%get3A_53, %get3A_54] {strides = array<i32>} : memref<16x128xi32, #tpu.memory_space<vmem>>, vector<16xi32>,
        tpu.vector_store_idx %arg13[%get3A_55], %broadcast_in_dim3A_3 {add = true} : memref<10112xf32, #tpu.memory_space<vmem>>[vector<16xi32>], vector<16xf32>,
        %get3A_56 = arith.index_cast %scan3A_41 : i32 to index
        %get3A_57 = arith.constant 80 : index
        %get3A_58 = tpu.vector_load %arg10[%get3A_56, %get3A_57] {strides = array<i32>} : memref<16x128xi32, #tpu.memory_space<vmem>>, vector<16xi32>,
        tpu.vector_store_idx %arg13[%get3A_58], %broadcast_in_dim3A_3 {add = true} : memref<10112xf32, #tpu.memory_space<vmem>>[vector<16xi32>], vector<16xf32>,
        %get3A_59 = arith.index_cast %scan3A_41 : i32 to index
        %get3A_60 = arith.constant 96 : index
        %get3A_61 = tpu.vector_load %arg10[%get3A_59, %get3A_60] {strides = array<i32>} : memref<16x128xi32, #tpu.memory_space<vmem>>, vector<16xi32>,
        tpu.vector_store_idx %arg13[%get3A_61], %broadcast_in_dim3A_3 {add = true} : memref<10112xf32, #tpu.memory_space<vmem>>[vector<16xi32>], vector<16xf32>,
        %get3A_62 = arith.index_cast %scan3A_41 : i32 to index
        %get3A_63 = arith.constant 112 : index
        %get3A_64 = tpu.vector_load %arg10[%get3A_62, %get3A_63] {strides = array<i32>} : memref<16x128xi32, #tpu.memory_space<vmem>>, vector<16xi32>,
        tpu.vector_store_idx %arg13[%get3A_64], %broadcast_in_dim3A_3 {add = true} : memref<10112xf32, #tpu.memory_space<vmem>>[vector<16xi32>], vector<16xf32>,
      }
      %scan3A_40 = arith.constant 16 : i32
    }
    %scan3A_10 = arith.constant 5 : i32
    %barrier3A_11 = arith.constant 0 : index
    tpu.barrier barrier_id(%barrier3A_11)
    "tpu.region"() ({
      %run_scoped3A = tpu.sem_alloc : memref<!tpu.dma_semaphore, #tpu.memory_space<semaphore_mem>>
      %dma_start3A = arith.constant 0 : i32
      %dma_start3A_12 = tpu.memref_slice %arg7[%arg0, %mul3A_2, %dma_start3A] : memref<2x10112x128xf32, #tpu.memory_space<hbm>> -> memref<1x632x128xf32, #tpu.memory_space<hbm>>
      %dma_start3A_13 = tpu.memref_squeeze %dma_start3A_12 : memref<1x632x128xf32, #tpu.memory_space<hbm>> -> memref<632x128xf32, #tpu.memory_space<hbm>>
      %dma_start3A_14 = arith.constant 0 : i32
      %dma_start3A_15 = tpu.memref_slice %arg14[%mul3A_2, %dma_start3A_14] : memref<10112x128xf32, #tpu.memory_space<vmem_shared>> -> memref<632x128xf32, #tpu.memory_space<vmem_shared>>
      tpu.enqueue_dma source(%dma_start3A_15 : memref<632x128xf32, #tpu.memory_space<vmem_shared>>) target(%dma_start3A_13 : memref<632x128xf32, #tpu.memory_space<hbm>>) target_semaphore(%run_scoped3A : memref<!tpu.dma_semaphore, #tpu.memory_space<semaphore_mem>>)
      %dma_wait3A = arith.constant 0 : i32
      %dma_wait3A_16 = tpu.memref_slice %arg7[%arg0, %mul3A_2, %dma_wait3A] : memref<2x10112x128xf32, #tpu.memory_space<hbm>> -> memref<1x632x128xf32, #tpu.memory_space<hbm>>
      %dma_wait3A_17 = tpu.memref_squeeze %dma_wait3A_16 : memref<1x632x128xf32, #tpu.memory_space<hbm>> -> memref<632x128xf32, #tpu.memory_space<hbm>>
      %dma_wait3A_18 = arith.constant 0 : i32
      %dma_wait3A_19 = tpu.memref_slice %arg14[%mul3A_2, %dma_wait3A_18] : memref<10112x128xf32, #tpu.memory_space<vmem_shared>> -> memref<632x128xf32, #tpu.memory_space<vmem_shared>>
      tpu.wait_dma2 semaphore(%run_scoped3A : memref<!tpu.dma_semaphore, #tpu.memory_space<semaphore_mem>>) src(%dma_wait3A_19 : memref<632x128xf32, #tpu.memory_space<vmem_shared>>) dst(%dma_wait3A_17 : memref<632x128xf32, #tpu.memory_space<hbm>>)
      tpu.yield
    }) : () -> ()
    "tpu.region"() ({
      %run_scoped3A = tpu.sem_alloc : memref<!tpu.dma_semaphore, #tpu.memory_space<semaphore_mem>>
      %dma_start3A = arith.constant 0 : i32
      %dma_start3A_12 = tpu.memref_slice %arg8[%add3A, %dma_start3A] : memref<32x10112xf32, #tpu.memory_space<hbm>> -> memref<1x10112xf32, #tpu.memory_space<hbm>>
      %dma_start3A_13 = tpu.memref_squeeze %dma_start3A_12 : memref<1x10112xf32, #tpu.memory_space<hbm>> -> memref<10112xf32, #tpu.memory_space<hbm>>
      %dma_start3A_14 = arith.constant 0 : i32
      %dma_start3A_15 = tpu.memref_slice %arg8[%add3A, %dma_start3A_14] : memref<32x10112xf32, #tpu.memory_space<hbm>> -> memref<1x10112xf32, #tpu.memory_space<hbm>>
      %dma_start3A_16 = tpu.memref_squeeze %dma_start3A_15 : memref<1x10112xf32, #tpu.memory_space<hbm>> -> memref<10112xf32, #tpu.memory_space<hbm>>
      tpu.enqueue_dma source(%arg13 : memref<10112xf32, #tpu.memory_space<vmem>>) target(%dma_start3A_16 : memref<10112xf32, #tpu.memory_space<hbm>>) target_semaphore(%run_scoped3A : memref<!tpu.dma_semaphore, #tpu.memory_space<semaphore_mem>>)
      %dma_wait3A = arith.constant 0 : i32
      %dma_wait3A_17 = tpu.memref_slice %arg8[%add3A, %dma_wait3A] : memref<32x10112xf32, #tpu.memory_space<hbm>> -> memref<1x10112xf32, #tpu.memory_space<hbm>>
      %dma_wait3A_18 = tpu.memref_squeeze %dma_wait3A_17 : memref<1x10112xf32, #tpu.memory_space<hbm>> -> memref<10112xf32, #tpu.memory_space<hbm>>
      %dma_wait3A_19 = arith.constant 0 : i32
      %dma_wait3A_20 = tpu.memref_slice %arg8[%add3A, %dma_wait3A_19] : memref<32x10112xf32, #tpu.memory_space<hbm>> -> memref<1x10112xf32, #tpu.memory_space<hbm>>
      %dma_wait3A_21 = tpu.memref_squeeze %dma_wait3A_20 : memref<1x10112xf32, #tpu.memory_space<hbm>> -> memref<10112xf32, #tpu.memory_space<hbm>>
      tpu.wait_dma2 semaphore(%run_scoped3A : memref<!tpu.dma_semaphore, #tpu.memory_space<semaphore_mem>>) src(%arg13 : memref<10112xf32, #tpu.memory_space<vmem>>) dst(%dma_wait3A_21 : memref<10112xf32, #tpu.memory_space<hbm>>)
      tpu.yield
    }) : () -> ()
    return
  }
}

#map = affine_map<(d0, d1) -> (0, 0)>
#map1 = affine_map<(d0, d1) -> (0)>
#map2 = affine_map<(d0, d1) -> (0, 0, 0)>
module attributes {stable_mosaic.version = 14 : i64} {
  func.func @k(%arg0: i32, %arg1: i32, %arg2: memref<10000x128xf32, #tpu.memory_space<hbm>>, %arg3: memref<2560x128xi32, #tpu.memory_space<hbm>>, %arg4: memref<2560x128xi32, #tpu.memory_space<hbm>>, %arg5: memref<10112x128xf32, #tpu.memory_space<hbm>>, %arg6: memref<10112xf32, #tpu.memory_space<hbm>>, %arg7: memref<2x10112x128xf32, #tpu.memory_space<hbm>>, %arg8: memref<32x10112xf32, #tpu.memory_space<hbm>>, %arg9: memref<16x128xi32, #tpu.memory_space<vmem>>, %arg10: memref<16x128xi32, #tpu.memory_space<vmem>>, %arg11: memref<128x128xf32, #tpu.memory_space<vmem>>, %arg12: memref<128x128xf32, #tpu.memory_space<vmem>>, %arg13: memref<10112xf32, #tpu.memory_space<vmem>>, %arg14: memref<10112x128xf32, #tpu.memory_space<vmem_shared>>, %arg15: memref<!tpu.dma_semaphore, #tpu.memory_space<semaphore_mem>>, %arg16: memref<!tpu.dma_semaphore, #tpu.memory_space<semaphore_mem>>, %arg17: memref<!tpu.dma_semaphore, #tpu.memory_space<semaphore_mem>>, %arg18: memref<!tpu.dma_semaphore, #tpu.memory_space<semaphore_mem>>) attributes {dimension_semantics = [#tpu.dimension_semantics<core_parallel>, #tpu.dimension_semantics<subcore_parallel>], iteration_bounds = array<i64: 2, 16>, scalar_prefetch = 0 : i64, scratch_operands = 10 : i64, tpu.core_type = #tpu.core_type<sc_vector_subcore>, window_params = [{transform_indices = #map}, {transform_indices = #map}, {transform_indices = #map}, {transform_indices = #map}, {transform_indices = #map1}, {transform_indices = #map2}, {transform_indices = #map}]} {
    %mul3A = arith.constant 2 : i32
    %mul3A_0 = arith.muli %arg1, %mul3A : i32
    %add3A = arith.addi %mul3A_0, %arg0 : i32
    %mul3A_1 = arith.constant 632 : i32
    %mul3A_2 = arith.muli %arg1, %mul3A_1 : i32
    "tpu.region"() ({
      %run_scoped3A = tpu.sem_alloc : memref<!tpu.dma_semaphore, #tpu.memory_space<semaphore_mem>>
      %dma_start3A = arith.constant 0 : i32
      %dma_start3A_12 = tpu.memref_slice %arg14[%mul3A_2, %dma_start3A] : memref<10112x128xf32, #tpu.memory_space<vmem_shared>> -> memref<632x128xf32, #tpu.memory_space<vmem_shared>>
      %dma_start3A_13 = arith.constant 0 : i32
      %dma_start3A_14 = tpu.memref_slice %arg5[%mul3A_2, %dma_start3A_13] : memref<10112x128xf32, #tpu.memory_space<hbm>> -> memref<632x128xf32, #tpu.memory_space<hbm>>
      tpu.enqueue_dma source(%dma_start3A_14 : memref<632x128xf32, #tpu.memory_space<hbm>>) target(%dma_start3A_12 : memref<632x128xf32, #tpu.memory_space<vmem_shared>>) target_semaphore(%run_scoped3A : memref<!tpu.dma_semaphore, #tpu.memory_space<semaphore_mem>>)
      %dma_wait3A = arith.constant 0 : i32
      %dma_wait3A_15 = tpu.memref_slice %arg14[%mul3A_2, %dma_wait3A] : memref<10112x128xf32, #tpu.memory_space<vmem_shared>> -> memref<632x128xf32, #tpu.memory_space<vmem_shared>>
      %dma_wait3A_16 = arith.constant 0 : i32
      %dma_wait3A_17 = tpu.memref_slice %arg5[%mul3A_2, %dma_wait3A_16] : memref<10112x128xf32, #tpu.memory_space<hbm>> -> memref<632x128xf32, #tpu.memory_space<hbm>>
      tpu.wait_dma2 semaphore(%run_scoped3A : memref<!tpu.dma_semaphore, #tpu.memory_space<semaphore_mem>>) src(%dma_wait3A_17 : memref<632x128xf32, #tpu.memory_space<hbm>>) dst(%dma_wait3A_15 : memref<632x128xf32, #tpu.memory_space<vmem_shared>>)
      tpu.yield
    }) : () -> ()
    "tpu.region"() ({
      %run_scoped3A = tpu.sem_alloc : memref<!tpu.dma_semaphore, #tpu.memory_space<semaphore_mem>>
      tpu.enqueue_dma source(%arg6 : memref<10112xf32, #tpu.memory_space<hbm>>) target(%arg13 : memref<10112xf32, #tpu.memory_space<vmem>>) target_semaphore(%run_scoped3A : memref<!tpu.dma_semaphore, #tpu.memory_space<semaphore_mem>>)
      tpu.wait_dma2 semaphore(%run_scoped3A : memref<!tpu.dma_semaphore, #tpu.memory_space<semaphore_mem>>) src(%arg6 : memref<10112xf32, #tpu.memory_space<hbm>>) dst(%arg13 : memref<10112xf32, #tpu.memory_space<vmem>>)
      tpu.yield
    }) : () -> ()
    %barrier3A = arith.constant 0 : index
    tpu.barrier barrier_id(%barrier3A)
    %broadcast_in_dim3A = arith.constant 1.000000e+00 : f32
    %broadcast_in_dim3A_3 = vector.broadcast %broadcast_in_dim3A : f32 to vector<16xf32>
    %mul3A_4 = arith.constant 80 : i32
    %mul3A_5 = arith.muli %add3A, %mul3A_4 : i32
    %scan3A = arith.constant 0 : i32
    %scan3A_6 = arith.constant 0 : i32
    %scan3A_7 = arith.constant 5 : i32
    %scan3A_8 = arith.addi %scan3A_6, %scan3A_7 : i32
    %scan3A_9 = arith.constant 1 : i32
    scf.for %scan3A_12 = %scan3A_6 to %scan3A_8 step %scan3A_9  : i32 {
      %mul3A_13 = arith.constant 16 : i32
      %mul3A_14 = arith.muli %scan3A_12, %mul3A_13 : i32
      %add3A_15 = arith.addi %mul3A_5, %mul3A_14 : i32
      "tpu.region"() ({
        %run_scoped3A = tpu.sem_alloc : memref<!tpu.dma_semaphore, #tpu.memory_space<semaphore_mem>>
        %dma_start3A_41 = arith.constant 0 : i32
        %dma_start3A_42 = tpu.memref_slice %arg3[%add3A_15, %dma_start3A_41] : memref<2560x128xi32, #tpu.memory_space<hbm>> -> memref<16x128xi32, #tpu.memory_space<hbm>>
        %dma_start3A_43 = arith.constant 0 : i32
        %dma_start3A_44 = tpu.memref_slice %arg3[%add3A_15, %dma_start3A_43] : memref<2560x128xi32, #tpu.memory_space<hbm>> -> memref<16x128xi32, #tpu.memory_space<hbm>>
        tpu.enqueue_dma source(%dma_start3A_44 : memref<16x128xi32, #tpu.memory_space<hbm>>) target(%arg9 : memref<16x128xi32, #tpu.memory_space<vmem>>) target_semaphore(%run_scoped3A : memref<!tpu.dma_semaphore, #tpu.memory_space<semaphore_mem>>)
        %dma_wait3A = arith.constant 0 : i32
        %dma_wait3A_45 = tpu.memref_slice %arg3[%add3A_15, %dma_wait3A] : memref<2560x128xi32, #tpu.memory_space<hbm>> -> memref<16x128xi32, #tpu.memory_space<hbm>>
        %dma_wait3A_46 = arith.constant 0 : i32
        %dma_wait3A_47 = tpu.memref_slice %arg3[%add3A_15, %dma_wait3A_46] : memref<2560x128xi32, #tpu.memory_space<hbm>> -> memref<16x128xi32, #tpu.memory_space<hbm>>
        tpu.wait_dma2 semaphore(%run_scoped3A : memref<!tpu.dma_semaphore, #tpu.memory_space<semaphore_mem>>) src(%dma_wait3A_47 : memref<16x128xi32, #tpu.memory_space<hbm>>) dst(%arg9 : memref<16x128xi32, #tpu.memory_space<vmem>>)
        tpu.yield
      }) : () -> ()
      "tpu.region"() ({
        %run_scoped3A = tpu.sem_alloc : memref<!tpu.dma_semaphore, #tpu.memory_space<semaphore_mem>>
        %dma_start3A_41 = arith.constant 0 : i32
        %dma_start3A_42 = tpu.memref_slice %arg4[%add3A_15, %dma_start3A_41] : memref<2560x128xi32, #tpu.memory_space<hbm>> -> memref<16x128xi32, #tpu.memory_space<hbm>>
        %dma_start3A_43 = arith.constant 0 : i32
        %dma_start3A_44 = tpu.memref_slice %arg4[%add3A_15, %dma_start3A_43] : memref<2560x128xi32, #tpu.memory_space<hbm>> -> memref<16x128xi32, #tpu.memory_space<hbm>>
        tpu.enqueue_dma source(%dma_start3A_44 : memref<16x128xi32, #tpu.memory_space<hbm>>) target(%arg10 : memref<16x128xi32, #tpu.memory_space<vmem>>) target_semaphore(%run_scoped3A : memref<!tpu.dma_semaphore, #tpu.memory_space<semaphore_mem>>)
        %dma_wait3A = arith.constant 0 : i32
        %dma_wait3A_45 = tpu.memref_slice %arg4[%add3A_15, %dma_wait3A] : memref<2560x128xi32, #tpu.memory_space<hbm>> -> memref<16x128xi32, #tpu.memory_space<hbm>>
        %dma_wait3A_46 = arith.constant 0 : i32
        %dma_wait3A_47 = tpu.memref_slice %arg4[%add3A_15, %dma_wait3A_46] : memref<2560x128xi32, #tpu.memory_space<hbm>> -> memref<16x128xi32, #tpu.memory_space<hbm>>
        tpu.wait_dma2 semaphore(%run_scoped3A : memref<!tpu.dma_semaphore, #tpu.memory_space<semaphore_mem>>) src(%dma_wait3A_47 : memref<16x128xi32, #tpu.memory_space<hbm>>) dst(%arg10 : memref<16x128xi32, #tpu.memory_space<vmem>>)
        tpu.yield
      }) : () -> ()
      %dma_start3A = arith.constant 0 : i32
      %dma_start3A_16 = arith.constant 0 : i32
      %dma_start3A_17 = tpu.memref_slice %arg9[%dma_start3A, %dma_start3A_16] : memref<16x128xi32, #tpu.memory_space<vmem>> -> memref<1x128xi32, #tpu.memory_space<vmem>>
      %dma_start3A_18 = tpu.memref_squeeze %dma_start3A_17 : memref<1x128xi32, #tpu.memory_space<vmem>> -> memref<128xi32, #tpu.memory_space<vmem>>
      %dma_start3A_19 = arith.constant 0 : i32
      %dma_start3A_20 = arith.constant 0 : i32
      %dma_start3A_21 = tpu.memref_slice %arg2[%dma_start3A_19, %dma_start3A_20] : memref<10000x128xf32, #tpu.memory_space<hbm>> -> memref<10000x128xf32, #tpu.memory_space<hbm>>
      tpu.enqueue_indirect_dma source(%dma_start3A_21 : memref<10000x128xf32, #tpu.memory_space<hbm>>) target(%arg11 : memref<128x128xf32, #tpu.memory_space<vmem>>) offsets(%dma_start3A_18 : memref<128xi32, #tpu.memory_space<vmem>>) semaphore(%arg15 : memref<!tpu.dma_semaphore, #tpu.memory_space<semaphore_mem>>)
      %dma_start3A_22 = arith.constant 1 : i32
      %dma_start3A_23 = arith.constant 0 : i32
      %dma_start3A_24 = tpu.memref_slice %arg9[%dma_start3A_22, %dma_start3A_23] : memref<16x128xi32, #tpu.memory_space<vmem>> -> memref<1x128xi32, #tpu.memory_space<vmem>>
      %dma_start3A_25 = tpu.memref_squeeze %dma_start3A_24 : memref<1x128xi32, #tpu.memory_space<vmem>> -> memref<128xi32, #tpu.memory_space<vmem>>
      %dma_start3A_26 = arith.constant 0 : i32
      %dma_start3A_27 = arith.constant 0 : i32
      %dma_start3A_28 = tpu.memref_slice %arg2[%dma_start3A_26, %dma_start3A_27] : memref<10000x128xf32, #tpu.memory_space<hbm>> -> memref<10000x128xf32, #tpu.memory_space<hbm>>
      tpu.enqueue_indirect_dma source(%dma_start3A_28 : memref<10000x128xf32, #tpu.memory_space<hbm>>) target(%arg12 : memref<128x128xf32, #tpu.memory_space<vmem>>) offsets(%dma_start3A_25 : memref<128xi32, #tpu.memory_space<vmem>>) semaphore(%arg16 : memref<!tpu.dma_semaphore, #tpu.memory_space<semaphore_mem>>)
      %scan3A_29 = arith.constant 0 : i32
      %scan3A_30 = arith.constant 0 : i32
      %scan3A_31 = arith.constant 8 : i32
      %scan3A_32 = arith.addi %scan3A_30, %scan3A_31 : i32
      %scan3A_33 = arith.constant 1 : i32
      scf.for %scan3A_41 = %scan3A_30 to %scan3A_32 step %scan3A_33  : i32 {
        %mul3A_42 = arith.constant 2 : i32
        %mul3A_43 = arith.muli %mul3A_42, %scan3A_41 : i32
        %mul3A_44 = arith.constant 2 : i32
        %mul3A_45 = arith.muli %mul3A_44, %scan3A_41 : i32
        %add3A_46 = arith.constant 1 : i32
        %add3A_47 = arith.addi %mul3A_45, %add3A_46 : i32
        %dma_wait3A = arith.constant 0 : i32
        %dma_wait3A_48 = tpu.memref_slice %arg9[%mul3A_43, %dma_wait3A] : memref<16x128xi32, #tpu.memory_space<vmem>> -> memref<1x128xi32, #tpu.memory_space<vmem>>
        %dma_wait3A_49 = tpu.memref_squeeze %dma_wait3A_48 : memref<1x128xi32, #tpu.memory_space<vmem>> -> memref<128xi32, #tpu.memory_space<vmem>>
        %dma_wait3A_50 = arith.constant 0 : i32
        %dma_wait3A_51 = arith.constant 0 : i32
        %dma_wait3A_52 = tpu.memref_slice %arg2[%dma_wait3A_50, %dma_wait3A_51] : memref<10000x128xf32, #tpu.memory_space<hbm>> -> memref<10000x128xf32, #tpu.memory_space<hbm>>
        tpu.wait_indirect_dma semaphore(%arg15 : memref<!tpu.dma_semaphore, #tpu.memory_space<semaphore_mem>>) src(%dma_wait3A_52 : memref<10000x128xf32, #tpu.memory_space<hbm>>) dst(%arg11 : memref<128x128xf32, #tpu.memory_space<vmem>>)
        %dma_start3A_53 = arith.constant 0 : i32
        %dma_start3A_54 = tpu.memref_slice %arg10[%mul3A_43, %dma_start3A_53] : memref<16x128xi32, #tpu.memory_space<vmem>> -> memref<1x128xi32, #tpu.memory_space<vmem>>
        %dma_start3A_55 = tpu.memref_squeeze %dma_start3A_54 : memref<1x128xi32, #tpu.memory_space<vmem>> -> memref<128xi32, #tpu.memory_space<vmem>>
        %dma_start3A_56 = arith.constant 0 : i32
        %dma_start3A_57 = arith.constant 0 : i32
        %dma_start3A_58 = tpu.memref_slice %arg14[%dma_start3A_56, %dma_start3A_57] : memref<10112x128xf32, #tpu.memory_space<vmem_shared>> -> memref<10112x128xf32, #tpu.memory_space<vmem_shared>>
        tpu.enqueue_indirect_dma source(%arg11 : memref<128x128xf32, #tpu.memory_space<vmem>>) target(%dma_start3A_58 : memref<10112x128xf32, #tpu.memory_space<vmem_shared>>) offsets(%dma_start3A_55 : memref<128xi32, #tpu.memory_space<vmem>>) semaphore(%arg17 : memref<!tpu.dma_semaphore, #tpu.memory_space<semaphore_mem>>) {add = true}
        %dma_wait3A_59 = arith.constant 0 : i32
        %dma_wait3A_60 = tpu.memref_slice %arg10[%mul3A_43, %dma_wait3A_59] : memref<16x128xi32, #tpu.memory_space<vmem>> -> memref<1x128xi32, #tpu.memory_space<vmem>>
        %dma_wait3A_61 = tpu.memref_squeeze %dma_wait3A_60 : memref<1x128xi32, #tpu.memory_space<vmem>> -> memref<128xi32, #tpu.memory_space<vmem>>
        %dma_wait3A_62 = arith.constant 0 : i32
        %dma_wait3A_63 = arith.constant 0 : i32
        %dma_wait3A_64 = tpu.memref_slice %arg14[%dma_wait3A_62, %dma_wait3A_63] : memref<10112x128xf32, #tpu.memory_space<vmem_shared>> -> memref<10112x128xf32, #tpu.memory_space<vmem_shared>>
        tpu.wait_indirect_dma semaphore(%arg17 : memref<!tpu.dma_semaphore, #tpu.memory_space<semaphore_mem>>) src(%arg11 : memref<128x128xf32, #tpu.memory_space<vmem>>) dst(%dma_wait3A_64 : memref<10112x128xf32, #tpu.memory_space<vmem_shared>>)
        %add3A_65 = arith.constant 2 : i32
        %add3A_66 = arith.addi %mul3A_43, %add3A_65 : i32
        %lt3A = arith.constant 16 : i32
        %lt3A_67 = arith.cmpi slt, %add3A_66, %lt3A : i32
        %convert_element_type3A = arith.extui %lt3A_67 : i1 to i32
        %cond3A = arith.constant 0 : i32
        %cond3A_68 = arith.cmpi ne, %convert_element_type3A, %cond3A : i32
        scf.if %cond3A_68 {
          %add3A_94 = arith.constant 2 : i32
          %add3A_95 = arith.addi %mul3A_43, %add3A_94 : i32
          %dma_start3A_96 = arith.constant 0 : i32
          %dma_start3A_97 = tpu.memref_slice %arg9[%add3A_95, %dma_start3A_96] : memref<16x128xi32, #tpu.memory_space<vmem>> -> memref<1x128xi32, #tpu.memory_space<vmem>>
          %dma_start3A_98 = tpu.memref_squeeze %dma_start3A_97 : memref<1x128xi32, #tpu.memory_space<vmem>> -> memref<128xi32, #tpu.memory_space<vmem>>
          %dma_start3A_99 = arith.constant 0 : i32
          %dma_start3A_100 = arith.constant 0 : i32
          %dma_start3A_101 = tpu.memref_slice %arg2[%dma_start3A_99, %dma_start3A_100] : memref<10000x128xf32, #tpu.memory_space<hbm>> -> memref<10000x128xf32, #tpu.memory_space<hbm>>
          tpu.enqueue_indirect_dma source(%dma_start3A_101 : memref<10000x128xf32, #tpu.memory_space<hbm>>) target(%arg11 : memref<128x128xf32, #tpu.memory_space<vmem>>) offsets(%dma_start3A_98 : memref<128xi32, #tpu.memory_space<vmem>>) semaphore(%arg15 : memref<!tpu.dma_semaphore, #tpu.memory_space<semaphore_mem>>)
        } else {
        }
        %dma_wait3A_69 = arith.constant 0 : i32
        %dma_wait3A_70 = tpu.memref_slice %arg9[%add3A_47, %dma_wait3A_69] : memref<16x128xi32, #tpu.memory_space<vmem>> -> memref<1x128xi32, #tpu.memory_space<vmem>>
        %dma_wait3A_71 = tpu.memref_squeeze %dma_wait3A_70 : memref<1x128xi32, #tpu.memory_space<vmem>> -> memref<128xi32, #tpu.memory_space<vmem>>
        %dma_wait3A_72 = arith.constant 0 : i32
        %dma_wait3A_73 = arith.constant 0 : i32
        %dma_wait3A_74 = tpu.memref_slice %arg2[%dma_wait3A_72, %dma_wait3A_73] : memref<10000x128xf32, #tpu.memory_space<hbm>> -> memref<10000x128xf32, #tpu.memory_space<hbm>>
        tpu.wait_indirect_dma semaphore(%arg16 : memref<!tpu.dma_semaphore, #tpu.memory_space<semaphore_mem>>) src(%dma_wait3A_74 : memref<10000x128xf32, #tpu.memory_space<hbm>>) dst(%arg12 : memref<128x128xf32, #tpu.memory_space<vmem>>)
        %dma_start3A_75 = arith.constant 0 : i32
        %dma_start3A_76 = tpu.memref_slice %arg10[%add3A_47, %dma_start3A_75] : memref<16x128xi32, #tpu.memory_space<vmem>> -> memref<1x128xi32, #tpu.memory_space<vmem>>
        %dma_start3A_77 = tpu.memref_squeeze %dma_start3A_76 : memref<1x128xi32, #tpu.memory_space<vmem>> -> memref<128xi32, #tpu.memory_space<vmem>>
        %dma_start3A_78 = arith.constant 0 : i32
        %dma_start3A_79 = arith.constant 0 : i32
        %dma_start3A_80 = tpu.memref_slice %arg14[%dma_start3A_78, %dma_start3A_79] : memref<10112x128xf32, #tpu.memory_space<vmem_shared>> -> memref<10112x128xf32, #tpu.memory_space<vmem_shared>>
        tpu.enqueue_indirect_dma source(%arg12 : memref<128x128xf32, #tpu.memory_space<vmem>>) target(%dma_start3A_80 : memref<10112x128xf32, #tpu.memory_space<vmem_shared>>) offsets(%dma_start3A_77 : memref<128xi32, #tpu.memory_space<vmem>>) semaphore(%arg18 : memref<!tpu.dma_semaphore, #tpu.memory_space<semaphore_mem>>) {add = true}
        %dma_wait3A_81 = arith.constant 0 : i32
        %dma_wait3A_82 = tpu.memref_slice %arg10[%add3A_47, %dma_wait3A_81] : memref<16x128xi32, #tpu.memory_space<vmem>> -> memref<1x128xi32, #tpu.memory_space<vmem>>
        %dma_wait3A_83 = tpu.memref_squeeze %dma_wait3A_82 : memref<1x128xi32, #tpu.memory_space<vmem>> -> memref<128xi32, #tpu.memory_space<vmem>>
        %dma_wait3A_84 = arith.constant 0 : i32
        %dma_wait3A_85 = arith.constant 0 : i32
        %dma_wait3A_86 = tpu.memref_slice %arg14[%dma_wait3A_84, %dma_wait3A_85] : memref<10112x128xf32, #tpu.memory_space<vmem_shared>> -> memref<10112x128xf32, #tpu.memory_space<vmem_shared>>
        tpu.wait_indirect_dma semaphore(%arg18 : memref<!tpu.dma_semaphore, #tpu.memory_space<semaphore_mem>>) src(%arg12 : memref<128x128xf32, #tpu.memory_space<vmem>>) dst(%dma_wait3A_86 : memref<10112x128xf32, #tpu.memory_space<vmem_shared>>)
        %add3A_87 = arith.constant 2 : i32
        %add3A_88 = arith.addi %add3A_47, %add3A_87 : i32
        %lt3A_89 = arith.constant 16 : i32
        %lt3A_90 = arith.cmpi slt, %add3A_88, %lt3A_89 : i32
        %convert_element_type3A_91 = arith.extui %lt3A_90 : i1 to i32
        %cond3A_92 = arith.constant 0 : i32
        %cond3A_93 = arith.cmpi ne, %convert_element_type3A_91, %cond3A_92 : i32
        scf.if %cond3A_93 {
          %add3A_94 = arith.constant 2 : i32
          %add3A_95 = arith.addi %add3A_47, %add3A_94 : i32
          %dma_start3A_96 = arith.constant 0 : i32
          %dma_start3A_97 = tpu.memref_slice %arg9[%add3A_95, %dma_start3A_96] : memref<16x128xi32, #tpu.memory_space<vmem>> -> memref<1x128xi32, #tpu.memory_space<vmem>>
          %dma_start3A_98 = tpu.memref_squeeze %dma_start3A_97 : memref<1x128xi32, #tpu.memory_space<vmem>> -> memref<128xi32, #tpu.memory_space<vmem>>
          %dma_start3A_99 = arith.constant 0 : i32
          %dma_start3A_100 = arith.constant 0 : i32
          %dma_start3A_101 = tpu.memref_slice %arg2[%dma_start3A_99, %dma_start3A_100] : memref<10000x128xf32, #tpu.memory_space<hbm>> -> memref<10000x128xf32, #tpu.memory_space<hbm>>
          tpu.enqueue_indirect_dma source(%dma_start3A_101 : memref<10000x128xf32, #tpu.memory_space<hbm>>) target(%arg12 : memref<128x128xf32, #tpu.memory_space<vmem>>) offsets(%dma_start3A_98 : memref<128xi32, #tpu.memory_space<vmem>>) semaphore(%arg16 : memref<!tpu.dma_semaphore, #tpu.memory_space<semaphore_mem>>)
        } else {
        }
      }
      %scan3A_34 = arith.constant 8 : i32
      %scan3A_35 = arith.constant 0 : i32
      %scan3A_36 = arith.constant 0 : i32
      %scan3A_37 = arith.constant 16 : i32
      %scan3A_38 = arith.addi %scan3A_36, %scan3A_37 : i32
      %scan3A_39 = arith.constant 1 : i32
      scf.for %scan3A_41 = %scan3A_36 to %scan3A_38 step %scan3A_39  : i32 {
        %get3A = arith.index_cast %scan3A_41 : i32 to index
        %get3A_42 = arith.constant 0 : index
        %get3A_43 = tpu.vector_load %arg10[%get3A, %get3A_42] {strides = array<i32>} : memref<16x128xi32, #tpu.memory_space<vmem>>, vector<16xi32>,
        tpu.vector_store_idx %arg13[%get3A_43], %broadcast_in_dim3A_3 {add = true} : memref<10112xf32, #tpu.memory_space<vmem>>[vector<16xi32>], vector<16xf32>,
        %get3A_44 = arith.index_cast %scan3A_41 : i32 to index
        %get3A_45 = arith.constant 16 : index
        %get3A_46 = tpu.vector_load %arg10[%get3A_44, %get3A_45] {strides = array<i32>} : memref<16x128xi32, #tpu.memory_space<vmem>>, vector<16xi32>,
        tpu.vector_store_idx %arg13[%get3A_46], %broadcast_in_dim3A_3 {add = true} : memref<10112xf32, #tpu.memory_space<vmem>>[vector<16xi32>], vector<16xf32>,
        %get3A_47 = arith.index_cast %scan3A_41 : i32 to index
        %get3A_48 = arith.constant 32 : index
        %get3A_49 = tpu.vector_load %arg10[%get3A_47, %get3A_48] {strides = array<i32>} : memref<16x128xi32, #tpu.memory_space<vmem>>, vector<16xi32>,
        tpu.vector_store_idx %arg13[%get3A_49], %broadcast_in_dim3A_3 {add = true} : memref<10112xf32, #tpu.memory_space<vmem>>[vector<16xi32>], vector<16xf32>,
        %get3A_50 = arith.index_cast %scan3A_41 : i32 to index
        %get3A_51 = arith.constant 48 : index
        %get3A_52 = tpu.vector_load %arg10[%get3A_50, %get3A_51] {strides = array<i32>} : memref<16x128xi32, #tpu.memory_space<vmem>>, vector<16xi32>,
        tpu.vector_store_idx %arg13[%get3A_52], %broadcast_in_dim3A_3 {add = true} : memref<10112xf32, #tpu.memory_space<vmem>>[vector<16xi32>], vector<16xf32>,
        %get3A_53 = arith.index_cast %scan3A_41 : i32 to index
        %get3A_54 = arith.constant 64 : index
        %get3A_55 = tpu.vector_load %arg10[%get3A_53, %get3A_54] {strides = array<i32>} : memref<16x128xi32, #tpu.memory_space<vmem>>, vector<16xi32>,
        tpu.vector_store_idx %arg13[%get3A_55], %broadcast_in_dim3A_3 {add = true} : memref<10112xf32, #tpu.memory_space<vmem>>[vector<16xi32>], vector<16xf32>,
        %get3A_56 = arith.index_cast %scan3A_41 : i32 to index
        %get3A_57 = arith.constant 80 : index
        %get3A_58 = tpu.vector_load %arg10[%get3A_56, %get3A_57] {strides = array<i32>} : memref<16x128xi32, #tpu.memory_space<vmem>>, vector<16xi32>,
        tpu.vector_store_idx %arg13[%get3A_58], %broadcast_in_dim3A_3 {add = true} : memref<10112xf32, #tpu.memory_space<vmem>>[vector<16xi32>], vector<16xf32>,
        %get3A_59 = arith.index_cast %scan3A_41 : i32 to index
        %get3A_60 = arith.constant 96 : index
        %get3A_61 = tpu.vector_load %arg10[%get3A_59, %get3A_60] {strides = array<i32>} : memref<16x128xi32, #tpu.memory_space<vmem>>, vector<16xi32>,
        tpu.vector_store_idx %arg13[%get3A_61], %broadcast_in_dim3A_3 {add = true} : memref<10112xf32, #tpu.memory_space<vmem>>[vector<16xi32>], vector<16xf32>,
        %get3A_62 = arith.index_cast %scan3A_41 : i32 to index
        %get3A_63 = arith.constant 112 : index
        %get3A_64 = tpu.vector_load %arg10[%get3A_62, %get3A_63] {strides = array<i32>} : memref<16x128xi32, #tpu.memory_space<vmem>>, vector<16xi32>,
        tpu.vector_store_idx %arg13[%get3A_64], %broadcast_in_dim3A_3 {add = true} : memref<10112xf32, #tpu.memory_space<vmem>>[vector<16xi32>], vector<16xf32>,
      }
      %scan3A_40 = arith.constant 16 : i32
    }
    %scan3A_10 = arith.constant 5 : i32
    %barrier3A_11 = arith.constant 0 : index
    tpu.barrier barrier_id(%barrier3A_11)
    "tpu.region"() ({
      %run_scoped3A = tpu.sem_alloc : memref<!tpu.dma_semaphore, #tpu.memory_space<semaphore_mem>>
      %dma_start3A = arith.constant 0 : i32
      %dma_start3A_12 = tpu.memref_slice %arg7[%arg0, %mul3A_2, %dma_start3A] : memref<2x10112x128xf32, #tpu.memory_space<hbm>> -> memref<1x632x128xf32, #tpu.memory_space<hbm>>
      %dma_start3A_13 = tpu.memref_squeeze %dma_start3A_12 : memref<1x632x128xf32, #tpu.memory_space<hbm>> -> memref<632x128xf32, #tpu.memory_space<hbm>>
      %dma_start3A_14 = arith.constant 0 : i32
      %dma_start3A_15 = tpu.memref_slice %arg14[%mul3A_2, %dma_start3A_14] : memref<10112x128xf32, #tpu.memory_space<vmem_shared>> -> memref<632x128xf32, #tpu.memory_space<vmem_shared>>
      tpu.enqueue_dma source(%dma_start3A_15 : memref<632x128xf32, #tpu.memory_space<vmem_shared>>) target(%dma_start3A_13 : memref<632x128xf32, #tpu.memory_space<hbm>>) target_semaphore(%run_scoped3A : memref<!tpu.dma_semaphore, #tpu.memory_space<semaphore_mem>>)
      %dma_wait3A = arith.constant 0 : i32
      %dma_wait3A_16 = tpu.memref_slice %arg7[%arg0, %mul3A_2, %dma_wait3A] : memref<2x10112x128xf32, #tpu.memory_space<hbm>> -> memref<1x632x128xf32, #tpu.memory_space<hbm>>
      %dma_wait3A_17 = tpu.memref_squeeze %dma_wait3A_16 : memref<1x632x128xf32, #tpu.memory_space<hbm>> -> memref<632x128xf32, #tpu.memory_space<hbm>>
      %dma_wait3A_18 = arith.constant 0 : i32
      %dma_wait3A_19 = tpu.memref_slice %arg14[%mul3A_2, %dma_wait3A_18] : memref<10112x128xf32, #tpu.memory_space<vmem_shared>> -> memref<632x128xf32, #tpu.memory_space<vmem_shared>>
      tpu.wait_dma2 semaphore(%run_scoped3A : memref<!tpu.dma_semaphore, #tpu.memory_space<semaphore_mem>>) src(%dma_wait3A_19 : memref<632x128xf32, #tpu.memory_space<vmem_shared>>) dst(%dma_wait3A_17 : memref<632x128xf32, #tpu.memory_space<hbm>>)
      tpu.yield
    }) : () -> ()
    "tpu.region"() ({
      %run_scoped3A = tpu.sem_alloc : memref<!tpu.dma_semaphore, #tpu.memory_space<semaphore_mem>>
      %dma_start3A = arith.constant 0 : i32
      %dma_start3A_12 = tpu.memref_slice %arg8[%add3A, %dma_start3A] : memref<32x10112xf32, #tpu.memory_space<hbm>> -> memref<1x10112xf32, #tpu.memory_space<hbm>>
      %dma_start3A_13 = tpu.memref_squeeze %dma_start3A_12 : memref<1x10112xf32, #tpu.memory_space<hbm>> -> memref<10112xf32, #tpu.memory_space<hbm>>
      %dma_start3A_14 = arith.constant 0 : i32
      %dma_start3A_15 = tpu.memref_slice %arg8[%add3A, %dma_start3A_14] : memref<32x10112xf32, #tpu.memory_space<hbm>> -> memref<1x10112xf32, #tpu.memory_space<hbm>>
      %dma_start3A_16 = tpu.memref_squeeze %dma_start3A_15 : memref<1x10112xf32, #tpu.memory_space<hbm>> -> memref<10112xf32, #tpu.memory_space<hbm>>
      tpu.enqueue_dma source(%arg13 : memref<10112xf32, #tpu.memory_space<vmem>>) target(%dma_start3A_16 : memref<10112xf32, #tpu.memory_space<hbm>>) target_semaphore(%run_scoped3A : memref<!tpu.dma_semaphore, #tpu.memory_space<semaphore_mem>>)
      %dma_wait3A = arith.constant 0 : i32
      %dma_wait3A_17 = tpu.memref_slice %arg8[%add3A, %dma_wait3A] : memref<32x10112xf32, #tpu.memory_space<hbm>> -> memref<1x10112xf32, #tpu.memory_space<hbm>>
      %dma_wait3A_18 = tpu.memref_squeeze %dma_wait3A_17 : memref<1x10112xf32, #tpu.memory_space<hbm>> -> memref<10112xf32, #tpu.memory_space<hbm>>
      %dma_wait3A_19 = arith.constant 0 : i32
      %dma_wait3A_20 = tpu.memref_slice %arg8[%add3A, %dma_wait3A_19] : memref<32x10112xf32, #tpu.memory_space<hbm>> -> memref<1x10112xf32, #tpu.memory_space<hbm>>
      %dma_wait3A_21 = tpu.memref_squeeze %dma_wait3A_20 : memref<1x10112xf32, #tpu.memory_space<hbm>> -> memref<10112xf32, #tpu.memory_space<hbm>>
      tpu.wait_dma2 semaphore(%run_scoped3A : memref<!tpu.dma_semaphore, #tpu.memory_space<semaphore_mem>>) src(%arg13 : memref<10112xf32, #tpu.memory_space<vmem>>) dst(%dma_wait3A_21 : memref<10112xf32, #tpu.memory_space<hbm>>)
      tpu.yield
    }) : () -> ()
    return
  }
}

#map = affine_map<(d0, d1) -> (0, 0)>
#map1 = affine_map<(d0, d1) -> (0)>
#map2 = affine_map<(d0, d1) -> (0, 0, 0)>
module attributes {stable_mosaic.version = 14 : i64} {
  func.func @k(%arg0: i32, %arg1: i32, %arg2: memref<10000x128xf32, #tpu.memory_space<hbm>>, %arg3: memref<2560x128xi32, #tpu.memory_space<hbm>>, %arg4: memref<2560x128xi32, #tpu.memory_space<hbm>>, %arg5: memref<10112x128xf32, #tpu.memory_space<hbm>>, %arg6: memref<10112xf32, #tpu.memory_space<hbm>>, %arg7: memref<2x10112x128xf32, #tpu.memory_space<hbm>>, %arg8: memref<16x128xi32, #tpu.memory_space<vmem>>, %arg9: memref<16x128xi32, #tpu.memory_space<vmem>>, %arg10: memref<128x128xf32, #tpu.memory_space<vmem>>, %arg11: memref<128x128xf32, #tpu.memory_space<vmem>>, %arg12: memref<10112x128xf32, #tpu.memory_space<vmem_shared>>, %arg13: memref<!tpu.dma_semaphore, #tpu.memory_space<semaphore_mem>>, %arg14: memref<!tpu.dma_semaphore, #tpu.memory_space<semaphore_mem>>, %arg15: memref<!tpu.dma_semaphore, #tpu.memory_space<semaphore_mem>>, %arg16: memref<!tpu.dma_semaphore, #tpu.memory_space<semaphore_mem>>) attributes {dimension_semantics = [#tpu.dimension_semantics<core_parallel>, #tpu.dimension_semantics<subcore_parallel>], iteration_bounds = array<i64: 2, 16>, scalar_prefetch = 0 : i64, scratch_operands = 9 : i64, tpu.core_type = #tpu.core_type<sc_vector_subcore>, window_params = [{transform_indices = #map}, {transform_indices = #map}, {transform_indices = #map}, {transform_indices = #map}, {transform_indices = #map1}, {transform_indices = #map2}]} {
    %mul3A = arith.constant 2 : i32
    %mul3A_0 = arith.muli %arg1, %mul3A : i32
    %add3A = arith.addi %mul3A_0, %arg0 : i32
    %mul3A_1 = arith.constant 632 : i32
    %mul3A_2 = arith.muli %arg1, %mul3A_1 : i32
    "tpu.region"() ({
      %run_scoped3A = tpu.sem_alloc : memref<!tpu.dma_semaphore, #tpu.memory_space<semaphore_mem>>
      %dma_start3A = arith.constant 0 : i32
      %dma_start3A_12 = tpu.memref_slice %arg12[%mul3A_2, %dma_start3A] : memref<10112x128xf32, #tpu.memory_space<vmem_shared>> -> memref<632x128xf32, #tpu.memory_space<vmem_shared>>
      %dma_start3A_13 = arith.constant 0 : i32
      %dma_start3A_14 = tpu.memref_slice %arg5[%mul3A_2, %dma_start3A_13] : memref<10112x128xf32, #tpu.memory_space<hbm>> -> memref<632x128xf32, #tpu.memory_space<hbm>>
      tpu.enqueue_dma source(%dma_start3A_14 : memref<632x128xf32, #tpu.memory_space<hbm>>) target(%dma_start3A_12 : memref<632x128xf32, #tpu.memory_space<vmem_shared>>) target_semaphore(%run_scoped3A : memref<!tpu.dma_semaphore, #tpu.memory_space<semaphore_mem>>)
      %dma_wait3A = arith.constant 0 : i32
      %dma_wait3A_15 = tpu.memref_slice %arg12[%mul3A_2, %dma_wait3A] : memref<10112x128xf32, #tpu.memory_space<vmem_shared>> -> memref<632x128xf32, #tpu.memory_space<vmem_shared>>
      %dma_wait3A_16 = arith.constant 0 : i32
      %dma_wait3A_17 = tpu.memref_slice %arg5[%mul3A_2, %dma_wait3A_16] : memref<10112x128xf32, #tpu.memory_space<hbm>> -> memref<632x128xf32, #tpu.memory_space<hbm>>
      tpu.wait_dma2 semaphore(%run_scoped3A : memref<!tpu.dma_semaphore, #tpu.memory_space<semaphore_mem>>) src(%dma_wait3A_17 : memref<632x128xf32, #tpu.memory_space<hbm>>) dst(%dma_wait3A_15 : memref<632x128xf32, #tpu.memory_space<vmem_shared>>)
      tpu.yield
    }) : () -> ()
    %barrier3A = arith.constant 0 : index
    tpu.barrier barrier_id(%barrier3A)
    %broadcast_in_dim3A = arith.constant 1.000000e+00 : f32
    %broadcast_in_dim3A_3 = vector.broadcast %broadcast_in_dim3A : f32 to vector<16xf32>
    %mul3A_4 = arith.constant 80 : i32
    %mul3A_5 = arith.muli %add3A, %mul3A_4 : i32
    %scan3A = arith.constant 0 : i32
    %scan3A_6 = arith.constant 0 : i32
    %scan3A_7 = arith.constant 5 : i32
    %scan3A_8 = arith.addi %scan3A_6, %scan3A_7 : i32
    %scan3A_9 = arith.constant 1 : i32
    scf.for %scan3A_12 = %scan3A_6 to %scan3A_8 step %scan3A_9  : i32 {
      %mul3A_13 = arith.constant 16 : i32
      %mul3A_14 = arith.muli %scan3A_12, %mul3A_13 : i32
      %add3A_15 = arith.addi %mul3A_5, %mul3A_14 : i32
      "tpu.region"() ({
        %run_scoped3A = tpu.sem_alloc : memref<!tpu.dma_semaphore, #tpu.memory_space<semaphore_mem>>
        %dma_start3A_35 = arith.constant 0 : i32
        %dma_start3A_36 = tpu.memref_slice %arg3[%add3A_15, %dma_start3A_35] : memref<2560x128xi32, #tpu.memory_space<hbm>> -> memref<16x128xi32, #tpu.memory_space<hbm>>
        %dma_start3A_37 = arith.constant 0 : i32
        %dma_start3A_38 = tpu.memref_slice %arg3[%add3A_15, %dma_start3A_37] : memref<2560x128xi32, #tpu.memory_space<hbm>> -> memref<16x128xi32, #tpu.memory_space<hbm>>
        tpu.enqueue_dma source(%dma_start3A_38 : memref<16x128xi32, #tpu.memory_space<hbm>>) target(%arg8 : memref<16x128xi32, #tpu.memory_space<vmem>>) target_semaphore(%run_scoped3A : memref<!tpu.dma_semaphore, #tpu.memory_space<semaphore_mem>>)
        %dma_wait3A = arith.constant 0 : i32
        %dma_wait3A_39 = tpu.memref_slice %arg3[%add3A_15, %dma_wait3A] : memref<2560x128xi32, #tpu.memory_space<hbm>> -> memref<16x128xi32, #tpu.memory_space<hbm>>
        %dma_wait3A_40 = arith.constant 0 : i32
        %dma_wait3A_41 = tpu.memref_slice %arg3[%add3A_15, %dma_wait3A_40] : memref<2560x128xi32, #tpu.memory_space<hbm>> -> memref<16x128xi32, #tpu.memory_space<hbm>>
        tpu.wait_dma2 semaphore(%run_scoped3A : memref<!tpu.dma_semaphore, #tpu.memory_space<semaphore_mem>>) src(%dma_wait3A_41 : memref<16x128xi32, #tpu.memory_space<hbm>>) dst(%arg8 : memref<16x128xi32, #tpu.memory_space<vmem>>)
        tpu.yield
      }) : () -> ()
      "tpu.region"() ({
        %run_scoped3A = tpu.sem_alloc : memref<!tpu.dma_semaphore, #tpu.memory_space<semaphore_mem>>
        %dma_start3A_35 = arith.constant 0 : i32
        %dma_start3A_36 = tpu.memref_slice %arg4[%add3A_15, %dma_start3A_35] : memref<2560x128xi32, #tpu.memory_space<hbm>> -> memref<16x128xi32, #tpu.memory_space<hbm>>
        %dma_start3A_37 = arith.constant 0 : i32
        %dma_start3A_38 = tpu.memref_slice %arg4[%add3A_15, %dma_start3A_37] : memref<2560x128xi32, #tpu.memory_space<hbm>> -> memref<16x128xi32, #tpu.memory_space<hbm>>
        tpu.enqueue_dma source(%dma_start3A_38 : memref<16x128xi32, #tpu.memory_space<hbm>>) target(%arg9 : memref<16x128xi32, #tpu.memory_space<vmem>>) target_semaphore(%run_scoped3A : memref<!tpu.dma_semaphore, #tpu.memory_space<semaphore_mem>>)
        %dma_wait3A = arith.constant 0 : i32
        %dma_wait3A_39 = tpu.memref_slice %arg4[%add3A_15, %dma_wait3A] : memref<2560x128xi32, #tpu.memory_space<hbm>> -> memref<16x128xi32, #tpu.memory_space<hbm>>
        %dma_wait3A_40 = arith.constant 0 : i32
        %dma_wait3A_41 = tpu.memref_slice %arg4[%add3A_15, %dma_wait3A_40] : memref<2560x128xi32, #tpu.memory_space<hbm>> -> memref<16x128xi32, #tpu.memory_space<hbm>>
        tpu.wait_dma2 semaphore(%run_scoped3A : memref<!tpu.dma_semaphore, #tpu.memory_space<semaphore_mem>>) src(%dma_wait3A_41 : memref<16x128xi32, #tpu.memory_space<hbm>>) dst(%arg9 : memref<16x128xi32, #tpu.memory_space<vmem>>)
        tpu.yield
      }) : () -> ()
      %dma_start3A = arith.constant 0 : i32
      %dma_start3A_16 = arith.constant 0 : i32
      %dma_start3A_17 = tpu.memref_slice %arg8[%dma_start3A, %dma_start3A_16] : memref<16x128xi32, #tpu.memory_space<vmem>> -> memref<1x128xi32, #tpu.memory_space<vmem>>
      %dma_start3A_18 = tpu.memref_squeeze %dma_start3A_17 : memref<1x128xi32, #tpu.memory_space<vmem>> -> memref<128xi32, #tpu.memory_space<vmem>>
      %dma_start3A_19 = arith.constant 0 : i32
      %dma_start3A_20 = arith.constant 0 : i32
      %dma_start3A_21 = tpu.memref_slice %arg2[%dma_start3A_19, %dma_start3A_20] : memref<10000x128xf32, #tpu.memory_space<hbm>> -> memref<10000x128xf32, #tpu.memory_space<hbm>>
      tpu.enqueue_indirect_dma source(%dma_start3A_21 : memref<10000x128xf32, #tpu.memory_space<hbm>>) target(%arg10 : memref<128x128xf32, #tpu.memory_space<vmem>>) offsets(%dma_start3A_18 : memref<128xi32, #tpu.memory_space<vmem>>) semaphore(%arg13 : memref<!tpu.dma_semaphore, #tpu.memory_space<semaphore_mem>>)
      %dma_start3A_22 = arith.constant 1 : i32
      %dma_start3A_23 = arith.constant 0 : i32
      %dma_start3A_24 = tpu.memref_slice %arg8[%dma_start3A_22, %dma_start3A_23] : memref<16x128xi32, #tpu.memory_space<vmem>> -> memref<1x128xi32, #tpu.memory_space<vmem>>
      %dma_start3A_25 = tpu.memref_squeeze %dma_start3A_24 : memref<1x128xi32, #tpu.memory_space<vmem>> -> memref<128xi32, #tpu.memory_space<vmem>>
      %dma_start3A_26 = arith.constant 0 : i32
      %dma_start3A_27 = arith.constant 0 : i32
      %dma_start3A_28 = tpu.memref_slice %arg2[%dma_start3A_26, %dma_start3A_27] : memref<10000x128xf32, #tpu.memory_space<hbm>> -> memref<10000x128xf32, #tpu.memory_space<hbm>>
      tpu.enqueue_indirect_dma source(%dma_start3A_28 : memref<10000x128xf32, #tpu.memory_space<hbm>>) target(%arg11 : memref<128x128xf32, #tpu.memory_space<vmem>>) offsets(%dma_start3A_25 : memref<128xi32, #tpu.memory_space<vmem>>) semaphore(%arg14 : memref<!tpu.dma_semaphore, #tpu.memory_space<semaphore_mem>>)
      %scan3A_29 = arith.constant 0 : i32
      %scan3A_30 = arith.constant 0 : i32
      %scan3A_31 = arith.constant 8 : i32
      %scan3A_32 = arith.addi %scan3A_30, %scan3A_31 : i32
      %scan3A_33 = arith.constant 1 : i32
      scf.for %scan3A_35 = %scan3A_30 to %scan3A_32 step %scan3A_33  : i32 {
        %mul3A_36 = arith.constant 2 : i32
        %mul3A_37 = arith.muli %mul3A_36, %scan3A_35 : i32
        %mul3A_38 = arith.constant 2 : i32
        %mul3A_39 = arith.muli %mul3A_38, %scan3A_35 : i32
        %add3A_40 = arith.constant 1 : i32
        %add3A_41 = arith.addi %mul3A_39, %add3A_40 : i32
        %dma_wait3A = arith.constant 0 : i32
        %dma_wait3A_42 = tpu.memref_slice %arg8[%mul3A_37, %dma_wait3A] : memref<16x128xi32, #tpu.memory_space<vmem>> -> memref<1x128xi32, #tpu.memory_space<vmem>>
        %dma_wait3A_43 = tpu.memref_squeeze %dma_wait3A_42 : memref<1x128xi32, #tpu.memory_space<vmem>> -> memref<128xi32, #tpu.memory_space<vmem>>
        %dma_wait3A_44 = arith.constant 0 : i32
        %dma_wait3A_45 = arith.constant 0 : i32
        %dma_wait3A_46 = tpu.memref_slice %arg2[%dma_wait3A_44, %dma_wait3A_45] : memref<10000x128xf32, #tpu.memory_space<hbm>> -> memref<10000x128xf32, #tpu.memory_space<hbm>>
        tpu.wait_indirect_dma semaphore(%arg13 : memref<!tpu.dma_semaphore, #tpu.memory_space<semaphore_mem>>) src(%dma_wait3A_46 : memref<10000x128xf32, #tpu.memory_space<hbm>>) dst(%arg10 : memref<128x128xf32, #tpu.memory_space<vmem>>)
        %dma_start3A_47 = arith.constant 0 : i32
        %dma_start3A_48 = tpu.memref_slice %arg9[%mul3A_37, %dma_start3A_47] : memref<16x128xi32, #tpu.memory_space<vmem>> -> memref<1x128xi32, #tpu.memory_space<vmem>>
        %dma_start3A_49 = tpu.memref_squeeze %dma_start3A_48 : memref<1x128xi32, #tpu.memory_space<vmem>> -> memref<128xi32, #tpu.memory_space<vmem>>
        %dma_start3A_50 = arith.constant 0 : i32
        %dma_start3A_51 = arith.constant 0 : i32
        %dma_start3A_52 = tpu.memref_slice %arg12[%dma_start3A_50, %dma_start3A_51] : memref<10112x128xf32, #tpu.memory_space<vmem_shared>> -> memref<10112x128xf32, #tpu.memory_space<vmem_shared>>
        tpu.enqueue_indirect_dma source(%arg10 : memref<128x128xf32, #tpu.memory_space<vmem>>) target(%dma_start3A_52 : memref<10112x128xf32, #tpu.memory_space<vmem_shared>>) offsets(%dma_start3A_49 : memref<128xi32, #tpu.memory_space<vmem>>) semaphore(%arg15 : memref<!tpu.dma_semaphore, #tpu.memory_space<semaphore_mem>>) {add = true}
        %dma_wait3A_53 = arith.constant 0 : i32
        %dma_wait3A_54 = tpu.memref_slice %arg9[%mul3A_37, %dma_wait3A_53] : memref<16x128xi32, #tpu.memory_space<vmem>> -> memref<1x128xi32, #tpu.memory_space<vmem>>
        %dma_wait3A_55 = tpu.memref_squeeze %dma_wait3A_54 : memref<1x128xi32, #tpu.memory_space<vmem>> -> memref<128xi32, #tpu.memory_space<vmem>>
        %dma_wait3A_56 = arith.constant 0 : i32
        %dma_wait3A_57 = arith.constant 0 : i32
        %dma_wait3A_58 = tpu.memref_slice %arg12[%dma_wait3A_56, %dma_wait3A_57] : memref<10112x128xf32, #tpu.memory_space<vmem_shared>> -> memref<10112x128xf32, #tpu.memory_space<vmem_shared>>
        tpu.wait_indirect_dma semaphore(%arg15 : memref<!tpu.dma_semaphore, #tpu.memory_space<semaphore_mem>>) src(%arg10 : memref<128x128xf32, #tpu.memory_space<vmem>>) dst(%dma_wait3A_58 : memref<10112x128xf32, #tpu.memory_space<vmem_shared>>)
        %add3A_59 = arith.constant 2 : i32
        %add3A_60 = arith.addi %mul3A_37, %add3A_59 : i32
        %lt3A = arith.constant 16 : i32
        %lt3A_61 = arith.cmpi slt, %add3A_60, %lt3A : i32
        %convert_element_type3A = arith.extui %lt3A_61 : i1 to i32
        %cond3A = arith.constant 0 : i32
        %cond3A_62 = arith.cmpi ne, %convert_element_type3A, %cond3A : i32
        scf.if %cond3A_62 {
          %add3A_88 = arith.constant 2 : i32
          %add3A_89 = arith.addi %mul3A_37, %add3A_88 : i32
          %dma_start3A_90 = arith.constant 0 : i32
          %dma_start3A_91 = tpu.memref_slice %arg8[%add3A_89, %dma_start3A_90] : memref<16x128xi32, #tpu.memory_space<vmem>> -> memref<1x128xi32, #tpu.memory_space<vmem>>
          %dma_start3A_92 = tpu.memref_squeeze %dma_start3A_91 : memref<1x128xi32, #tpu.memory_space<vmem>> -> memref<128xi32, #tpu.memory_space<vmem>>
          %dma_start3A_93 = arith.constant 0 : i32
          %dma_start3A_94 = arith.constant 0 : i32
          %dma_start3A_95 = tpu.memref_slice %arg2[%dma_start3A_93, %dma_start3A_94] : memref<10000x128xf32, #tpu.memory_space<hbm>> -> memref<10000x128xf32, #tpu.memory_space<hbm>>
          tpu.enqueue_indirect_dma source(%dma_start3A_95 : memref<10000x128xf32, #tpu.memory_space<hbm>>) target(%arg10 : memref<128x128xf32, #tpu.memory_space<vmem>>) offsets(%dma_start3A_92 : memref<128xi32, #tpu.memory_space<vmem>>) semaphore(%arg13 : memref<!tpu.dma_semaphore, #tpu.memory_space<semaphore_mem>>)
        } else {
        }
        %dma_wait3A_63 = arith.constant 0 : i32
        %dma_wait3A_64 = tpu.memref_slice %arg8[%add3A_41, %dma_wait3A_63] : memref<16x128xi32, #tpu.memory_space<vmem>> -> memref<1x128xi32, #tpu.memory_space<vmem>>
        %dma_wait3A_65 = tpu.memref_squeeze %dma_wait3A_64 : memref<1x128xi32, #tpu.memory_space<vmem>> -> memref<128xi32, #tpu.memory_space<vmem>>
        %dma_wait3A_66 = arith.constant 0 : i32
        %dma_wait3A_67 = arith.constant 0 : i32
        %dma_wait3A_68 = tpu.memref_slice %arg2[%dma_wait3A_66, %dma_wait3A_67] : memref<10000x128xf32, #tpu.memory_space<hbm>> -> memref<10000x128xf32, #tpu.memory_space<hbm>>
        tpu.wait_indirect_dma semaphore(%arg14 : memref<!tpu.dma_semaphore, #tpu.memory_space<semaphore_mem>>) src(%dma_wait3A_68 : memref<10000x128xf32, #tpu.memory_space<hbm>>) dst(%arg11 : memref<128x128xf32, #tpu.memory_space<vmem>>)
        %dma_start3A_69 = arith.constant 0 : i32
        %dma_start3A_70 = tpu.memref_slice %arg9[%add3A_41, %dma_start3A_69] : memref<16x128xi32, #tpu.memory_space<vmem>> -> memref<1x128xi32, #tpu.memory_space<vmem>>
        %dma_start3A_71 = tpu.memref_squeeze %dma_start3A_70 : memref<1x128xi32, #tpu.memory_space<vmem>> -> memref<128xi32, #tpu.memory_space<vmem>>
        %dma_start3A_72 = arith.constant 0 : i32
        %dma_start3A_73 = arith.constant 0 : i32
        %dma_start3A_74 = tpu.memref_slice %arg12[%dma_start3A_72, %dma_start3A_73] : memref<10112x128xf32, #tpu.memory_space<vmem_shared>> -> memref<10112x128xf32, #tpu.memory_space<vmem_shared>>
        tpu.enqueue_indirect_dma source(%arg11 : memref<128x128xf32, #tpu.memory_space<vmem>>) target(%dma_start3A_74 : memref<10112x128xf32, #tpu.memory_space<vmem_shared>>) offsets(%dma_start3A_71 : memref<128xi32, #tpu.memory_space<vmem>>) semaphore(%arg16 : memref<!tpu.dma_semaphore, #tpu.memory_space<semaphore_mem>>) {add = true}
        %dma_wait3A_75 = arith.constant 0 : i32
        %dma_wait3A_76 = tpu.memref_slice %arg9[%add3A_41, %dma_wait3A_75] : memref<16x128xi32, #tpu.memory_space<vmem>> -> memref<1x128xi32, #tpu.memory_space<vmem>>
        %dma_wait3A_77 = tpu.memref_squeeze %dma_wait3A_76 : memref<1x128xi32, #tpu.memory_space<vmem>> -> memref<128xi32, #tpu.memory_space<vmem>>
        %dma_wait3A_78 = arith.constant 0 : i32
        %dma_wait3A_79 = arith.constant 0 : i32
        %dma_wait3A_80 = tpu.memref_slice %arg12[%dma_wait3A_78, %dma_wait3A_79] : memref<10112x128xf32, #tpu.memory_space<vmem_shared>> -> memref<10112x128xf32, #tpu.memory_space<vmem_shared>>
        tpu.wait_indirect_dma semaphore(%arg16 : memref<!tpu.dma_semaphore, #tpu.memory_space<semaphore_mem>>) src(%arg11 : memref<128x128xf32, #tpu.memory_space<vmem>>) dst(%dma_wait3A_80 : memref<10112x128xf32, #tpu.memory_space<vmem_shared>>)
        %add3A_81 = arith.constant 2 : i32
        %add3A_82 = arith.addi %add3A_41, %add3A_81 : i32
        %lt3A_83 = arith.constant 16 : i32
        %lt3A_84 = arith.cmpi slt, %add3A_82, %lt3A_83 : i32
        %convert_element_type3A_85 = arith.extui %lt3A_84 : i1 to i32
        %cond3A_86 = arith.constant 0 : i32
        %cond3A_87 = arith.cmpi ne, %convert_element_type3A_85, %cond3A_86 : i32
        scf.if %cond3A_87 {
          %add3A_88 = arith.constant 2 : i32
          %add3A_89 = arith.addi %add3A_41, %add3A_88 : i32
          %dma_start3A_90 = arith.constant 0 : i32
          %dma_start3A_91 = tpu.memref_slice %arg8[%add3A_89, %dma_start3A_90] : memref<16x128xi32, #tpu.memory_space<vmem>> -> memref<1x128xi32, #tpu.memory_space<vmem>>
          %dma_start3A_92 = tpu.memref_squeeze %dma_start3A_91 : memref<1x128xi32, #tpu.memory_space<vmem>> -> memref<128xi32, #tpu.memory_space<vmem>>
          %dma_start3A_93 = arith.constant 0 : i32
          %dma_start3A_94 = arith.constant 0 : i32
          %dma_start3A_95 = tpu.memref_slice %arg2[%dma_start3A_93, %dma_start3A_94] : memref<10000x128xf32, #tpu.memory_space<hbm>> -> memref<10000x128xf32, #tpu.memory_space<hbm>>
          tpu.enqueue_indirect_dma source(%dma_start3A_95 : memref<10000x128xf32, #tpu.memory_space<hbm>>) target(%arg11 : memref<128x128xf32, #tpu.memory_space<vmem>>) offsets(%dma_start3A_92 : memref<128xi32, #tpu.memory_space<vmem>>) semaphore(%arg14 : memref<!tpu.dma_semaphore, #tpu.memory_space<semaphore_mem>>)
        } else {
        }
      }
      %scan3A_34 = arith.constant 8 : i32
    }
    %scan3A_10 = arith.constant 5 : i32
    %barrier3A_11 = arith.constant 0 : index
    tpu.barrier barrier_id(%barrier3A_11)
    "tpu.region"() ({
      %run_scoped3A = tpu.sem_alloc : memref<!tpu.dma_semaphore, #tpu.memory_space<semaphore_mem>>
      %dma_start3A = arith.constant 0 : i32
      %dma_start3A_12 = tpu.memref_slice %arg7[%arg0, %mul3A_2, %dma_start3A] : memref<2x10112x128xf32, #tpu.memory_space<hbm>> -> memref<1x632x128xf32, #tpu.memory_space<hbm>>
      %dma_start3A_13 = tpu.memref_squeeze %dma_start3A_12 : memref<1x632x128xf32, #tpu.memory_space<hbm>> -> memref<632x128xf32, #tpu.memory_space<hbm>>
      %dma_start3A_14 = arith.constant 0 : i32
      %dma_start3A_15 = tpu.memref_slice %arg12[%mul3A_2, %dma_start3A_14] : memref<10112x128xf32, #tpu.memory_space<vmem_shared>> -> memref<632x128xf32, #tpu.memory_space<vmem_shared>>
      tpu.enqueue_dma source(%dma_start3A_15 : memref<632x128xf32, #tpu.memory_space<vmem_shared>>) target(%dma_start3A_13 : memref<632x128xf32, #tpu.memory_space<hbm>>) target_semaphore(%run_scoped3A : memref<!tpu.dma_semaphore, #tpu.memory_space<semaphore_mem>>)
      %dma_wait3A = arith.constant 0 : i32
      %dma_wait3A_16 = tpu.memref_slice %arg7[%arg0, %mul3A_2, %dma_wait3A] : memref<2x10112x128xf32, #tpu.memory_space<hbm>> -> memref<1x632x128xf32, #tpu.memory_space<hbm>>
      %dma_wait3A_17 = tpu.memref_squeeze %dma_wait3A_16 : memref<1x632x128xf32, #tpu.memory_space<hbm>> -> memref<632x128xf32, #tpu.memory_space<hbm>>
      %dma_wait3A_18 = arith.constant 0 : i32
      %dma_wait3A_19 = tpu.memref_slice %arg12[%mul3A_2, %dma_wait3A_18] : memref<10112x128xf32, #tpu.memory_space<vmem_shared>> -> memref<632x128xf32, #tpu.memory_space<vmem_shared>>
      tpu.wait_dma2 semaphore(%run_scoped3A : memref<!tpu.dma_semaphore, #tpu.memory_space<semaphore_mem>>) src(%dma_wait3A_19 : memref<632x128xf32, #tpu.memory_space<vmem_shared>>) dst(%dma_wait3A_17 : memref<632x128xf32, #tpu.memory_space<hbm>>)
      tpu.yield
    }) : () -> ()
    return
  }
}

#map = affine_map<(d0, d1) -> (0, 0)>
#map1 = affine_map<(d0, d1) -> (0)>
#map2 = affine_map<(d0, d1) -> (0, 0, 0)>
module attributes {stable_mosaic.version = 14 : i64} {
  func.func @k(%arg0: i32, %arg1: i32, %arg2: memref<10000x128xf32, #tpu.memory_space<hbm>>, %arg3: memref<2560x128xi32, #tpu.memory_space<hbm>>, %arg4: memref<2560x128xi32, #tpu.memory_space<hbm>>, %arg5: memref<10112x128xf32, #tpu.memory_space<hbm>>, %arg6: memref<10112xf32, #tpu.memory_space<hbm>>, %arg7: memref<2x10112x128xf32, #tpu.memory_space<hbm>>, %arg8: memref<16x128xi32, #tpu.memory_space<vmem>>, %arg9: memref<16x128xi32, #tpu.memory_space<vmem>>, %arg10: memref<128x128xf32, #tpu.memory_space<vmem>>, %arg11: memref<128x128xf32, #tpu.memory_space<vmem>>, %arg12: memref<10112x128xf32, #tpu.memory_space<vmem_shared>>, %arg13: memref<!tpu.dma_semaphore, #tpu.memory_space<semaphore_mem>>, %arg14: memref<!tpu.dma_semaphore, #tpu.memory_space<semaphore_mem>>, %arg15: memref<!tpu.dma_semaphore, #tpu.memory_space<semaphore_mem>>, %arg16: memref<!tpu.dma_semaphore, #tpu.memory_space<semaphore_mem>>) attributes {dimension_semantics = [#tpu.dimension_semantics<core_parallel>, #tpu.dimension_semantics<subcore_parallel>], iteration_bounds = array<i64: 2, 16>, scalar_prefetch = 0 : i64, scratch_operands = 9 : i64, tpu.core_type = #tpu.core_type<sc_vector_subcore>, window_params = [{transform_indices = #map}, {transform_indices = #map}, {transform_indices = #map}, {transform_indices = #map}, {transform_indices = #map1}, {transform_indices = #map2}]} {
    %mul3A = arith.constant 2 : i32
    %mul3A_0 = arith.muli %arg1, %mul3A : i32
    %add3A = arith.addi %mul3A_0, %arg0 : i32
    %mul3A_1 = arith.constant 632 : i32
    %mul3A_2 = arith.muli %arg1, %mul3A_1 : i32
    "tpu.region"() ({
      %run_scoped3A = tpu.sem_alloc : memref<!tpu.dma_semaphore, #tpu.memory_space<semaphore_mem>>
      %dma_start3A = arith.constant 0 : i32
      %dma_start3A_12 = tpu.memref_slice %arg12[%mul3A_2, %dma_start3A] : memref<10112x128xf32, #tpu.memory_space<vmem_shared>> -> memref<632x128xf32, #tpu.memory_space<vmem_shared>>
      %dma_start3A_13 = arith.constant 0 : i32
      %dma_start3A_14 = tpu.memref_slice %arg5[%mul3A_2, %dma_start3A_13] : memref<10112x128xf32, #tpu.memory_space<hbm>> -> memref<632x128xf32, #tpu.memory_space<hbm>>
      tpu.enqueue_dma source(%dma_start3A_14 : memref<632x128xf32, #tpu.memory_space<hbm>>) target(%dma_start3A_12 : memref<632x128xf32, #tpu.memory_space<vmem_shared>>) target_semaphore(%run_scoped3A : memref<!tpu.dma_semaphore, #tpu.memory_space<semaphore_mem>>)
      %dma_wait3A = arith.constant 0 : i32
      %dma_wait3A_15 = tpu.memref_slice %arg12[%mul3A_2, %dma_wait3A] : memref<10112x128xf32, #tpu.memory_space<vmem_shared>> -> memref<632x128xf32, #tpu.memory_space<vmem_shared>>
      %dma_wait3A_16 = arith.constant 0 : i32
      %dma_wait3A_17 = tpu.memref_slice %arg5[%mul3A_2, %dma_wait3A_16] : memref<10112x128xf32, #tpu.memory_space<hbm>> -> memref<632x128xf32, #tpu.memory_space<hbm>>
      tpu.wait_dma2 semaphore(%run_scoped3A : memref<!tpu.dma_semaphore, #tpu.memory_space<semaphore_mem>>) src(%dma_wait3A_17 : memref<632x128xf32, #tpu.memory_space<hbm>>) dst(%dma_wait3A_15 : memref<632x128xf32, #tpu.memory_space<vmem_shared>>)
      tpu.yield
    }) : () -> ()
    %barrier3A = arith.constant 0 : index
    tpu.barrier barrier_id(%barrier3A)
    %broadcast_in_dim3A = arith.constant 1.000000e+00 : f32
    %broadcast_in_dim3A_3 = vector.broadcast %broadcast_in_dim3A : f32 to vector<16xf32>
    %mul3A_4 = arith.constant 80 : i32
    %mul3A_5 = arith.muli %add3A, %mul3A_4 : i32
    %scan3A = arith.constant 0 : i32
    %scan3A_6 = arith.constant 0 : i32
    %scan3A_7 = arith.constant 5 : i32
    %scan3A_8 = arith.addi %scan3A_6, %scan3A_7 : i32
    %scan3A_9 = arith.constant 1 : i32
    scf.for %scan3A_12 = %scan3A_6 to %scan3A_8 step %scan3A_9  : i32 {
      %mul3A_13 = arith.constant 16 : i32
      %mul3A_14 = arith.muli %scan3A_12, %mul3A_13 : i32
      %add3A_15 = arith.addi %mul3A_5, %mul3A_14 : i32
      "tpu.region"() ({
        %run_scoped3A = tpu.sem_alloc : memref<!tpu.dma_semaphore, #tpu.memory_space<semaphore_mem>>
        %dma_start3A_35 = arith.constant 0 : i32
        %dma_start3A_36 = tpu.memref_slice %arg3[%add3A_15, %dma_start3A_35] : memref<2560x128xi32, #tpu.memory_space<hbm>> -> memref<16x128xi32, #tpu.memory_space<hbm>>
        %dma_start3A_37 = arith.constant 0 : i32
        %dma_start3A_38 = tpu.memref_slice %arg3[%add3A_15, %dma_start3A_37] : memref<2560x128xi32, #tpu.memory_space<hbm>> -> memref<16x128xi32, #tpu.memory_space<hbm>>
        tpu.enqueue_dma source(%dma_start3A_38 : memref<16x128xi32, #tpu.memory_space<hbm>>) target(%arg8 : memref<16x128xi32, #tpu.memory_space<vmem>>) target_semaphore(%run_scoped3A : memref<!tpu.dma_semaphore, #tpu.memory_space<semaphore_mem>>)
        %dma_wait3A = arith.constant 0 : i32
        %dma_wait3A_39 = tpu.memref_slice %arg3[%add3A_15, %dma_wait3A] : memref<2560x128xi32, #tpu.memory_space<hbm>> -> memref<16x128xi32, #tpu.memory_space<hbm>>
        %dma_wait3A_40 = arith.constant 0 : i32
        %dma_wait3A_41 = tpu.memref_slice %arg3[%add3A_15, %dma_wait3A_40] : memref<2560x128xi32, #tpu.memory_space<hbm>> -> memref<16x128xi32, #tpu.memory_space<hbm>>
        tpu.wait_dma2 semaphore(%run_scoped3A : memref<!tpu.dma_semaphore, #tpu.memory_space<semaphore_mem>>) src(%dma_wait3A_41 : memref<16x128xi32, #tpu.memory_space<hbm>>) dst(%arg8 : memref<16x128xi32, #tpu.memory_space<vmem>>)
        tpu.yield
      }) : () -> ()
      "tpu.region"() ({
        %run_scoped3A = tpu.sem_alloc : memref<!tpu.dma_semaphore, #tpu.memory_space<semaphore_mem>>
        %dma_start3A_35 = arith.constant 0 : i32
        %dma_start3A_36 = tpu.memref_slice %arg4[%add3A_15, %dma_start3A_35] : memref<2560x128xi32, #tpu.memory_space<hbm>> -> memref<16x128xi32, #tpu.memory_space<hbm>>
        %dma_start3A_37 = arith.constant 0 : i32
        %dma_start3A_38 = tpu.memref_slice %arg4[%add3A_15, %dma_start3A_37] : memref<2560x128xi32, #tpu.memory_space<hbm>> -> memref<16x128xi32, #tpu.memory_space<hbm>>
        tpu.enqueue_dma source(%dma_start3A_38 : memref<16x128xi32, #tpu.memory_space<hbm>>) target(%arg9 : memref<16x128xi32, #tpu.memory_space<vmem>>) target_semaphore(%run_scoped3A : memref<!tpu.dma_semaphore, #tpu.memory_space<semaphore_mem>>)
        %dma_wait3A = arith.constant 0 : i32
        %dma_wait3A_39 = tpu.memref_slice %arg4[%add3A_15, %dma_wait3A] : memref<2560x128xi32, #tpu.memory_space<hbm>> -> memref<16x128xi32, #tpu.memory_space<hbm>>
        %dma_wait3A_40 = arith.constant 0 : i32
        %dma_wait3A_41 = tpu.memref_slice %arg4[%add3A_15, %dma_wait3A_40] : memref<2560x128xi32, #tpu.memory_space<hbm>> -> memref<16x128xi32, #tpu.memory_space<hbm>>
        tpu.wait_dma2 semaphore(%run_scoped3A : memref<!tpu.dma_semaphore, #tpu.memory_space<semaphore_mem>>) src(%dma_wait3A_41 : memref<16x128xi32, #tpu.memory_space<hbm>>) dst(%arg9 : memref<16x128xi32, #tpu.memory_space<vmem>>)
        tpu.yield
      }) : () -> ()
      %dma_start3A = arith.constant 0 : i32
      %dma_start3A_16 = arith.constant 0 : i32
      %dma_start3A_17 = tpu.memref_slice %arg8[%dma_start3A, %dma_start3A_16] : memref<16x128xi32, #tpu.memory_space<vmem>> -> memref<1x128xi32, #tpu.memory_space<vmem>>
      %dma_start3A_18 = tpu.memref_squeeze %dma_start3A_17 : memref<1x128xi32, #tpu.memory_space<vmem>> -> memref<128xi32, #tpu.memory_space<vmem>>
      %dma_start3A_19 = arith.constant 0 : i32
      %dma_start3A_20 = arith.constant 0 : i32
      %dma_start3A_21 = tpu.memref_slice %arg2[%dma_start3A_19, %dma_start3A_20] : memref<10000x128xf32, #tpu.memory_space<hbm>> -> memref<10000x128xf32, #tpu.memory_space<hbm>>
      tpu.enqueue_indirect_dma source(%dma_start3A_21 : memref<10000x128xf32, #tpu.memory_space<hbm>>) target(%arg10 : memref<128x128xf32, #tpu.memory_space<vmem>>) offsets(%dma_start3A_18 : memref<128xi32, #tpu.memory_space<vmem>>) semaphore(%arg13 : memref<!tpu.dma_semaphore, #tpu.memory_space<semaphore_mem>>)
      %dma_start3A_22 = arith.constant 1 : i32
      %dma_start3A_23 = arith.constant 0 : i32
      %dma_start3A_24 = tpu.memref_slice %arg8[%dma_start3A_22, %dma_start3A_23] : memref<16x128xi32, #tpu.memory_space<vmem>> -> memref<1x128xi32, #tpu.memory_space<vmem>>
      %dma_start3A_25 = tpu.memref_squeeze %dma_start3A_24 : memref<1x128xi32, #tpu.memory_space<vmem>> -> memref<128xi32, #tpu.memory_space<vmem>>
      %dma_start3A_26 = arith.constant 0 : i32
      %dma_start3A_27 = arith.constant 0 : i32
      %dma_start3A_28 = tpu.memref_slice %arg2[%dma_start3A_26, %dma_start3A_27] : memref<10000x128xf32, #tpu.memory_space<hbm>> -> memref<10000x128xf32, #tpu.memory_space<hbm>>
      tpu.enqueue_indirect_dma source(%dma_start3A_28 : memref<10000x128xf32, #tpu.memory_space<hbm>>) target(%arg11 : memref<128x128xf32, #tpu.memory_space<vmem>>) offsets(%dma_start3A_25 : memref<128xi32, #tpu.memory_space<vmem>>) semaphore(%arg14 : memref<!tpu.dma_semaphore, #tpu.memory_space<semaphore_mem>>)
      %scan3A_29 = arith.constant 0 : i32
      %scan3A_30 = arith.constant 0 : i32
      %scan3A_31 = arith.constant 8 : i32
      %scan3A_32 = arith.addi %scan3A_30, %scan3A_31 : i32
      %scan3A_33 = arith.constant 1 : i32
      scf.for %scan3A_35 = %scan3A_30 to %scan3A_32 step %scan3A_33  : i32 {
        %mul3A_36 = arith.constant 2 : i32
        %mul3A_37 = arith.muli %mul3A_36, %scan3A_35 : i32
        %mul3A_38 = arith.constant 2 : i32
        %mul3A_39 = arith.muli %mul3A_38, %scan3A_35 : i32
        %add3A_40 = arith.constant 1 : i32
        %add3A_41 = arith.addi %mul3A_39, %add3A_40 : i32
        %dma_wait3A = arith.constant 0 : i32
        %dma_wait3A_42 = tpu.memref_slice %arg8[%mul3A_37, %dma_wait3A] : memref<16x128xi32, #tpu.memory_space<vmem>> -> memref<1x128xi32, #tpu.memory_space<vmem>>
        %dma_wait3A_43 = tpu.memref_squeeze %dma_wait3A_42 : memref<1x128xi32, #tpu.memory_space<vmem>> -> memref<128xi32, #tpu.memory_space<vmem>>
        %dma_wait3A_44 = arith.constant 0 : i32
        %dma_wait3A_45 = arith.constant 0 : i32
        %dma_wait3A_46 = tpu.memref_slice %arg2[%dma_wait3A_44, %dma_wait3A_45] : memref<10000x128xf32, #tpu.memory_space<hbm>> -> memref<10000x128xf32, #tpu.memory_space<hbm>>
        tpu.wait_indirect_dma semaphore(%arg13 : memref<!tpu.dma_semaphore, #tpu.memory_space<semaphore_mem>>) src(%dma_wait3A_46 : memref<10000x128xf32, #tpu.memory_space<hbm>>) dst(%arg10 : memref<128x128xf32, #tpu.memory_space<vmem>>)
        %dma_start3A_47 = arith.constant 0 : i32
        %dma_start3A_48 = tpu.memref_slice %arg9[%mul3A_37, %dma_start3A_47] : memref<16x128xi32, #tpu.memory_space<vmem>> -> memref<1x128xi32, #tpu.memory_space<vmem>>
        %dma_start3A_49 = tpu.memref_squeeze %dma_start3A_48 : memref<1x128xi32, #tpu.memory_space<vmem>> -> memref<128xi32, #tpu.memory_space<vmem>>
        %dma_start3A_50 = arith.constant 0 : i32
        %dma_start3A_51 = arith.constant 0 : i32
        %dma_start3A_52 = tpu.memref_slice %arg12[%dma_start3A_50, %dma_start3A_51] : memref<10112x128xf32, #tpu.memory_space<vmem_shared>> -> memref<10112x128xf32, #tpu.memory_space<vmem_shared>>
        tpu.enqueue_indirect_dma source(%arg10 : memref<128x128xf32, #tpu.memory_space<vmem>>) target(%dma_start3A_52 : memref<10112x128xf32, #tpu.memory_space<vmem_shared>>) offsets(%dma_start3A_49 : memref<128xi32, #tpu.memory_space<vmem>>) semaphore(%arg15 : memref<!tpu.dma_semaphore, #tpu.memory_space<semaphore_mem>>) {add = true}
        %dma_wait3A_53 = arith.constant 0 : i32
        %dma_wait3A_54 = tpu.memref_slice %arg9[%mul3A_37, %dma_wait3A_53] : memref<16x128xi32, #tpu.memory_space<vmem>> -> memref<1x128xi32, #tpu.memory_space<vmem>>
        %dma_wait3A_55 = tpu.memref_squeeze %dma_wait3A_54 : memref<1x128xi32, #tpu.memory_space<vmem>> -> memref<128xi32, #tpu.memory_space<vmem>>
        %dma_wait3A_56 = arith.constant 0 : i32
        %dma_wait3A_57 = arith.constant 0 : i32
        %dma_wait3A_58 = tpu.memref_slice %arg12[%dma_wait3A_56, %dma_wait3A_57] : memref<10112x128xf32, #tpu.memory_space<vmem_shared>> -> memref<10112x128xf32, #tpu.memory_space<vmem_shared>>
        tpu.wait_indirect_dma semaphore(%arg15 : memref<!tpu.dma_semaphore, #tpu.memory_space<semaphore_mem>>) src(%arg10 : memref<128x128xf32, #tpu.memory_space<vmem>>) dst(%dma_wait3A_58 : memref<10112x128xf32, #tpu.memory_space<vmem_shared>>)
        %add3A_59 = arith.constant 2 : i32
        %add3A_60 = arith.addi %mul3A_37, %add3A_59 : i32
        %lt3A = arith.constant 16 : i32
        %lt3A_61 = arith.cmpi slt, %add3A_60, %lt3A : i32
        %convert_element_type3A = arith.extui %lt3A_61 : i1 to i32
        %cond3A = arith.constant 0 : i32
        %cond3A_62 = arith.cmpi ne, %convert_element_type3A, %cond3A : i32
        scf.if %cond3A_62 {
          %add3A_88 = arith.constant 2 : i32
          %add3A_89 = arith.addi %mul3A_37, %add3A_88 : i32
          %dma_start3A_90 = arith.constant 0 : i32
          %dma_start3A_91 = tpu.memref_slice %arg8[%add3A_89, %dma_start3A_90] : memref<16x128xi32, #tpu.memory_space<vmem>> -> memref<1x128xi32, #tpu.memory_space<vmem>>
          %dma_start3A_92 = tpu.memref_squeeze %dma_start3A_91 : memref<1x128xi32, #tpu.memory_space<vmem>> -> memref<128xi32, #tpu.memory_space<vmem>>
          %dma_start3A_93 = arith.constant 0 : i32
          %dma_start3A_94 = arith.constant 0 : i32
          %dma_start3A_95 = tpu.memref_slice %arg2[%dma_start3A_93, %dma_start3A_94] : memref<10000x128xf32, #tpu.memory_space<hbm>> -> memref<10000x128xf32, #tpu.memory_space<hbm>>
          tpu.enqueue_indirect_dma source(%dma_start3A_95 : memref<10000x128xf32, #tpu.memory_space<hbm>>) target(%arg10 : memref<128x128xf32, #tpu.memory_space<vmem>>) offsets(%dma_start3A_92 : memref<128xi32, #tpu.memory_space<vmem>>) semaphore(%arg13 : memref<!tpu.dma_semaphore, #tpu.memory_space<semaphore_mem>>)
        } else {
        }
        %dma_wait3A_63 = arith.constant 0 : i32
        %dma_wait3A_64 = tpu.memref_slice %arg8[%add3A_41, %dma_wait3A_63] : memref<16x128xi32, #tpu.memory_space<vmem>> -> memref<1x128xi32, #tpu.memory_space<vmem>>
        %dma_wait3A_65 = tpu.memref_squeeze %dma_wait3A_64 : memref<1x128xi32, #tpu.memory_space<vmem>> -> memref<128xi32, #tpu.memory_space<vmem>>
        %dma_wait3A_66 = arith.constant 0 : i32
        %dma_wait3A_67 = arith.constant 0 : i32
        %dma_wait3A_68 = tpu.memref_slice %arg2[%dma_wait3A_66, %dma_wait3A_67] : memref<10000x128xf32, #tpu.memory_space<hbm>> -> memref<10000x128xf32, #tpu.memory_space<hbm>>
        tpu.wait_indirect_dma semaphore(%arg14 : memref<!tpu.dma_semaphore, #tpu.memory_space<semaphore_mem>>) src(%dma_wait3A_68 : memref<10000x128xf32, #tpu.memory_space<hbm>>) dst(%arg11 : memref<128x128xf32, #tpu.memory_space<vmem>>)
        %dma_start3A_69 = arith.constant 0 : i32
        %dma_start3A_70 = tpu.memref_slice %arg9[%add3A_41, %dma_start3A_69] : memref<16x128xi32, #tpu.memory_space<vmem>> -> memref<1x128xi32, #tpu.memory_space<vmem>>
        %dma_start3A_71 = tpu.memref_squeeze %dma_start3A_70 : memref<1x128xi32, #tpu.memory_space<vmem>> -> memref<128xi32, #tpu.memory_space<vmem>>
        %dma_start3A_72 = arith.constant 0 : i32
        %dma_start3A_73 = arith.constant 0 : i32
        %dma_start3A_74 = tpu.memref_slice %arg12[%dma_start3A_72, %dma_start3A_73] : memref<10112x128xf32, #tpu.memory_space<vmem_shared>> -> memref<10112x128xf32, #tpu.memory_space<vmem_shared>>
        tpu.enqueue_indirect_dma source(%arg11 : memref<128x128xf32, #tpu.memory_space<vmem>>) target(%dma_start3A_74 : memref<10112x128xf32, #tpu.memory_space<vmem_shared>>) offsets(%dma_start3A_71 : memref<128xi32, #tpu.memory_space<vmem>>) semaphore(%arg16 : memref<!tpu.dma_semaphore, #tpu.memory_space<semaphore_mem>>) {add = true}
        %dma_wait3A_75 = arith.constant 0 : i32
        %dma_wait3A_76 = tpu.memref_slice %arg9[%add3A_41, %dma_wait3A_75] : memref<16x128xi32, #tpu.memory_space<vmem>> -> memref<1x128xi32, #tpu.memory_space<vmem>>
        %dma_wait3A_77 = tpu.memref_squeeze %dma_wait3A_76 : memref<1x128xi32, #tpu.memory_space<vmem>> -> memref<128xi32, #tpu.memory_space<vmem>>
        %dma_wait3A_78 = arith.constant 0 : i32
        %dma_wait3A_79 = arith.constant 0 : i32
        %dma_wait3A_80 = tpu.memref_slice %arg12[%dma_wait3A_78, %dma_wait3A_79] : memref<10112x128xf32, #tpu.memory_space<vmem_shared>> -> memref<10112x128xf32, #tpu.memory_space<vmem_shared>>
        tpu.wait_indirect_dma semaphore(%arg16 : memref<!tpu.dma_semaphore, #tpu.memory_space<semaphore_mem>>) src(%arg11 : memref<128x128xf32, #tpu.memory_space<vmem>>) dst(%dma_wait3A_80 : memref<10112x128xf32, #tpu.memory_space<vmem_shared>>)
        %add3A_81 = arith.constant 2 : i32
        %add3A_82 = arith.addi %add3A_41, %add3A_81 : i32
        %lt3A_83 = arith.constant 16 : i32
        %lt3A_84 = arith.cmpi slt, %add3A_82, %lt3A_83 : i32
        %convert_element_type3A_85 = arith.extui %lt3A_84 : i1 to i32
        %cond3A_86 = arith.constant 0 : i32
        %cond3A_87 = arith.cmpi ne, %convert_element_type3A_85, %cond3A_86 : i32
        scf.if %cond3A_87 {
          %add3A_88 = arith.constant 2 : i32
          %add3A_89 = arith.addi %add3A_41, %add3A_88 : i32
          %dma_start3A_90 = arith.constant 0 : i32
          %dma_start3A_91 = tpu.memref_slice %arg8[%add3A_89, %dma_start3A_90] : memref<16x128xi32, #tpu.memory_space<vmem>> -> memref<1x128xi32, #tpu.memory_space<vmem>>
          %dma_start3A_92 = tpu.memref_squeeze %dma_start3A_91 : memref<1x128xi32, #tpu.memory_space<vmem>> -> memref<128xi32, #tpu.memory_space<vmem>>
          %dma_start3A_93 = arith.constant 0 : i32
          %dma_start3A_94 = arith.constant 0 : i32
          %dma_start3A_95 = tpu.memref_slice %arg2[%dma_start3A_93, %dma_start3A_94] : memref<10000x128xf32, #tpu.memory_space<hbm>> -> memref<10000x128xf32, #tpu.memory_space<hbm>>
          tpu.enqueue_indirect_dma source(%dma_start3A_95 : memref<10000x128xf32, #tpu.memory_space<hbm>>) target(%arg11 : memref<128x128xf32, #tpu.memory_space<vmem>>) offsets(%dma_start3A_92 : memref<128xi32, #tpu.memory_space<vmem>>) semaphore(%arg14 : memref<!tpu.dma_semaphore, #tpu.memory_space<semaphore_mem>>)
        } else {
        }
      }
      %scan3A_34 = arith.constant 8 : i32
    }
    %scan3A_10 = arith.constant 5 : i32
    %barrier3A_11 = arith.constant 0 : index
    tpu.barrier barrier_id(%barrier3A_11)
    "tpu.region"() ({
      %run_scoped3A = tpu.sem_alloc : memref<!tpu.dma_semaphore, #tpu.memory_space<semaphore_mem>>
      %dma_start3A = arith.constant 0 : i32
      %dma_start3A_12 = tpu.memref_slice %arg7[%arg0, %mul3A_2, %dma_start3A] : memref<2x10112x128xf32, #tpu.memory_space<hbm>> -> memref<1x632x128xf32, #tpu.memory_space<hbm>>
      %dma_start3A_13 = tpu.memref_squeeze %dma_start3A_12 : memref<1x632x128xf32, #tpu.memory_space<hbm>> -> memref<632x128xf32, #tpu.memory_space<hbm>>
      %dma_start3A_14 = arith.constant 0 : i32
      %dma_start3A_15 = tpu.memref_slice %arg12[%mul3A_2, %dma_start3A_14] : memref<10112x128xf32, #tpu.memory_space<vmem_shared>> -> memref<632x128xf32, #tpu.memory_space<vmem_shared>>
      tpu.enqueue_dma source(%dma_start3A_15 : memref<632x128xf32, #tpu.memory_space<vmem_shared>>) target(%dma_start3A_13 : memref<632x128xf32, #tpu.memory_space<hbm>>) target_semaphore(%run_scoped3A : memref<!tpu.dma_semaphore, #tpu.memory_space<semaphore_mem>>)
      %dma_wait3A = arith.constant 0 : i32
      %dma_wait3A_16 = tpu.memref_slice %arg7[%arg0, %mul3A_2, %dma_wait3A] : memref<2x10112x128xf32, #tpu.memory_space<hbm>> -> memref<1x632x128xf32, #tpu.memory_space<hbm>>
      %dma_wait3A_17 = tpu.memref_squeeze %dma_wait3A_16 : memref<1x632x128xf32, #tpu.memory_space<hbm>> -> memref<632x128xf32, #tpu.memory_space<hbm>>
      %dma_wait3A_18 = arith.constant 0 : i32
      %dma_wait3A_19 = tpu.memref_slice %arg12[%mul3A_2, %dma_wait3A_18] : memref<10112x128xf32, #tpu.memory_space<vmem_shared>> -> memref<632x128xf32, #tpu.memory_space<vmem_shared>>
      tpu.wait_dma2 semaphore(%run_scoped3A : memref<!tpu.dma_semaphore, #tpu.memory_space<semaphore_mem>>) src(%dma_wait3A_19 : memref<632x128xf32, #tpu.memory_space<vmem_shared>>) dst(%dma_wait3A_17 : memref<632x128xf32, #tpu.memory_space<hbm>>)
      tpu.yield
    }) : () -> ()
    return
  }
}

module attributes {stable_mosaic.version = 14 : i64} {
  func.func @_layer1_block(%arg0: i32, %arg1: memref<2x1000x128xf32, #tpu.memory_space<vmem>>, %arg2: memref<1000x32xf32, #tpu.memory_space<vmem>>, %arg3: memref<1000x128xf32, #tpu.memory_space<vmem>>, %arg4: memref<256x128xf32, #tpu.memory_space<vmem>>, %arg5: memref<256xf32, #tpu.memory_space<vmem>>, %arg6: memref<256x128xf32, #tpu.memory_space<vmem>>, %arg7: memref<256xf32, #tpu.memory_space<vmem>>, %arg8: memref<256xf32, #tpu.memory_space<vmem>>, %arg9: memref<128x256xf32, #tpu.memory_space<vmem>>, %arg10: memref<128x256xf32, #tpu.memory_space<vmem>>, %arg11: memref<1000x128xf32, #tpu.memory_space<vmem>>, %arg12: memref<1000x128xf32, #tpu.memory_space<vmem>>, %arg13: memref<1000x8xf32, #tpu.memory_space<vmem>>) attributes {dimension_semantics = [#tpu.dimension_semantics<arbitrary>], iteration_bounds = array<i64: 10>, scalar_prefetch = 0 : i64, scratch_operands = 0 : i64, tpu.core_type = #tpu.core_type<tc>, window_params = [{transform_indices = @transform_0, window_bounds = array<i64: 2, 1000, 128>}, {transform_indices = @transform_1, window_bounds = array<i64: 1000, 32>}, {transform_indices = @transform_2, window_bounds = array<i64: 1000, 128>}, {pipeline_mode = #tpu.pipeline_mode<synchronous>, transform_indices = @transform_3, window_bounds = array<i64: 256, 128>}, {pipeline_mode = #tpu.pipeline_mode<synchronous>, transform_indices = @transform_4, window_bounds = array<i64: 256>}, {pipeline_mode = #tpu.pipeline_mode<synchronous>, transform_indices = @transform_5, window_bounds = array<i64: 256, 128>}, {pipeline_mode = #tpu.pipeline_mode<synchronous>, transform_indices = @transform_6, window_bounds = array<i64: 256>}, {pipeline_mode = #tpu.pipeline_mode<synchronous>, transform_indices = @transform_7, window_bounds = array<i64: 256>}, {pipeline_mode = #tpu.pipeline_mode<synchronous>, transform_indices = @transform_8, window_bounds = array<i64: 128, 256>}, {pipeline_mode = #tpu.pipeline_mode<synchronous>, transform_indices = @transform_9, window_bounds = array<i64: 128, 256>}, {transform_indices = @transform_10, window_bounds = array<i64: 1000, 128>}, {transform_indices = @transform_11, window_bounds = array<i64: 1000, 128>}, {transform_indices = @transform_12, window_bounds = array<i64: 1000, 8>}]} {
    %get3A = arith.constant 0 : index
    %get3A_0 = arith.constant 0 : index
    %get3A_1 = arith.constant 0 : index
    %get3A_2 = vector.load %arg1[%get3A, %get3A_0, %get3A_1] : memref<2x1000x128xf32, #tpu.memory_space<vmem>>, vector<1x1000x128xf32>
    %get3A_3 = vector.shape_cast %get3A_2 : vector<1x1000x128xf32> to vector<1000x128xf32>
    %get3A_4 = arith.constant 1 : index
    %get3A_5 = arith.constant 0 : index
    %get3A_6 = arith.constant 0 : index
    %get3A_7 = vector.load %arg1[%get3A_4, %get3A_5, %get3A_6] : memref<2x1000x128xf32, #tpu.memory_space<vmem>>, vector<1x1000x128xf32>
    %get3A_8 = vector.shape_cast %get3A_7 : vector<1x1000x128xf32> to vector<1000x128xf32>
    %add3A = arith.addf %get3A_3, %get3A_8 : vector<1000x128xf32>
    %get3A_9 = arith.constant 0 : index
    %get3A_10 = arith.constant 0 : index
    %get3A_11 = vector.load %arg2[%get3A_9, %get3A_10] : memref<1000x32xf32, #tpu.memory_space<vmem>>, vector<1000x32xf32>
    %reduce_sum3A = arith.constant dense<0.000000e+00> : vector<1000xf32>
    %reduce_sum3A_12 = vector.multi_reduction <add>, %get3A_11, %reduce_sum3A [1] : vector<1000x32xf32> to vector<1000xf32>
    %max3A = arith.constant 1.000000e+00 : f32
    %max3A_13 = vector.broadcast %max3A : f32 to vector<1000xf32>
    %max3A_14 = arith.maximumf %reduce_sum3A_12, %max3A_13 : vector<1000xf32>
    %broadcast_in_dim3A = vector.shape_cast %max3A_14 : vector<1000xf32> to vector<1000x1xf32>
    %div3A = vector.broadcast %broadcast_in_dim3A : vector<1000x1xf32> to vector<1000x128xf32>
    %div3A_15 = arith.divf %add3A, %div3A : vector<1000x128xf32>
    %get3A_16 = arith.constant 0 : index
    %get3A_17 = arith.constant 0 : index
    %get3A_18 = vector.load %arg4[%get3A_16, %get3A_17] : memref<256x128xf32, #tpu.memory_space<vmem>>, vector<256x128xf32>
    %dot_general3A = arith.constant dense<0.000000e+00> : vector<1000x256xf32>
    %dot_general3A_19 = tpu.matmul %div3A_15, %get3A_18, %dot_general3A {dimension_numbers = #tpu.dot_dimension_numbers<[1], [1], [0], [0], [0, 0, 1, 0], [], []>, transpose_lhs_hint = false} : vector<1000x128xf32>, vector<256x128xf32>, vector<1000x256xf32> -> vector<1000x256xf32>
    %get3A_20 = arith.constant 0 : index
    %get3A_21 = arith.constant 0 : index
    %get3A_22 = vector.load %arg3[%get3A_20, %get3A_21] : memref<1000x128xf32, #tpu.memory_space<vmem>>, vector<1000x128xf32>
    %get3A_23 = arith.constant 0 : index
    %get3A_24 = arith.constant 0 : index
    %get3A_25 = vector.load %arg6[%get3A_23, %get3A_24] : memref<256x128xf32, #tpu.memory_space<vmem>>, vector<256x128xf32>
    %dot_general3A_26 = arith.constant dense<0.000000e+00> : vector<1000x256xf32>
    %dot_general3A_27 = tpu.matmul %get3A_22, %get3A_25, %dot_general3A_26 {dimension_numbers = #tpu.dot_dimension_numbers<[1], [1], [0], [0], [0, 0, 1, 0], [], []>, transpose_lhs_hint = false} : vector<1000x128xf32>, vector<256x128xf32>, vector<1000x256xf32> -> vector<1000x256xf32>
    %add3A_28 = arith.addf %dot_general3A_19, %dot_general3A_27 : vector<1000x256xf32>
    %get3A_29 = arith.constant 0 : index
    %get3A_30 = vector.load %arg5[%get3A_29] : memref<256xf32, #tpu.memory_space<vmem>>, vector<256xf32>
    %broadcast_in_dim3A_31 = vector.shape_cast %get3A_30 : vector<256xf32> to vector<1x256xf32>
    %add3A_32 = vector.broadcast %broadcast_in_dim3A_31 : vector<1x256xf32> to vector<1000x256xf32>
    %add3A_33 = arith.addf %add3A_28, %add3A_32 : vector<1000x256xf32>
    %max3A_34 = arith.constant 0.000000e+00 : f32
    %max3A_35 = vector.broadcast %max3A_34 : f32 to vector<1000x256xf32>
    %max3A_36 = arith.maximumf %add3A_33, %max3A_35 : vector<1000x256xf32>
    %reduce_sum3A_37 = arith.constant dense<0.000000e+00> : vector<1000xf32>
    %reduce_sum3A_38 = vector.multi_reduction <add>, %max3A_36, %reduce_sum3A_37 [1] : vector<1000x256xf32> to vector<1000xf32>
    %broadcast_in_dim3A_39 = vector.shape_cast %reduce_sum3A_38 : vector<1000xf32> to vector<1000x1xf32>
    %div3A_40 = arith.constant 2.560000e+02 : f32
    %div3A_41 = vector.broadcast %div3A_40 : f32 to vector<1000x1xf32>
    %div3A_42 = arith.divf %broadcast_in_dim3A_39, %div3A_41 : vector<1000x1xf32>
    %sub3A = vector.broadcast %div3A_42 : vector<1000x1xf32> to vector<1000x256xf32>
    %sub3A_43 = arith.subf %max3A_36, %sub3A : vector<1000x256xf32>
    %integer_pow3A = arith.mulf %sub3A_43, %sub3A_43 : vector<1000x256xf32>
    %reduce_sum3A_44 = arith.constant dense<0.000000e+00> : vector<1000xf32>
    %reduce_sum3A_45 = vector.multi_reduction <add>, %integer_pow3A, %reduce_sum3A_44 [1] : vector<1000x256xf32> to vector<1000xf32>
    %broadcast_in_dim3A_46 = vector.shape_cast %reduce_sum3A_45 : vector<1000xf32> to vector<1000x1xf32>
    %div3A_47 = arith.constant 2.560000e+02 : f32
    %div3A_48 = vector.broadcast %div3A_47 : f32 to vector<1000x1xf32>
    %div3A_49 = arith.divf %broadcast_in_dim3A_46, %div3A_48 : vector<1000x1xf32>
    %sub3A_50 = vector.broadcast %div3A_42 : vector<1000x1xf32> to vector<1000x256xf32>
    %sub3A_51 = arith.subf %max3A_36, %sub3A_50 : vector<1000x256xf32>
    %add3A_52 = arith.constant 9.99999974E-6 : f32
    %add3A_53 = vector.broadcast %add3A_52 : f32 to vector<1000x1xf32>
    %add3A_54 = arith.addf %div3A_49, %add3A_53 : vector<1000x1xf32>
    %rsqrt3A = math.rsqrt %add3A_54 : vector<1000x1xf32>
    %mul3A = vector.broadcast %rsqrt3A : vector<1000x1xf32> to vector<1000x256xf32>
    %mul3A_55 = arith.mulf %sub3A_51, %mul3A : vector<1000x256xf32>
    %get3A_56 = arith.constant 0 : index
    %get3A_57 = vector.load %arg7[%get3A_56] : memref<256xf32, #tpu.memory_space<vmem>>, vector<256xf32>
    %broadcast_in_dim3A_58 = vector.shape_cast %get3A_57 : vector<256xf32> to vector<1x256xf32>
    %mul3A_59 = vector.broadcast %broadcast_in_dim3A_58 : vector<1x256xf32> to vector<1000x256xf32>
    %mul3A_60 = arith.mulf %mul3A_55, %mul3A_59 : vector<1000x256xf32>
    %get3A_61 = arith.constant 0 : index
    %get3A_62 = vector.load %arg8[%get3A_61] : memref<256xf32, #tpu.memory_space<vmem>>, vector<256xf32>
    %broadcast_in_dim3A_63 = vector.shape_cast %get3A_62 : vector<256xf32> to vector<1x256xf32>
    %add3A_64 = vector.broadcast %broadcast_in_dim3A_63 : vector<1x256xf32> to vector<1000x256xf32>
    %add3A_65 = arith.addf %mul3A_60, %add3A_64 : vector<1000x256xf32>
    %get3A_66 = arith.constant 0 : index
    %get3A_67 = arith.constant 0 : index
    %get3A_68 = vector.load %arg9[%get3A_66, %get3A_67] : memref<128x256xf32, #tpu.memory_space<vmem>>, vector<128x256xf32>
    %dot_general3A_69 = arith.constant dense<0.000000e+00> : vector<1000x128xf32>
    %dot_general3A_70 = tpu.matmul %add3A_65, %get3A_68, %dot_general3A_69 {dimension_numbers = #tpu.dot_dimension_numbers<[1], [1], [0], [0], [0, 0, 1, 0], [], []>, transpose_lhs_hint = false} : vector<1000x256xf32>, vector<128x256xf32>, vector<1000x128xf32> -> vector<1000x128xf32>
    %swap3A = arith.constant 0 : index
    %swap3A_71 = arith.constant 0 : index
    %swap3A_72 = vector.load %arg11[%swap3A, %swap3A_71] : memref<1000x128xf32, #tpu.memory_space<vmem>>, vector<1000x128xf32>
    tpu.vector_store %arg11[%swap3A, %swap3A_71], %dot_general3A_70 {strides = array<i32>} : memref<1000x128xf32, #tpu.memory_space<vmem>>, vector<1000x128xf32>,
    %get3A_73 = arith.constant 0 : index
    %get3A_74 = arith.constant 0 : index
    %get3A_75 = vector.load %arg10[%get3A_73, %get3A_74] : memref<128x256xf32, #tpu.memory_space<vmem>>, vector<128x256xf32>
    %dot_general3A_76 = arith.constant dense<0.000000e+00> : vector<1000x128xf32>
    %dot_general3A_77 = tpu.matmul %add3A_65, %get3A_75, %dot_general3A_76 {dimension_numbers = #tpu.dot_dimension_numbers<[1], [1], [0], [0], [0, 0, 1, 0], [], []>, transpose_lhs_hint = false} : vector<1000x256xf32>, vector<128x256xf32>, vector<1000x128xf32> -> vector<1000x128xf32>
    %swap3A_78 = arith.constant 0 : index
    %swap3A_79 = arith.constant 0 : index
    %swap3A_80 = vector.load %arg12[%swap3A_78, %swap3A_79] : memref<1000x128xf32, #tpu.memory_space<vmem>>, vector<1000x128xf32>
    tpu.vector_store %arg12[%swap3A_78, %swap3A_79], %dot_general3A_77 {strides = array<i32>} : memref<1000x128xf32, #tpu.memory_space<vmem>>, vector<1000x128xf32>,
    %broadcast_in_dim3A_81 = vector.shape_cast %max3A_14 : vector<1000xf32> to vector<1000x1xf32>
    %broadcast_in_dim3A_82 = vector.shape_cast %broadcast_in_dim3A_81 : vector<1000x1xf32> to vector<1000x1xf32>
    %broadcast_in_dim3A_83 = vector.broadcast %broadcast_in_dim3A_82 : vector<1000x1xf32> to vector<1000x8xf32>
    %swap3A_84 = arith.constant 0 : index
    %swap3A_85 = arith.constant 0 : index
    %swap3A_86 = vector.load %arg13[%swap3A_84, %swap3A_85] : memref<1000x8xf32, #tpu.memory_space<vmem>>, vector<1000x8xf32>
    tpu.vector_store %arg13[%swap3A_84, %swap3A_85], %broadcast_in_dim3A_83 {strides = array<i32>} : memref<1000x8xf32, #tpu.memory_space<vmem>>, vector<1000x8xf32>,
    return
  }
  func.func @transform_0(%arg0: i32) -> (i32, i32, i32) {
    %c0_i32 = arith.constant 0 : i32
    %c0_i32_0 = arith.constant 0 : i32
    %c0_i32_1 = arith.constant 0 : i32
    return %c0_i32, %arg0, %c0_i32_0 : i32, i32, i32
  }
  func.func @transform_1(%arg0: i32) -> (i32, i32) {
    %c0_i32 = arith.constant 0 : i32
    %c0_i32_0 = arith.constant 0 : i32
    return %arg0, %c0_i32 : i32, i32
  }
  func.func @transform_2(%arg0: i32) -> (i32, i32) {
    %c0_i32 = arith.constant 0 : i32
    %c0_i32_0 = arith.constant 0 : i32
    return %arg0, %c0_i32 : i32, i32
  }
  func.func @transform_3(%arg0: i32) -> (i32, i32) {
    %c0_i32 = arith.constant 0 : i32
    %c0_i32_0 = arith.constant 0 : i32
    %c0_i32_1 = arith.constant 0 : i32
    return %c0_i32, %c0_i32_0 : i32, i32
  }
  func.func @transform_4(%arg0: i32) -> i32 {
    %c0_i32 = arith.constant 0 : i32
    %c0_i32_0 = arith.constant 0 : i32
    return %c0_i32 : i32
  }
  func.func @transform_5(%arg0: i32) -> (i32, i32) {
    %c0_i32 = arith.constant 0 : i32
    %c0_i32_0 = arith.constant 0 : i32
    %c0_i32_1 = arith.constant 0 : i32
    return %c0_i32, %c0_i32_0 : i32, i32
  }
  func.func @transform_6(%arg0: i32) -> i32 {
    %c0_i32 = arith.constant 0 : i32
    %c0_i32_0 = arith.constant 0 : i32
    return %c0_i32 : i32
  }
  func.func @transform_7(%arg0: i32) -> i32 {
    %c0_i32 = arith.constant 0 : i32
    %c0_i32_0 = arith.constant 0 : i32
    return %c0_i32 : i32
  }
  func.func @transform_8(%arg0: i32) -> (i32, i32) {
    %c0_i32 = arith.constant 0 : i32
    %c0_i32_0 = arith.constant 0 : i32
    %c0_i32_1 = arith.constant 0 : i32
    return %c0_i32, %c0_i32_0 : i32, i32
  }
  func.func @transform_9(%arg0: i32) -> (i32, i32) {
    %c0_i32 = arith.constant 0 : i32
    %c0_i32_0 = arith.constant 0 : i32
    %c0_i32_1 = arith.constant 0 : i32
    return %c0_i32, %c0_i32_0 : i32, i32
  }
  func.func @transform_10(%arg0: i32) -> (i32, i32) {
    %c0_i32 = arith.constant 0 : i32
    %c0_i32_0 = arith.constant 0 : i32
    return %arg0, %c0_i32 : i32, i32
  }
  func.func @transform_11(%arg0: i32) -> (i32, i32) {
    %c0_i32 = arith.constant 0 : i32
    %c0_i32_0 = arith.constant 0 : i32
    return %arg0, %c0_i32 : i32, i32
  }
  func.func @transform_12(%arg0: i32) -> (i32, i32) {
    %c0_i32 = arith.constant 0 : i32
    %c0_i32_0 = arith.constant 0 : i32
    return %arg0, %c0_i32 : i32, i32
  }
}

module attributes {stable_mosaic.version = 14 : i64} {
  func.func @_layer2_block(%arg0: i32, %arg1: memref<2x1000x128xf32, #tpu.memory_space<vmem>>, %arg2: memref<1000x8xf32, #tpu.memory_space<vmem>>, %arg3: memref<1000x128xf32, #tpu.memory_space<vmem>>, %arg4: memref<128xf32, #tpu.memory_space<vmem>>, %arg5: memref<128xf32, #tpu.memory_space<vmem>>, %arg6: memref<128xf32, #tpu.memory_space<vmem>>, %arg7: memref<256x128xf32, #tpu.memory_space<vmem>>, %arg8: memref<256xf32, #tpu.memory_space<vmem>>, %arg9: memref<128x256xf32, #tpu.memory_space<vmem>>, %arg10: memref<128xf32, #tpu.memory_space<vmem>>, %arg11: memref<64x128xf32, #tpu.memory_space<vmem>>, %arg12: memref<64xf32, #tpu.memory_space<vmem>>, %arg13: memref<1000x64xf32, #tpu.memory_space<vmem>>) attributes {dimension_semantics = [#tpu.dimension_semantics<arbitrary>], iteration_bounds = array<i64: 10>, scalar_prefetch = 0 : i64, scratch_operands = 0 : i64, tpu.core_type = #tpu.core_type<tc>, window_params = [{transform_indices = @transform_0, window_bounds = array<i64: 2, 1000, 128>}, {transform_indices = @transform_1, window_bounds = array<i64: 1000, 8>}, {transform_indices = @transform_2, window_bounds = array<i64: 1000, 128>}, {pipeline_mode = #tpu.pipeline_mode<synchronous>, transform_indices = @transform_3, window_bounds = array<i64: 128>}, {pipeline_mode = #tpu.pipeline_mode<synchronous>, transform_indices = @transform_4, window_bounds = array<i64: 128>}, {pipeline_mode = #tpu.pipeline_mode<synchronous>, transform_indices = @transform_5, window_bounds = array<i64: 128>}, {pipeline_mode = #tpu.pipeline_mode<synchronous>, transform_indices = @transform_6, window_bounds = array<i64: 256, 128>}, {pipeline_mode = #tpu.pipeline_mode<synchronous>, transform_indices = @transform_7, window_bounds = array<i64: 256>}, {pipeline_mode = #tpu.pipeline_mode<synchronous>, transform_indices = @transform_8, window_bounds = array<i64: 128, 256>}, {pipeline_mode = #tpu.pipeline_mode<synchronous>, transform_indices = @transform_9, window_bounds = array<i64: 128>}, {pipeline_mode = #tpu.pipeline_mode<synchronous>, transform_indices = @transform_10, window_bounds = array<i64: 64, 128>}, {pipeline_mode = #tpu.pipeline_mode<synchronous>, transform_indices = @transform_11, window_bounds = array<i64: 64>}, {transform_indices = @transform_12, window_bounds = array<i64: 1000, 64>}]} {
    %get3A = arith.constant 0 : index
    %get3A_0 = arith.constant 0 : index
    %get3A_1 = vector.load %arg2[%get3A, %get3A_0] : memref<1000x8xf32, #tpu.memory_space<vmem>>, vector<1000x1xf32>
    %div3A = arith.constant 1.000000e+00 : f32
    %div3A_2 = vector.broadcast %div3A : f32 to vector<1000x1xf32>
    %div3A_3 = arith.divf %div3A_2, %get3A_1 : vector<1000x1xf32>
    %get3A_4 = arith.constant 0 : index
    %get3A_5 = arith.constant 0 : index
    %get3A_6 = arith.constant 0 : index
    %get3A_7 = vector.load %arg1[%get3A_4, %get3A_5, %get3A_6] : memref<2x1000x128xf32, #tpu.memory_space<vmem>>, vector<1x1000x128xf32>
    %get3A_8 = vector.shape_cast %get3A_7 : vector<1x1000x128xf32> to vector<1000x128xf32>
    %get3A_9 = arith.constant 1 : index
    %get3A_10 = arith.constant 0 : index
    %get3A_11 = arith.constant 0 : index
    %get3A_12 = vector.load %arg1[%get3A_9, %get3A_10, %get3A_11] : memref<2x1000x128xf32, #tpu.memory_space<vmem>>, vector<1x1000x128xf32>
    %get3A_13 = vector.shape_cast %get3A_12 : vector<1x1000x128xf32> to vector<1000x128xf32>
    %add3A = arith.addf %get3A_8, %get3A_13 : vector<1000x128xf32>
    %mul3A = vector.broadcast %div3A_3 : vector<1000x1xf32> to vector<1000x128xf32>
    %mul3A_14 = arith.mulf %add3A, %mul3A : vector<1000x128xf32>
    %get3A_15 = arith.constant 0 : index
    %get3A_16 = arith.constant 0 : index
    %get3A_17 = vector.load %arg3[%get3A_15, %get3A_16] : memref<1000x128xf32, #tpu.memory_space<vmem>>, vector<1000x128xf32>
    %add3A_18 = arith.addf %mul3A_14, %get3A_17 : vector<1000x128xf32>
    %get3A_19 = arith.constant 0 : index
    %get3A_20 = vector.load %arg4[%get3A_19] : memref<128xf32, #tpu.memory_space<vmem>>, vector<128xf32>
    %broadcast_in_dim3A = vector.shape_cast %get3A_20 : vector<128xf32> to vector<1x128xf32>
    %add3A_21 = vector.broadcast %broadcast_in_dim3A : vector<1x128xf32> to vector<1000x128xf32>
    %add3A_22 = arith.addf %add3A_18, %add3A_21 : vector<1000x128xf32>
    %max3A = arith.constant 0.000000e+00 : f32
    %max3A_23 = vector.broadcast %max3A : f32 to vector<1000x128xf32>
    %max3A_24 = arith.maximumf %add3A_22, %max3A_23 : vector<1000x128xf32>
    %reduce_sum3A = arith.constant dense<0.000000e+00> : vector<1000xf32>
    %reduce_sum3A_25 = vector.multi_reduction <add>, %max3A_24, %reduce_sum3A [1] : vector<1000x128xf32> to vector<1000xf32>
    %broadcast_in_dim3A_26 = vector.shape_cast %reduce_sum3A_25 : vector<1000xf32> to vector<1000x1xf32>
    %div3A_27 = arith.constant 1.280000e+02 : f32
    %div3A_28 = vector.broadcast %div3A_27 : f32 to vector<1000x1xf32>
    %div3A_29 = arith.divf %broadcast_in_dim3A_26, %div3A_28 : vector<1000x1xf32>
    %sub3A = vector.broadcast %div3A_29 : vector<1000x1xf32> to vector<1000x128xf32>
    %sub3A_30 = arith.subf %max3A_24, %sub3A : vector<1000x128xf32>
    %integer_pow3A = arith.mulf %sub3A_30, %sub3A_30 : vector<1000x128xf32>
    %reduce_sum3A_31 = arith.constant dense<0.000000e+00> : vector<1000xf32>
    %reduce_sum3A_32 = vector.multi_reduction <add>, %integer_pow3A, %reduce_sum3A_31 [1] : vector<1000x128xf32> to vector<1000xf32>
    %broadcast_in_dim3A_33 = vector.shape_cast %reduce_sum3A_32 : vector<1000xf32> to vector<1000x1xf32>
    %div3A_34 = arith.constant 1.280000e+02 : f32
    %div3A_35 = vector.broadcast %div3A_34 : f32 to vector<1000x1xf32>
    %div3A_36 = arith.divf %broadcast_in_dim3A_33, %div3A_35 : vector<1000x1xf32>
    %sub3A_37 = vector.broadcast %div3A_29 : vector<1000x1xf32> to vector<1000x128xf32>
    %sub3A_38 = arith.subf %max3A_24, %sub3A_37 : vector<1000x128xf32>
    %add3A_39 = arith.constant 9.99999974E-6 : f32
    %add3A_40 = vector.broadcast %add3A_39 : f32 to vector<1000x1xf32>
    %add3A_41 = arith.addf %div3A_36, %add3A_40 : vector<1000x1xf32>
    %rsqrt3A = math.rsqrt %add3A_41 : vector<1000x1xf32>
    %mul3A_42 = vector.broadcast %rsqrt3A : vector<1000x1xf32> to vector<1000x128xf32>
    %mul3A_43 = arith.mulf %sub3A_38, %mul3A_42 : vector<1000x128xf32>
    %get3A_44 = arith.constant 0 : index
    %get3A_45 = vector.load %arg5[%get3A_44] : memref<128xf32, #tpu.memory_space<vmem>>, vector<128xf32>
    %broadcast_in_dim3A_46 = vector.shape_cast %get3A_45 : vector<128xf32> to vector<1x128xf32>
    %mul3A_47 = vector.broadcast %broadcast_in_dim3A_46 : vector<1x128xf32> to vector<1000x128xf32>
    %mul3A_48 = arith.mulf %mul3A_43, %mul3A_47 : vector<1000x128xf32>
    %get3A_49 = arith.constant 0 : index
    %get3A_50 = vector.load %arg6[%get3A_49] : memref<128xf32, #tpu.memory_space<vmem>>, vector<128xf32>
    %broadcast_in_dim3A_51 = vector.shape_cast %get3A_50 : vector<128xf32> to vector<1x128xf32>
    %add3A_52 = vector.broadcast %broadcast_in_dim3A_51 : vector<1x128xf32> to vector<1000x128xf32>
    %add3A_53 = arith.addf %mul3A_48, %add3A_52 : vector<1000x128xf32>
    %get3A_54 = arith.constant 0 : index
    %get3A_55 = arith.constant 0 : index
    %get3A_56 = vector.load %arg7[%get3A_54, %get3A_55] : memref<256x128xf32, #tpu.memory_space<vmem>>, vector<256x128xf32>
    %dot_general3A = arith.constant dense<0.000000e+00> : vector<1000x256xf32>
    %dot_general3A_57 = tpu.matmul %add3A_53, %get3A_56, %dot_general3A {dimension_numbers = #tpu.dot_dimension_numbers<[1], [1], [0], [0], [0, 0, 1, 0], [], []>, transpose_lhs_hint = false} : vector<1000x128xf32>, vector<256x128xf32>, vector<1000x256xf32> -> vector<1000x256xf32>
    %get3A_58 = arith.constant 0 : index
    %get3A_59 = vector.load %arg8[%get3A_58] : memref<256xf32, #tpu.memory_space<vmem>>, vector<256xf32>
    %broadcast_in_dim3A_60 = vector.shape_cast %get3A_59 : vector<256xf32> to vector<1x256xf32>
    %add3A_61 = vector.broadcast %broadcast_in_dim3A_60 : vector<1x256xf32> to vector<1000x256xf32>
    %add3A_62 = arith.addf %dot_general3A_57, %add3A_61 : vector<1000x256xf32>
    %max3A_63 = arith.constant 0.000000e+00 : f32
    %max3A_64 = vector.broadcast %max3A_63 : f32 to vector<1000x256xf32>
    %max3A_65 = arith.maximumf %add3A_62, %max3A_64 : vector<1000x256xf32>
    %get3A_66 = arith.constant 0 : index
    %get3A_67 = arith.constant 0 : index
    %get3A_68 = vector.load %arg9[%get3A_66, %get3A_67] : memref<128x256xf32, #tpu.memory_space<vmem>>, vector<128x256xf32>
    %dot_general3A_69 = arith.constant dense<0.000000e+00> : vector<1000x128xf32>
    %dot_general3A_70 = tpu.matmul %max3A_65, %get3A_68, %dot_general3A_69 {dimension_numbers = #tpu.dot_dimension_numbers<[1], [1], [0], [0], [0, 0, 1, 0], [], []>, transpose_lhs_hint = false} : vector<1000x256xf32>, vector<128x256xf32>, vector<1000x128xf32> -> vector<1000x128xf32>
    %get3A_71 = arith.constant 0 : index
    %get3A_72 = vector.load %arg10[%get3A_71] : memref<128xf32, #tpu.memory_space<vmem>>, vector<128xf32>
    %broadcast_in_dim3A_73 = vector.shape_cast %get3A_72 : vector<128xf32> to vector<1x128xf32>
    %add3A_74 = vector.broadcast %broadcast_in_dim3A_73 : vector<1x128xf32> to vector<1000x128xf32>
    %add3A_75 = arith.addf %dot_general3A_70, %add3A_74 : vector<1000x128xf32>
    %max3A_76 = arith.constant 0.000000e+00 : f32
    %max3A_77 = vector.broadcast %max3A_76 : f32 to vector<1000x128xf32>
    %max3A_78 = arith.maximumf %add3A_75, %max3A_77 : vector<1000x128xf32>
    %get3A_79 = arith.constant 0 : index
    %get3A_80 = arith.constant 0 : index
    %get3A_81 = vector.load %arg11[%get3A_79, %get3A_80] : memref<64x128xf32, #tpu.memory_space<vmem>>, vector<64x128xf32>
    %dot_general3A_82 = arith.constant dense<0.000000e+00> : vector<1000x64xf32>
    %dot_general3A_83 = tpu.matmul %max3A_78, %get3A_81, %dot_general3A_82 {dimension_numbers = #tpu.dot_dimension_numbers<[1], [1], [0], [0], [0, 0, 1, 0], [], []>, transpose_lhs_hint = false} : vector<1000x128xf32>, vector<64x128xf32>, vector<1000x64xf32> -> vector<1000x64xf32>
    %get3A_84 = arith.constant 0 : index
    %get3A_85 = vector.load %arg12[%get3A_84] : memref<64xf32, #tpu.memory_space<vmem>>, vector<64xf32>
    %broadcast_in_dim3A_86 = vector.shape_cast %get3A_85 : vector<64xf32> to vector<1x64xf32>
    %add3A_87 = vector.broadcast %broadcast_in_dim3A_86 : vector<1x64xf32> to vector<1000x64xf32>
    %add3A_88 = arith.addf %dot_general3A_83, %add3A_87 : vector<1000x64xf32>
    %max3A_89 = arith.constant 0.000000e+00 : f32
    %max3A_90 = vector.broadcast %max3A_89 : f32 to vector<1000x64xf32>
    %max3A_91 = arith.maximumf %add3A_88, %max3A_90 : vector<1000x64xf32>
    %swap3A = arith.constant 0 : index
    %swap3A_92 = arith.constant 0 : index
    %swap3A_93 = vector.load %arg13[%swap3A, %swap3A_92] : memref<1000x64xf32, #tpu.memory_space<vmem>>, vector<1000x64xf32>
    tpu.vector_store %arg13[%swap3A, %swap3A_92], %max3A_91 {strides = array<i32>} : memref<1000x64xf32, #tpu.memory_space<vmem>>, vector<1000x64xf32>,
    return
  }
  func.func @transform_0(%arg0: i32) -> (i32, i32, i32) {
    %c0_i32 = arith.constant 0 : i32
    %c0_i32_0 = arith.constant 0 : i32
    %c0_i32_1 = arith.constant 0 : i32
    return %c0_i32, %arg0, %c0_i32_0 : i32, i32, i32
  }
  func.func @transform_1(%arg0: i32) -> (i32, i32) {
    %c0_i32 = arith.constant 0 : i32
    %c0_i32_0 = arith.constant 0 : i32
    return %arg0, %c0_i32 : i32, i32
  }
  func.func @transform_2(%arg0: i32) -> (i32, i32) {
    %c0_i32 = arith.constant 0 : i32
    %c0_i32_0 = arith.constant 0 : i32
    return %arg0, %c0_i32 : i32, i32
  }
  func.func @transform_3(%arg0: i32) -> i32 {
    %c0_i32 = arith.constant 0 : i32
    %c0_i32_0 = arith.constant 0 : i32
    return %c0_i32 : i32
  }
  func.func @transform_4(%arg0: i32) -> i32 {
    %c0_i32 = arith.constant 0 : i32
    %c0_i32_0 = arith.constant 0 : i32
    return %c0_i32 : i32
  }
  func.func @transform_5(%arg0: i32) -> i32 {
    %c0_i32 = arith.constant 0 : i32
    %c0_i32_0 = arith.constant 0 : i32
    return %c0_i32 : i32
  }
  func.func @transform_6(%arg0: i32) -> (i32, i32) {
    %c0_i32 = arith.constant 0 : i32
    %c0_i32_0 = arith.constant 0 : i32
    %c0_i32_1 = arith.constant 0 : i32
    return %c0_i32, %c0_i32_0 : i32, i32
  }
  func.func @transform_7(%arg0: i32) -> i32 {
    %c0_i32 = arith.constant 0 : i32
    %c0_i32_0 = arith.constant 0 : i32
    return %c0_i32 : i32
  }
  func.func @transform_8(%arg0: i32) -> (i32, i32) {
    %c0_i32 = arith.constant 0 : i32
    %c0_i32_0 = arith.constant 0 : i32
    %c0_i32_1 = arith.constant 0 : i32
    return %c0_i32, %c0_i32_0 : i32, i32
  }
  func.func @transform_9(%arg0: i32) -> i32 {
    %c0_i32 = arith.constant 0 : i32
    %c0_i32_0 = arith.constant 0 : i32
    return %c0_i32 : i32
  }
  func.func @transform_10(%arg0: i32) -> (i32, i32) {
    %c0_i32 = arith.constant 0 : i32
    %c0_i32_0 = arith.constant 0 : i32
    %c0_i32_1 = arith.constant 0 : i32
    return %c0_i32, %c0_i32_0 : i32, i32
  }
  func.func @transform_11(%arg0: i32) -> i32 {
    %c0_i32 = arith.constant 0 : i32
    %c0_i32_0 = arith.constant 0 : i32
    return %c0_i32 : i32
  }
  func.func @transform_12(%arg0: i32) -> (i32, i32) {
    %c0_i32 = arith.constant 0 : i32
    %c0_i32_0 = arith.constant 0 : i32
    return %arg0, %c0_i32 : i32, i32
  }
}

module attributes {stable_mosaic.version = 14 : i64} {
  func.func @_final_block(%arg0: i32, %arg1: memref<400x64xf32, #tpu.memory_space<vmem>>, %arg2: memref<10000x64xf32, #tpu.memory_space<vmem>>, %arg3: memref<400x10000xf32, #tpu.memory_space<vmem>>) attributes {dimension_semantics = [#tpu.dimension_semantics<arbitrary>], iteration_bounds = array<i64: 25>, scalar_prefetch = 0 : i64, scratch_operands = 0 : i64, tpu.core_type = #tpu.core_type<tc>, window_params = [{transform_indices = @transform_0, window_bounds = array<i64: 400, 64>}, {pipeline_mode = #tpu.pipeline_mode<synchronous>, transform_indices = @transform_1, window_bounds = array<i64: 10000, 64>}, {transform_indices = @transform_2, window_bounds = array<i64: 400, 10000>}]} {
    %get3A = arith.constant 0 : index
    %get3A_0 = arith.constant 0 : index
    %get3A_1 = vector.load %arg1[%get3A, %get3A_0] : memref<400x64xf32, #tpu.memory_space<vmem>>, vector<400x64xf32>
    %get3A_2 = arith.constant 0 : index
    %get3A_3 = arith.constant 0 : index
    %get3A_4 = vector.load %arg2[%get3A_2, %get3A_3] : memref<10000x64xf32, #tpu.memory_space<vmem>>, vector<10000x64xf32>
    %dot_general3A = arith.constant dense<0.000000e+00> : vector<400x10000xf32>
    %dot_general3A_5 = tpu.matmul %get3A_1, %get3A_4, %dot_general3A {dimension_numbers = #tpu.dot_dimension_numbers<[1], [1], [0], [0], [0, 0, 1, 0], [], []>, transpose_lhs_hint = false} : vector<400x64xf32>, vector<10000x64xf32>, vector<400x10000xf32> -> vector<400x10000xf32>
    %swap3A = arith.constant 0 : index
    %swap3A_6 = arith.constant 0 : index
    %swap3A_7 = vector.load %arg3[%swap3A, %swap3A_6] : memref<400x10000xf32, #tpu.memory_space<vmem>>, vector<400x10000xf32>
    tpu.vector_store %arg3[%swap3A, %swap3A_6], %dot_general3A_5 {strides = array<i32>} : memref<400x10000xf32, #tpu.memory_space<vmem>>, vector<400x10000xf32>,
    return
  }
  func.func @transform_0(%arg0: i32) -> (i32, i32) {
    %c0_i32 = arith.constant 0 : i32
    %c0_i32_0 = arith.constant 0 : i32
    return %arg0, %c0_i32 : i32, i32
  }
  func.func @transform_1(%arg0: i32) -> (i32, i32) {
    %c0_i32 = arith.constant 0 : i32
    %c0_i32_0 = arith.constant 0 : i32
    %c0_i32_1 = arith.constant 0 : i32
    return %c0_i32, %c0_i32_0 : i32, i32
  }
  func.func @transform_2(%arg0: i32) -> (i32, i32) {
    %c0_i32 = arith.constant 0 : i32
    %c0_i32_0 = arith.constant 0 : i32
    return %arg0, %c0_i32 : i32, i32
  }
}

</mosaic_0001>

<sc_bundles>
// kernel: kernel.11.cloned.1.call-start
scs
__scs_entry_jumppad:
0x0: {  	(pc) =	sbr.rel $0x88, $3  }
0x1: {  	(tag) =	ssettag $0x0;
	lr =	simm.s32 $0x1  }
0x2: {  	[smem:$0x3F7D] =	sst lr;
	_ =	strace $0xD0000000  }
0x3: {  	_ = 	snop  }
0x4: {  	_ = 	snop  }
0x5: {  	_ = 	snop  }
0x6: {  	_ = 	snop  }
0x7: {  	_ = 	snop  }
__scs_overlays_trampoline_lowered:
0x8: {  	[smem:$0x3F8C] =	sst s0  }
0x9: {  	[smem:$0x3F8D] =	sst s1  }
0xa: {  	[smem:$0x3F8E] =	sst s2  }
0xb: {  	[smem:$0x3F8F] =	sst s3  }
0xc: {  	[smem:$0x3F90] =	sst s4  }
0xd: {  	[smem:$0x3F91] =	sst s5  }
0xe: {  	[smem:$0x3F92] =	sst s6  }
0xf: {  	[smem:$0x3F93] =	sst s7  }
0x10: {  	[smem:$0x3F94] =	sst s8  }
0x11: {  	[smem:$0x3F95] =	sst s9;
	s0 =	simm.s32 @!p0 $0x0  }
0x12: {  	s1 =	sld [smem:$0x3F7B];
	s0 =	simm.s32 @p0 $0x1  }
0x13: {  	[smem:$0x3F96] =	sst s0;
	s0 =	simm.s32 @!p1 $0x0  }
0x14: {  	s2 =	sld [smem:$0x3F7A];
	s0 =	simm.s32 @p1 $0x1  }
0x15: {  	[smem:$0x3F97] =	sst s0;
	s0 =	simm.s32 @!p2 $0x0  }
0x16: {  	s3 =	sld [smem:$0x3FDB];
	s0 =	simm.s32 @p2 $0x1  }
0x17: {  	s4 =	simm.s32 $0x1BF5;
	[smem:$0x3F99] =	sst s0  }
0x18: {  	s0 =	sld [smem:$0x3F7C];
	_ =	swait.ge [sflag:s4], $0x0  }
0x19: {  	s7 =	sld [smem:$0x3F7D]  }
0x1a: {  	s8 =	sadd.s32 $0xFFFFE003, lr  }
0x1b: {  	s9 =	sadd.s32 $0xFFFFFEF7, lr;
	s5 =	simm.s32 $0xFFFFFFFF;
	p2 =	slt.u32 s8, $0xFFFFF086  }
0x1c: {  	p1 =	slt.u32 s9, $0xF7A;
	s5 =	simm.s32 @!p2 $0x0  }
0x1d: {  	s5 =	simm.s32 @p1 $0x1;
	p0 =	seq.s32 s7, s2  }
0x1e: {  	s7 =	smul.u32 @!p0 $0xF7A, s2;
	p2 =	seq.s32 @!p0 s5, $0x0  }
0x1f: {  	s9 =	smul.u32 $0xF7A, s1;
	s8 =	simm.s32 @!p0 $0x1BF5;
	p2 =	por !p2, p0  }
0x20: {  	[sflag:s8] =	ssyncset.s32 @!p0 $0xFFFFF086;
	s6 =	sadd.s32 @!p0 s3, s7;
	s7 =	simm.s32 @!p0 $0x108  }
0x21: {  	s3 =	sadd.s32 s3, s9;
	s6 =	sadd.s32 @!p0 $0x88, s6;
	s7 =	simm.s32 @p2 $0x1082  }
0x22: {  	[simem:s7], [sflag:s8] =	dma.local @!p0 [hbm:s6], $0xF7A  }
0x23: {  	s9 =	sor.u32 $0xD0000000, s2;
	s6 =	simm.s32 $0x108;
	_ =	swait.ge @!p0 [sflag:s8], $0x0  }
0x24: {  	s3 =	sadd.s32 $0x88, s3;
	s6 =	simm.s32 @!p1 $0x1082;
	[sflag:s4] =	ssyncset.s32 $0xFFFFF086  }
0x25: {  	[simem:s6], [sflag:s4] =	dma.local [hbm:s3], $0xF7A  }
0x26: {  	[smem:$0x3F7D] =	sst s1;
	(tag) =	ssettag s2;
	_ =	strace s9  }
0x27: {  	s1 =	sld [smem:$0x3F8D]  }
0x28: {  	s2 =	sld [smem:$0x3F8E]  }
0x29: {  	s4 =	sld [smem:$0x3F90]  }
0x2a: {  	p0 =	seq.s32 s5, $0x0;
	s5 =	sld [smem:$0x3F91]  }
0x2b: {  	s6 =	sld [smem:$0x3F92]  }
0x2c: {  	s7 =	sld [smem:$0x3F93]  }
0x2d: {  	s3 =	simm.s32 $0x108;
	s8 =	sld [smem:$0x3F94]  }
0x2e: {  	s3 =	simm.s32 @!p0 $0x1082;
	s9 =	sld [smem:$0x3F95]  }
0x2f: {  	lr =	sadd.s32 s0, s3;
	s0 =	sld [smem:$0x3F8C]  }
0x30: {  	s3 =	sld [smem:$0x3F8F]  }
0x31: {  	[smem:$0x3F98] =	sst s10  }
0x32: {  	s10 =	sld [smem:$0x3F96];
	_ =	sdelay $0x3  }
0x33: {  	p0 =	seq.s32 s10, $0x1;
	s10 =	sld [smem:$0x3F98];
	_ =	sdelay $0x3  }
0x34: {  	[smem:$0x3F98] =	sst s10  }
0x35: {  	s10 =	sld [smem:$0x3F97];
	_ =	sdelay $0x3  }
0x36: {  	p1 =	seq.s32 s10, $0x1;
	s10 =	sld [smem:$0x3F98];
	_ =	sdelay $0x3  }
0x37: {  	[smem:$0x3F98] =	sst s10  }
0x38: {  	s10 =	sld [smem:$0x3F99]  }
0x39: {  	_ = 	snop;
	(pc) =	sbr.ind lr, $3  }
0x3a: {  	_ = 	snop  }
0x3b: {  	_ = 	snop  }
0x3c: {  	p2 =	seq.s32 s10, $0x1;
	s10 =	sld [smem:$0x3F98]  }
0x3d: {  	_ =	shalt  }
0x3e: {  	_ =	shalt  }
0x3f: {  	_ =	shalt  }
0x40: {  	_ =	shalt  }
0x41: {  	_ =	shalt  }
0x42: {  	_ =	shalt  }
0x43: {  	_ =	shalt  }
0x44: {  	_ =	shalt  }
0x45: {  	_ =	shalt  }
0x46: {  	_ =	shalt  }
0x47: {  	_ =	shalt  }
0x48: {  	_ =	shalt  }
0x49: {  	_ =	shalt  }
0x4a: {  	_ =	shalt  }
0x4b: {  	_ =	shalt  }
0x4c: {  	_ =	shalt  }
0x4d: {  	_ =	shalt  }
0x4e: {  	_ =	shalt  }
0x4f: {  	_ =	shalt  }
0x50: {  	_ =	shalt  }
0x51: {  	_ =	shalt  }
0x52: {  	_ =	shalt  }
0x53: {  	_ =	shalt  }
0x54: {  	_ =	shalt  }
0x55: {  	_ =	shalt  }
0x56: {  	_ =	shalt  }
0x57: {  	_ =	shalt  }
0x58: {  	_ =	shalt  }
0x59: {  	_ =	shalt  }
0x5a: {  	_ =	shalt  }
0x5b: {  	_ =	shalt  }
0x5c: {  	_ =	shalt  }
0x5d: {  	_ =	shalt  }
0x5e: {  	_ =	shalt  }
0x5f: {  	_ =	shalt  }
0x60: {  	_ =	shalt  }
0x61: {  	_ =	shalt  }
0x62: {  	_ =	shalt  }
0x63: {  	_ =	shalt  }
0x64: {  	_ =	shalt  }
0x65: {  	_ =	shalt  }
0x66: {  	_ =	shalt  }
0x67: {  	_ =	shalt  }
0x68: {  	_ =	shalt  }
0x69: {  	_ =	shalt  }
0x6a: {  	_ =	shalt  }
0x6b: {  	_ =	shalt  }
0x6c: {  	_ =	shalt  }
0x6d: {  	_ =	shalt  }
0x6e: {  	_ =	shalt  }
0x6f: {  	_ =	shalt  }
0x70: {  	_ =	shalt  }
0x71: {  	_ =	shalt  }
0x72: {  	_ =	shalt  }
0x73: {  	_ =	shalt  }
0x74: {  	_ =	shalt  }
0x75: {  	_ =	shalt  }
0x76: {  	_ =	shalt  }
0x77: {  	_ =	shalt  }
0x78: {  	_ =	shalt  }
0x79: {  	_ =	shalt  }
0x7a: {  	_ =	shalt  }
0x7b: {  	_ =	shalt  }
0x7c: {  	_ =	shalt  }
0x7d: {  	_ =	shalt  }
0x7e: {  	_ =	shalt  }
0x7f: {  	_ =	shalt  }
0x80: {  	_ =	shalt  }
0x81: {  	_ =	shalt  }
0x82: {  	_ =	shalt  }
0x83: {  	_ =	shalt  }
0x84: {  	_ =	shalt  }
0x85: {  	_ =	shalt  }
0x86: {  	_ =	shalt  }
0x87: {  	_ =	shalt  }
.Lfunc_end0:
.L_simem_size_0:
called_computation_lowered:
.L_overlay_start_0:
0x88: {  	s2 =	sld [smem:$0x3FD9]  }
0x89: {  	s3 =	sld [smem:$0x3FFE];
	_ =	sdelay $0x1  }
0x8a: {  	s1 =	srdreg.scid  }
0x8b: {  	s0 =	sand.u32 $0x1, s1  }
0x8c: {  	s17 =	sshll.u32 s0, $0xA;
	s2 =	sadd.s32 s3, s2  }
0x8d: {  	s2 =	sadd.s32 s2, s17  }
0x8e: {  	[smem:$0x3FA4] =	sst s2  }
0x8f: {  	_ = 	snop  }
0x90: {  	s4 =	sld [smem:$0x3FC7]  }
0x91: {  	s18 =	sld [smem:$0x3FD0];
	(tm) =	ssettm $0x1  }
0x92: {  	s19 =	sld [smem:$0x3FFB];
	_ =	sdelay $0x3  }
0x93: {  	_ =	strace s19  }
0x94: {  	s2 =	sld [smem:$0x3FFC];
	_ =	sdelay $0x3  }
0x95: {  	_ =	strace s2  }
0x96: {  	s2 =	sld [smem:$0x3FFD];
	_ =	sdelay $0x3  }
0x97: {  	_ =	strace s2  }
0x98: {  	_ =	strace $0x8FFFFFFF  }
0x99: {  	s20 =	sld [smem:$0x3FDB];
	_ =	sdelay $0x1  }
0x9a: {  	s5 =	simm.s32 $_scs_section_size  }
0x9b: {  	s6 =	simm.s32 $_size__tile_overlayer_lowered;
	s7 =	simm.s32 $_tile_overlayer_lowered  }
0x9c: {  	s8 =	simm.s32 $0x1BFF;
	s21 =	sshll.u32 s7, $0x1;
	s5 =	sadd.s32 s5, s20  }
0x9d: {  	s22 =	simm.s32 $0x0;
	s6 =	sshll.u32 s6, $0x1;
	s7 =	sadd.s32 s21, s5  }
0x9e: {  	[timem:s22], [sflag:s8] =	dma.local [hbm:s7], s6  }
0x9f: {  	_ =	swait.ge [sflag:s8], s6  }
0xa0: {  	s6 =	ssub.s32 $0x0, s6;
	[sflag:s8] =	ssyncset.done $0x0  }
0xa1: {  	[sflag:s8] =	ssyncadd.s32 s6;
	_ =	sdelay $0x1  }
0xa2: {  	s23 =	simm.s32 $0x1B8B  }
0xa3: {  	_ =	swait.ge [sflag:s23], $0x1  }
0xa4: {  	[sflag:s23] =	ssyncset.done $0x0  }
0xa5: {  	[sflag:s23] =	ssyncadd.s32 $0xFFFFFFFF  }
0xa6: {  	s6 =	sld [smem:$0x0]  }
0xa7: {  	s7 =	sand.u32 $0xFFFFFFFE, s1  }
0xa8: {  	p0 =	sne.s32 s1, s7  }
0xa9: {  	s7 =	sshll.u32 @p0 s7, $0xE  }
0xaa: {  	s7 =	sadd.s32 @p0 $0x11B8D, s7;
	s8 =	sshll.u32 @p0 s6, $0x11  }
0xab: {  	s7 =	sor.u32 @p0 s8, s7  }
0xac: {  	[sflag:s7] =	ssyncadd.remote.s32 @p0 $0x1;
	_ =	sdelay $0x1  }
0xad: {  	s7 =	simm.s32 @p0 $0x1B8D  }
0xae: {  	_ =	swait.eq @p0 [sflag:s7], $0x1  }
0xaf: {  	[sflag:s7] =	ssyncadd.s32 @p0 $0xFFFFFFFF  }
0xb0: {  	s8 =	sshll.u32 @!p0 s1, $0xE  }
0xb1: {  	s8 =	sor.u32 @!p0 $0x4000, s8;
	s7 =	simm.s32 @!p0 $0x1B8D  }
0xb2: {  	s6 =	sshll.u32 @!p0 s6, $0x11;
	s8 =	sadd.s32 @!p0 $0x11B8D, s8;
	_ =	swait.eq @!p0 [sflag:s7], $0x1  }
0xb3: {  	s6 =	sor.u32 @!p0 s6, s8;
	[sflag:s7] =	ssyncadd.s32 @!p0 $0xFFFFFFFF  }
0xb4: {  	s25 =	simm.s32 $0x1B8E;
	s24 =	sld [smem:$0x3FFE];
	[sflag:s6] =	ssyncadd.remote.s32 @!p0 $0x1  }
0xb5: {  	s26 =	simm.s32 $execute0_lowered;
	[smem:$0x3FD2] =	sst s25  }
0xb6: {  	s7 =	sshll.u32 s26, $0x1;
	_ =	strace $0x80000049;
	[dreg:$0x1] =	wrdreg $0xFFFFFFFF  }
0xb7: {  	s28 =	simm.s32 $_size_execute0_lowered;
	s5 =	sadd.s32 s5, s7;
	[dreg:$0x0] =	wrdreg $0x0  }
0xb8: {  	s7 =	sshll.u32 s28, $0x1;
	[dreg:$0x2] =	wrdreg s5  }
0xb9: {  	[dreg:$0x3] =	wrdreg s7  }
0xba: {  	[dreg:$0x4] =	wrdreg $0xC0  }
0xbb: {  	_ =	task [dreg:s22], $0x5FFFF  }
0xbc: {  	[dreg:$0x1] =	wrdreg $0xFFFFFFFF  }
0xbd: {  	[dreg:$0x0] =	wrdreg $0x60  }
0xbe: {  	[dreg:$0x2] =	wrdreg s4  }
0xbf: {  	[dreg:$0x3] =	wrdreg s24  }
0xc0: {  	[dreg:$0x4] =	wrdreg s18  }
0xc1: {  	[dreg:$0x5] =	wrdreg $0xB7800  }
0xc2: {  	[dreg:$0x6] =	wrdreg $0x9  }
0xc3: {  	_ =	task.clear_ibuf [dreg:s22], $0x7FFFF;
	_ =	strace $0x90000049  }
0xc4: {  	s29 =	simm.s32 $0x9;
	_ =	strace $0x8000004B  }
0xc5: {  	_ =	swait.ge [sflag:s29], $0x1  }
0xc6: {  	[sflag:s29] =	ssyncadd.s32 $0xFFFFFFFF  }
0xc7: {  	_ =	strace $0x9000004B  }
0xc8: {  	_ =	sfence  }
0xc9: {  	s30 =	sld [smem:$0x0];
	_ =	sdelay $0x2  }
0xca: {  	s31 =	sshll.u32 s1, $0xD;
	s1 =	sshrl.u32 s1, $0x2  }
0xcb: {  	s4 =	sand.u32 $0x4000, s31;
	s1 =	sadd.s32 s1, s30  }
0xcc: {  	s0 =	sor.u32 s4, s0;
	s1 =	sshll.u32 s1, $0x11  }
0xcd: {  	s0 =	sor.u32 s1, s0  }
0xce: {  	s0 =	sadd.s32 $0x8F2B, s0  }
0xcf: {  	[sflag:s0] =	ssyncadd.remote.s32 $0x1  }
0xd0: {  	_ =	sfence.sel $0xFFFF  }
0xd1: {  	[dreg:$0x0] =	wrdreg $0xFFFFFFFF;
	(pc) =	sbr.abs _section_cstart, $3  }
0xd2: {  	[dreg:$0x1] =	wrdreg $0xFFFFFFFF  }
0xd3: {  	_ =	task.clear_ibuf [dreg:s22], $0x2FFFF;
	_ =	strace $0x9FFFFFFF  }
0xd4: {  	(tm) =	ssettm $0x7FFFFFFF  }
0xd5: {  	_ =	shalt  }
tec
execute0_lowered:
.L_overlay_start_1:
0x0: {  	(tag) =	ssettag $0x1  }
0x1: {  	s1 =	rddreg [dreg:$0x0]  }
0x2: {  	s0 =	rddreg [dreg:$0x1]  }
0x3: {  	s3 =	rddreg [dreg:$0x2]  }
0x4: {  	s2 =	rddreg [dreg:$0x3];
	s4 =	simm.s32 $0x0;
	s14 =	stileid.u32  }
0x5: {  	s19 =	srdreg.scid;
	s15 =	simm.s32 $0x5;
	s16 =	simm.s32 $0x9000  }
0x6: {  	s17 =	simm.s32 $0x800;
	s18 =	simm.s32 $0x80;
	s28 =	simm.s32 $0x580  }
0x7: {  	s29 =	simm.s32 $0xD00;
	s30 =	simm.s32 $0x600;
	s31 =	simm.s32 $0xD80  }
0x8: {  	[smem:$0x7FF] =	sst s4;
	s5 =	sadd.s32 $0xA6E00, s0;
	s7 =	smul.u32 $0x13C00, s14  }
0x9: {  	s4 =	sand.u32 $0x1, s19;
	s8 =	sshll.u32 s14, $0x1;
	s6 =	sadd.s32 $0x9CE00, s0  }
0xa: {  	s9 =	sshrl.u32 s14, $0x2;
	s12 =	sadd.s32 $0x1C200, s0;
	s21 =	smul.u32 $0x4F000, s14  }
0xb: {  	s24 =	sshll.u32 s14, $0x6;
	s19 =	simm.s32 $0x1000;
	_ =	strace $0x8000004A  }
0xc: {  	s8 =	sor.u32 s4, s8;
	s9 =	smul.u32 $0x13C00, s9;
	[dreg:$0x5] =	wrdreg s12  }
0xd: {  	s20 =	ssub.s32 $0x2, s4;
	s4 =	smul.u32 $0x13C000, s4;
	s14 =	sor.u32 $0x1C05, s24  }
0xe: {  	s24 =	simm.s32 $0x2;
	s12 =	simm.s32 $0x400;
	s10 =	sshrl.u32 s7, $0x3  }
0xf: {  	s11 =	sshll.u32 s8, $0x7;
	s13 =	sshrl.u32 s20, $0x1;
	s23 =	sshrl.u32 s21, $0x2  }
0x10: {  	s21 =	simm.s32 $0x1;
	[dreg:$0x7] =	wrdreg s14;
	s10 =	sadd.s32 s10, s0  }
0x11: {  	s11 =	sand.u32 $0x380, s11;
	s22 =	ssub.s32 s20, s13;
	s4 =	sadd.s32 s7, s4  }
0x12: {  	s20 =	simm.s32 $0x5000;
	s7 =	simm.s32 $0xE80;
	s13 =	simm.s32 $0xF80  }
0x13: {  	s9 =	sor.u32 s9, s11;
	s11 =	sadd.s32 s23, s2;
	s25 =	sadd.s32 $0x1C800, s10  }
0x14: {  	s4 =	sshrl.u32 s4, $0x3;
	s10 =	smul.u32 $0x2800, s8;
	s26 =	smax.u32 s22, $0x1  }
0x15: {  	s22 =	simm.s32 $0x3;
	s8 =	simm.s32 $0x780;
	[dreg:$0x6] =	wrdreg s25  }
0x16: {  	s9 =	sshrl.u32 s9, $0x3;
	s3 =	sadd.s32 s3, s4;
	[dreg:$0xa] =	wrdreg s26  }
0x17: {  	s23 =	sshrl.u32 s11, $0x3;
	s26 =	simm.s32 $0x4;
	s4 =	simm.s32 $0x700  }
0x18: {  	s11 =	simm.s32 $0xF00;
	s0 =	sadd.s32 s9, s0;
	[dreg:$0x8] =	wrdreg s3  }
0x19: {  	s25 =	simm.s32 $0x0;
	[dreg:$0xb] =	wrdreg s23;
	s0 =	sadd.s32 $0xB0E00, s0  }
0x1a: {  	v0 =	vimm.f32 $1.000000000e+00;
	s3 =	simm.s32 $0xE00;
	[dreg:$0x9] =	wrdreg s0;
	s0 =	simm.s32 $0x680  }
.LBB2_1:
0x1b: {  	[dreg:$0xc] =	wrdreg s25  }
0x1c: {  	s9 =	rddreg [dreg:$0x6]  }
0x1d: {  	[spmem:s23], [sflag:s14] =	dma.local [hbm:s9], $0x2780  }
0x1e: {  	_ =	swait.ge [sflag:s15], $0x2780  }
0x1f: {  	[sflag:s15] =	ssyncset.done $0x0  }
0x20: {  	s23 =	simm.s32 $0x0;
	s25 =	rddreg [dreg:$0x5];
	[sflag:s15] =	ssyncadd.s32 $0xFFFFD880  }
0x21: {  	[tilespmem:s16], [sflag:$0x5] =	stream.linear.gather [hbm4b:s25+s23], $0x2780, $0x38;
	[tilespmem:$0x1F380] =	vst v63  }
0x22: {  	_ =	swait.ge [sflag:s15], $0x2780  }
0x23: {  	[sflag:s15] =	ssyncset.done $0x0  }
0x24: {  	[sflag:s15] =	ssyncadd.s32 $0xFFFFD880  }
0x25: {  	s9 =	simm.s32 $0x0;
	[bflag:$0x0] =	sbarrier.arrive $0xFFFF  }
.LBB2_2:
0x26: {  	s14 =	sshll.u32 s9, $0xB  }
0x27: {  	s14 =	sadd.s32 s10, s14  }
0x28: {  	s23 =	sshrl.u32 s14, $0x3  }
0x29: {  	s14 =	simm.s32 $0x0;
	s25 =	sadd.s32 s5, s23  }
0x2a: {  	[tilespmem:s14], [sflag:$0x5] =	stream.linear.gather [hbm4b:s25+s14], $0x800, $0x38;
	[tilespmem:$0x1F380] =	vst v63  }
0x2b: {  	_ =	swait.ge [sflag:s15], $0x800  }
0x2c: {  	[sflag:s15] =	ssyncset.done $0x0  }
0x2d: {  	s23 =	sadd.s32 s6, s23;
	[sflag:s15] =	ssyncadd.s32 $0xFFFFF800  }
0x2e: {  	[tilespmem:s17], [sflag:$0x5] =	stream.linear.gather [hbm4b:s23+s14], $0x800, $0x38;
	[tilespmem:$0x1F380] =	vst v63  }
0x2f: {  	_ =	swait.ge [sflag:s15], $0x800  }
0x30: {  	[sflag:s15] =	ssyncset.done $0x0  }
0x31: {  	[sflag:s15] =	ssyncadd.s32 $0xFFFFF800  }
0x32: {  	[tilespmem:s19], [sflag:$0x1] =	stream.indirect.gather [hbm4b:s1+s18], $0x80, s14, s18, $0xb8;
	[tilespmem:$0x1F380] =	vst v63  }
0x33: {  	_ = 	snop  }
0x34: {  	[tilespmem:s20], [sflag:$0x2] =	stream.indirect.gather [hbm4b:s1+s18], $0x80, s18, s18, $0xb8;
	[tilespmem:$0x1F380] =	vst v63  }
0x35: {  	_ =	swait.ge [sflag:s21], $0x4000  }
0x36: {  	[sflag:s21] =	ssyncset.done $0x0  }
0x37: {  	[sflag:s21] =	ssyncadd.s32 $0xFFFFC000  }
0x38: {  	[spmem:s2] =	stream.indirect.scatter.add.f32 [tilespmem:s19], [sflag:$0x3], $0x80, s17, s18, $0xb8;
	[tilespmem:$0x1F380] =	vst v63  }
0x39: {  	_ =	swait.ge [sflag:s22], $0x4000  }
0x3a: {  	[sflag:s22] =	ssyncset.done $0x0  }
0x3b: {  	s25 =	simm.s32 $0x100;
	[sflag:s22] =	ssyncadd.s32 $0xFFFFC000  }
0x3c: {  	[tilespmem:s19], [sflag:$0x1] =	stream.indirect.gather [hbm4b:s1+s18], $0x80, s25, s18, $0xb8;
	[tilespmem:$0x1F380] =	vst v63  }
0x3d: {  	_ =	swait.ge [sflag:s24], $0x4000  }
0x3e: {  	[sflag:s24] =	ssyncset.done $0x0  }
0x3f: {  	s25 =	simm.s32 $0x880;
	[sflag:s24] =	ssyncadd.s32 $0xFFFFC000  }
0x40: {  	[spmem:s2] =	stream.indirect.scatter.add.f32 [tilespmem:s20], [sflag:$0x4], $0x80, s25, s18, $0xb8;
	[tilespmem:$0x1F380] =	vst v63  }
0x41: {  	_ =	swait.ge [sflag:s26], $0x4000  }
0x42: {  	[sflag:s26] =	ssyncset.done $0x0  }
0x43: {  	s25 =	simm.s32 $0x180;
	[sflag:s26] =	ssyncadd.s32 $0xFFFFC000  }
0x44: {  	[tilespmem:s20], [sflag:$0x2] =	stream.indirect.gather [hbm4b:s1+s18], $0x80, s25, s18, $0xb8;
	[tilespmem:$0x1F380] =	vst v63  }
0x45: {  	_ =	swait.ge [sflag:s21], $0x4000  }
0x46: {  	[sflag:s21] =	ssyncset.done $0x0  }
0x47: {  	s25 =	simm.s32 $0x900;
	[sflag:s21] =	ssyncadd.s32 $0xFFFFC000  }
0x48: {  	[spmem:s2] =	stream.indirect.scatter.add.f32 [tilespmem:s19], [sflag:$0x3], $0x80, s25, s18, $0xb8;
	[tilespmem:$0x1F380] =	vst v63  }
0x49: {  	_ =	swait.ge [sflag:s22], $0x4000  }
0x4a: {  	[sflag:s22] =	ssyncset.done $0x0  }
0x4b: {  	s25 =	simm.s32 $0x200;
	[sflag:s22] =	ssyncadd.s32 $0xFFFFC000  }
0x4c: {  	[tilespmem:s19], [sflag:$0x1] =	stream.indirect.gather [hbm4b:s1+s18], $0x80, s25, s18, $0xb8;
	[tilespmem:$0x1F380] =	vst v63  }
0x4d: {  	_ =	swait.ge [sflag:s24], $0x4000  }
0x4e: {  	[sflag:s24] =	ssyncset.done $0x0  }
0x4f: {  	s25 =	simm.s32 $0x980;
	[sflag:s24] =	ssyncadd.s32 $0xFFFFC000  }
0x50: {  	[spmem:s2] =	stream.indirect.scatter.add.f32 [tilespmem:s20], [sflag:$0x4], $0x80, s25, s18, $0xb8;
	[tilespmem:$0x1F380] =	vst v63  }
0x51: {  	_ =	swait.ge [sflag:s26], $0x4000  }
0x52: {  	[sflag:s26] =	ssyncset.done $0x0  }
0x53: {  	s25 =	simm.s32 $0x280;
	[sflag:s26] =	ssyncadd.s32 $0xFFFFC000  }
0x54: {  	[tilespmem:s20], [sflag:$0x2] =	stream.indirect.gather [hbm4b:s1+s18], $0x80, s25, s18, $0xb8;
	[tilespmem:$0x1F380] =	vst v63  }
0x55: {  	_ =	swait.ge [sflag:s21], $0x4000  }
0x56: {  	[sflag:s21] =	ssyncset.done $0x0  }
0x57: {  	s25 =	simm.s32 $0xA00;
	[sflag:s21] =	ssyncadd.s32 $0xFFFFC000  }
0x58: {  	[spmem:s2] =	stream.indirect.scatter.add.f32 [tilespmem:s19], [sflag:$0x3], $0x80, s25, s18, $0xb8;
	[tilespmem:$0x1F380] =	vst v63  }
0x59: {  	_ =	swait.ge [sflag:s22], $0x4000  }
0x5a: {  	[sflag:s22] =	ssyncset.done $0x0  }
0x5b: {  	s25 =	simm.s32 $0x300;
	[sflag:s22] =	ssyncadd.s32 $0xFFFFC000  }
0x5c: {  	[tilespmem:s19], [sflag:$0x1] =	stream.indirect.gather [hbm4b:s1+s18], $0x80, s25, s18, $0xb8;
	[tilespmem:$0x1F380] =	vst v63  }
0x5d: {  	_ =	swait.ge [sflag:s24], $0x4000  }
0x5e: {  	[sflag:s24] =	ssyncset.done $0x0  }
0x5f: {  	s25 =	simm.s32 $0xA80;
	[sflag:s24] =	ssyncadd.s32 $0xFFFFC000  }
0x60: {  	[spmem:s2] =	stream.indirect.scatter.add.f32 [tilespmem:s20], [sflag:$0x4], $0x80, s25, s18, $0xb8;
	[tilespmem:$0x1F380] =	vst v63  }
0x61: {  	_ =	swait.ge [sflag:s26], $0x4000  }
0x62: {  	[sflag:s26] =	ssyncset.done $0x0  }
0x63: {  	s25 =	simm.s32 $0x380;
	[sflag:s26] =	ssyncadd.s32 $0xFFFFC000  }
0x64: {  	[tilespmem:s20], [sflag:$0x2] =	stream.indirect.gather [hbm4b:s1+s18], $0x80, s25, s18, $0xb8;
	[tilespmem:$0x1F380] =	vst v63  }
0x65: {  	_ =	swait.ge [sflag:s21], $0x4000  }
0x66: {  	[sflag:s21] =	ssyncset.done $0x0  }
0x67: {  	s25 =	simm.s32 $0xB00;
	[sflag:s21] =	ssyncadd.s32 $0xFFFFC000  }
0x68: {  	[spmem:s2] =	stream.indirect.scatter.add.f32 [tilespmem:s19], [sflag:$0x3], $0x80, s25, s18, $0xb8;
	[tilespmem:$0x1F380] =	vst v63  }
0x69: {  	_ =	swait.ge [sflag:s22], $0x4000  }
0x6a: {  	[sflag:s22] =	ssyncset.done $0x0  }
0x6b: {  	[sflag:s22] =	ssyncadd.s32 $0xFFFFC000  }
0x6c: {  	[tilespmem:s19], [sflag:$0x1] =	stream.indirect.gather [hbm4b:s1+s18], $0x80, s12, s18, $0xb8;
	[tilespmem:$0x1F380] =	vst v63  }
0x6d: {  	_ =	swait.ge [sflag:s24], $0x4000  }
0x6e: {  	[sflag:s24] =	ssyncset.done $0x0  }
0x6f: {  	s25 =	simm.s32 $0xB80;
	[sflag:s24] =	ssyncadd.s32 $0xFFFFC000  }
0x70: {  	[spmem:s2] =	stream.indirect.scatter.add.f32 [tilespmem:s20], [sflag:$0x4], $0x80, s25, s18, $0xb8;
	[tilespmem:$0x1F380] =	vst v63  }
0x71: {  	_ =	swait.ge [sflag:s26], $0x4000  }
0x72: {  	[sflag:s26] =	ssyncset.done $0x0  }
0x73: {  	s25 =	simm.s32 $0x480;
	[sflag:s26] =	ssyncadd.s32 $0xFFFFC000  }
0x74: {  	[tilespmem:s20], [sflag:$0x2] =	stream.indirect.gather [hbm4b:s1+s18], $0x80, s25, s18, $0xb8;
	[tilespmem:$0x1F380] =	vst v63  }
0x75: {  	_ =	swait.ge [sflag:s21], $0x4000  }
0x76: {  	[sflag:s21] =	ssyncset.done $0x0  }
0x77: {  	s25 =	simm.s32 $0xC00;
	[sflag:s21] =	ssyncadd.s32 $0xFFFFC000  }
0x78: {  	[spmem:s2] =	stream.indirect.scatter.add.f32 [tilespmem:s19], [sflag:$0x3], $0x80, s25, s18, $0xb8;
	[tilespmem:$0x1F380] =	vst v63  }
0x79: {  	_ =	swait.ge [sflag:s22], $0x4000  }
0x7a: {  	[sflag:s22] =	ssyncset.done $0x0  }
0x7b: {  	s25 =	simm.s32 $0x500;
	[sflag:s22] =	ssyncadd.s32 $0xFFFFC000  }
0x7c: {  	[tilespmem:s19], [sflag:$0x1] =	stream.indirect.gather [hbm4b:s1+s18], $0x80, s25, s18, $0xb8;
	[tilespmem:$0x1F380] =	vst v63  }
0x7d: {  	_ =	swait.ge [sflag:s24], $0x4000  }
0x7e: {  	[sflag:s24] =	ssyncset.done $0x0  }
0x7f: {  	s25 =	simm.s32 $0xC80;
	[sflag:s24] =	ssyncadd.s32 $0xFFFFC000  }
0x80: {  	[spmem:s2] =	stream.indirect.scatter.add.f32 [tilespmem:s20], [sflag:$0x4], $0x80, s25, s18, $0xb8;
	[tilespmem:$0x1F380] =	vst v63  }
0x81: {  	_ =	swait.ge [sflag:s26], $0x4000  }
0x82: {  	[sflag:s26] =	ssyncset.done $0x0  }
0x83: {  	[sflag:s26] =	ssyncadd.s32 $0xFFFFC000  }
0x84: {  	[tilespmem:s20], [sflag:$0x2] =	stream.indirect.gather [hbm4b:s1+s18], $0x80, s28, s18, $0xb8;
	[tilespmem:$0x1F380] =	vst v63  }
0x85: {  	_ =	swait.ge [sflag:s21], $0x4000  }
0x86: {  	[sflag:s21] =	ssyncset.done $0x0  }
0x87: {  	[sflag:s21] =	ssyncadd.s32 $0xFFFFC000  }
0x88: {  	[spmem:s2] =	stream.indirect.scatter.add.f32 [tilespmem:s19], [sflag:$0x3], $0x80, s29, s18, $0xb8;
	[tilespmem:$0x1F380] =	vst v63  }
0x89: {  	_ =	swait.ge [sflag:s22], $0x4000  }
0x8a: {  	[sflag:s22] =	ssyncset.done $0x0  }
0x8b: {  	[sflag:s22] =	ssyncadd.s32 $0xFFFFC000  }
0x8c: {  	[tilespmem:s19], [sflag:$0x1] =	stream.indirect.gather [hbm4b:s1+s18], $0x80, s30, s18, $0xb8;
	[tilespmem:$0x1F380] =	vst v63  }
0x8d: {  	_ =	swait.ge [sflag:s24], $0x4000  }
0x8e: {  	[sflag:s24] =	ssyncset.done $0x0  }
0x8f: {  	[sflag:s24] =	ssyncadd.s32 $0xFFFFC000  }
0x90: {  	[spmem:s2] =	stream.indirect.scatter.add.f32 [tilespmem:s20], [sflag:$0x4], $0x80, s31, s18, $0xb8;
	[tilespmem:$0x1F380] =	vst v63  }
0x91: {  	_ =	swait.ge [sflag:s26], $0x4000  }
0x92: {  	[sflag:s26] =	ssyncset.done $0x0  }
0x93: {  	[sflag:s26] =	ssyncadd.s32 $0xFFFFC000  }
0x94: {  	[tilespmem:s20], [sflag:$0x2] =	stream.indirect.gather [hbm4b:s1+s18], $0x80, s0, s18, $0xb8;
	[tilespmem:$0x1F380] =	vst v63  }
0x95: {  	_ =	swait.ge [sflag:s21], $0x4000  }
0x96: {  	[sflag:s21] =	ssyncset.done $0x0  }
0x97: {  	[sflag:s21] =	ssyncadd.s32 $0xFFFFC000  }
0x98: {  	[spmem:s2] =	stream.indirect.scatter.add.f32 [tilespmem:s19], [sflag:$0x3], $0x80, s3, s18, $0xb8;
	[tilespmem:$0x1F380] =	vst v63  }
0x99: {  	_ =	swait.ge [sflag:s22], $0x4000  }
0x9a: {  	[sflag:s22] =	ssyncset.done $0x0  }
0x9b: {  	[sflag:s22] =	ssyncadd.s32 $0xFFFFC000  }
0x9c: {  	[tilespmem:s19], [sflag:$0x1] =	stream.indirect.gather [hbm4b:s1+s18], $0x80, s4, s18, $0xb8;
	[tilespmem:$0x1F380] =	vst v63  }
0x9d: {  	_ =	swait.ge [sflag:s24], $0x4000  }
0x9e: {  	[sflag:s24] =	ssyncset.done $0x0  }
0x9f: {  	[sflag:s24] =	ssyncadd.s32 $0xFFFFC000  }
0xa0: {  	[spmem:s2] =	stream.indirect.scatter.add.f32 [tilespmem:s20], [sflag:$0x4], $0x80, s7, s18, $0xb8;
	[tilespmem:$0x1F380] =	vst v63  }
0xa1: {  	_ =	swait.ge [sflag:s26], $0x4000  }
0xa2: {  	[sflag:s26] =	ssyncset.done $0x0  }
0xa3: {  	[sflag:s26] =	ssyncadd.s32 $0xFFFFC000  }
0xa4: {  	[tilespmem:s20], [sflag:$0x2] =	stream.indirect.gather [hbm4b:s1+s18], $0x80, s8, s18, $0xb8;
	[tilespmem:$0x1F380] =	vst v63  }
0xa5: {  	_ =	swait.ge [sflag:s21], $0x4000  }
0xa6: {  	[sflag:s21] =	ssyncset.done $0x0  }
0xa7: {  	[sflag:s21] =	ssyncadd.s32 $0xFFFFC000  }
0xa8: {  	[spmem:s2] =	stream.indirect.scatter.add.f32 [tilespmem:s19], [sflag:$0x3], $0x80, s11, s18, $0xb8;
	[tilespmem:$0x1F380] =	vst v63  }
0xa9: {  	_ =	swait.ge [sflag:s22], $0x4000  }
0xaa: {  	[sflag:s22] =	ssyncset.done $0x0  }
0xab: {  	[sflag:s22] =	ssyncadd.s32 $0xFFFFC000  }
0xac: {  	_ =	swait.ge [sflag:s24], $0x4000  }
0xad: {  	[sflag:s24] =	ssyncset.done $0x0  }
0xae: {  	[sflag:s24] =	ssyncadd.s32 $0xFFFFC000  }
0xaf: {  	[spmem:s2] =	stream.indirect.scatter.add.f32 [tilespmem:s20], [sflag:$0x4], $0x80, s13, s18, $0xb8;
	[tilespmem:$0x1F380] =	vst v63  }
0xb0: {  	_ =	swait.ge [sflag:s26], $0x4000  }
0xb1: {  	[sflag:s26] =	ssyncset.done $0x0  }
0xb2: {  	[sflag:s26] =	ssyncadd.s32 $0xFFFFC000  }
.LBB2_3:
0xb3: {  	s23 =	sshra.s32 s14, $0x2  }
0xb4: {  	v1 =	vld [tilespmem:s23+$0x800];
	_ =	sdelay $0x7  }
0xb5: {  	[tilespmem:v1+s16+$0x0] =	vst.idx.add.f32.msk $0xffff, v0  }
0xb6: {  	v1 =	vld [tilespmem:s23+$0x810];
	_ =	sdelay $0x7  }
0xb7: {  	[tilespmem:v1+s16+$0x0] =	vst.idx.add.f32.msk $0xffff, v0  }
0xb8: {  	v1 =	vld [tilespmem:s23+$0x820];
	_ =	sdelay $0x7  }
0xb9: {  	[tilespmem:v1+s16+$0x0] =	vst.idx.add.f32.msk $0xffff, v0  }
0xba: {  	v1 =	vld [tilespmem:s23+$0x830];
	_ =	sdelay $0x7  }
0xbb: {  	[tilespmem:v1+s16+$0x0] =	vst.idx.add.f32.msk $0xffff, v0  }
0xbc: {  	v1 =	vld [tilespmem:s23+$0x840];
	_ =	sdelay $0x7  }
0xbd: {  	[tilespmem:v1+s16+$0x0] =	vst.idx.add.f32.msk $0xffff, v0  }
0xbe: {  	v1 =	vld [tilespmem:s23+$0x850];
	_ =	sdelay $0x7  }
0xbf: {  	[tilespmem:v1+s16+$0x0] =	vst.idx.add.f32.msk $0xffff, v0  }
0xc0: {  	v1 =	vld [tilespmem:s23+$0x860];
	_ =	sdelay $0x7  }
0xc1: {  	[tilespmem:v1+s16+$0x0] =	vst.idx.add.f32.msk $0xffff, v0  }
0xc2: {  	v1 =	vld [tilespmem:s23+$0x870];
	_ =	sdelay $0x2  }
0xc3: {  	p0 =	sne.s32 s14, $0x1E00  }
.Ltmp0:
0xc4: {  	_ = 	snop;
	(pc) =	sbr.rel @p0 .LBB2_3-.Ltmp0, $2  }
0xc5: {  	_ =	sdelay $0x2  }
0xc6: {  	s14 =	sadd.s32 $0x200, s14;
	[tilespmem:v1+s16+$0x0] =	vst.idx.add.f32.msk $0xffff, v0  }
0xc7: {  	s9 =	sadd.s32 $0x1, s9  }
0xc8: {  	p0 =	sne.s32 s9, $0x5  }
.Ltmp1:
0xc9: {  	_ = 	snop;
	(pc) =	sbr.rel @p0 .LBB2_2-.Ltmp1, $1  }
0xca: {  	_ =	sdelay $0x3  }
0xcb: {  	[bflag:$0x0] =	sbarrier.arrive $0xFFFF  }
0xcc: {  	s14 =	rddreg [dreg:$0x7]  }
0xcd: {  	s9 =	rddreg [dreg:$0x8]  }
0xce: {  	s23 =	rddreg [dreg:$0xb]  }
0xcf: {  	[hbm:s9], [sflag:s14] =	dma.local [spmem:s23], $0x2780  }
0xd0: {  	_ =	swait.ge [sflag:s15], $0x2780  }
0xd1: {  	[sflag:s15] =	ssyncset.done $0x0  }
0xd2: {  	s25 =	rddreg [dreg:$0x9];
	[sflag:s15] =	ssyncadd.s32 $0xFFFFD880  }
0xd3: {  	[hbm4b:s25+s18] =	stream.strided.scatter [tilespmem:s16], [sflag:$0x5], $0x2780, s12, s18, $0x38;
	[tilespmem:$0x1F380] =	vst v63  }
0xd4: {  	_ =	swait.ge [sflag:s15], $0x2780  }
0xd5: {  	s25 =	rddreg [dreg:$0xc]  }
0xd6: {  	s9 =	rddreg [dreg:$0xa];
	s25 =	sadd.s32 $0x1, s25  }
0xd7: {  	p0 =	sne.s32 s25, s9  }
.Ltmp2:
0xd8: {  	_ = 	snop;
	(pc) =	sbr.rel @p0 .LBB2_1-.Ltmp2, $3  }
0xd9: {  	_ =	sdelay $0x1  }
0xda: {  	[sflag:s15] =	ssyncset.done $0x0  }
0xdb: {  	[sflag:s15] =	ssyncadd.s32 $0xFFFFD880  }
0xdc: {  	_ =	sfence.sel $0x180000  }
0xdd: {  	[bflag:$0x0] =	sbarrier.arrive $0xFFFF  }
0xde: {  	_ =	strace $0x9000004A  }
0xdf: {  	s0 =	stileid.u32;
	[bflag:$0x2] =	sbarrier.arrive $0xFFFF  }
0xe0: {  	p0 =	sne.s32 s0, $0x0;
	s0 =	rddreg [dreg:$0x4]  }
0xe1: {  	s0 =	sadd.s32 @!p0 $0x100000, s0  }
0xe2: {  	[sflag:s0] =	ssyncadd.tile.s32 @!p0 $0x1;
	_ =	shalt  }
.Lfunc_end2:
_tile_overlayer_lowered:
.L_overlay_start_2:
0xe3: {  	(tag) =	ssettag $0x2  }
0xe4: {  	s0 =	rddreg [dreg:$0x0];
	s2 =	stileid.u32  }
0xe5: {  	s1 =	rddreg [dreg:$0x1];
	p0 =	sne.s32 s2, $0x0  }
0xe6: {  	s3 =	rddreg [dreg:$0x2];
	[bflag:$0x3] =	sbarrier.arrive $0xFFFF;
	s2 =	simm.s32 @!p0 $0x1C05  }
0xe7: {  	[timem:s3], [sflag:s2] =	dma.local @!p0 [hbm:s0], s1  }
0xe8: {  	s0 =	simm.s32 @!p0 $0x5  }
0xe9: {  	_ =	swait.ge @!p0 [sflag:s0], s1  }
0xea: {  	s1 =	ssub.s32 @!p0 $0x0, s1;
	[sflag:s0] =	ssyncset.done @!p0 $0x0  }
0xeb: {  	[sflag:s0] =	ssyncadd.s32 @!p0 s1  }
0xec: {  	[bflag:$0x3] =	sbarrier.arrive $0xFFFF  }
0xed: {  	_ =	shalt  }

// kernel: kernel.14.cloned.1.call-start
scs
__scs_entry_jumppad:
0x0: {  	(pc) =	sbr.rel $0x88, $3  }
0x1: {  	(tag) =	ssettag $0x0;
	lr =	simm.s32 $0x1  }
0x2: {  	[smem:$0x3F7D] =	sst lr;
	_ =	strace $0xD0000000  }
0x3: {  	_ = 	snop  }
0x4: {  	_ = 	snop  }
0x5: {  	_ = 	snop  }
0x6: {  	_ = 	snop  }
0x7: {  	_ = 	snop  }
__scs_overlays_trampoline_lowered:
0x8: {  	[smem:$0x3F8C] =	sst s0  }
0x9: {  	[smem:$0x3F8D] =	sst s1  }
0xa: {  	[smem:$0x3F8E] =	sst s2  }
0xb: {  	[smem:$0x3F8F] =	sst s3  }
0xc: {  	[smem:$0x3F90] =	sst s4  }
0xd: {  	[smem:$0x3F91] =	sst s5  }
0xe: {  	[smem:$0x3F92] =	sst s6  }
0xf: {  	[smem:$0x3F93] =	sst s7  }
0x10: {  	[smem:$0x3F94] =	sst s8  }
0x11: {  	[smem:$0x3F95] =	sst s9;
	s0 =	simm.s32 @!p0 $0x0  }
0x12: {  	s1 =	sld [smem:$0x3F7B];
	s0 =	simm.s32 @p0 $0x1  }
0x13: {  	[smem:$0x3F96] =	sst s0;
	s0 =	simm.s32 @!p1 $0x0  }
0x14: {  	s2 =	sld [smem:$0x3F7A];
	s0 =	simm.s32 @p1 $0x1  }
0x15: {  	[smem:$0x3F97] =	sst s0;
	s0 =	simm.s32 @!p2 $0x0  }
0x16: {  	s3 =	sld [smem:$0x3FDB];
	s0 =	simm.s32 @p2 $0x1  }
0x17: {  	s4 =	simm.s32 $0x1BF5;
	[smem:$0x3F99] =	sst s0  }
0x18: {  	s0 =	sld [smem:$0x3F7C];
	_ =	swait.ge [sflag:s4], $0x0  }
0x19: {  	s7 =	sld [smem:$0x3F7D]  }
0x1a: {  	s8 =	sadd.s32 $0xFFFFE003, lr  }
0x1b: {  	s9 =	sadd.s32 $0xFFFFFEF7, lr;
	s5 =	simm.s32 $0xFFFFFFFF;
	p2 =	slt.u32 s8, $0xFFFFF086  }
0x1c: {  	p1 =	slt.u32 s9, $0xF7A;
	s5 =	simm.s32 @!p2 $0x0  }
0x1d: {  	s5 =	simm.s32 @p1 $0x1;
	p0 =	seq.s32 s7, s2  }
0x1e: {  	s7 =	smul.u32 @!p0 $0xF7A, s2;
	p2 =	seq.s32 @!p0 s5, $0x0  }
0x1f: {  	s9 =	smul.u32 $0xF7A, s1;
	s8 =	simm.s32 @!p0 $0x1BF5;
	p2 =	por !p2, p0  }
0x20: {  	[sflag:s8] =	ssyncset.s32 @!p0 $0xFFFFF086;
	s6 =	sadd.s32 @!p0 s3, s7;
	s7 =	simm.s32 @!p0 $0x108  }
0x21: {  	s3 =	sadd.s32 s3, s9;
	s6 =	sadd.s32 @!p0 $0x88, s6;
	s7 =	simm.s32 @p2 $0x1082  }
0x22: {  	[simem:s7], [sflag:s8] =	dma.local @!p0 [hbm:s6], $0xF7A  }
0x23: {  	s9 =	sor.u32 $0xD0000000, s2;
	s6 =	simm.s32 $0x108;
	_ =	swait.ge @!p0 [sflag:s8], $0x0  }
0x24: {  	s3 =	sadd.s32 $0x88, s3;
	s6 =	simm.s32 @!p1 $0x1082;
	[sflag:s4] =	ssyncset.s32 $0xFFFFF086  }
0x25: {  	[simem:s6], [sflag:s4] =	dma.local [hbm:s3], $0xF7A  }
0x26: {  	[smem:$0x3F7D] =	sst s1;
	(tag) =	ssettag s2;
	_ =	strace s9  }
0x27: {  	s1 =	sld [smem:$0x3F8D]  }
0x28: {  	s2 =	sld [smem:$0x3F8E]  }
0x29: {  	s4 =	sld [smem:$0x3F90]  }
0x2a: {  	p0 =	seq.s32 s5, $0x0;
	s5 =	sld [smem:$0x3F91]  }
0x2b: {  	s6 =	sld [smem:$0x3F92]  }
0x2c: {  	s7 =	sld [smem:$0x3F93]  }
0x2d: {  	s3 =	simm.s32 $0x108;
	s8 =	sld [smem:$0x3F94]  }
0x2e: {  	s3 =	simm.s32 @!p0 $0x1082;
	s9 =	sld [smem:$0x3F95]  }
0x2f: {  	lr =	sadd.s32 s0, s3;
	s0 =	sld [smem:$0x3F8C]  }
0x30: {  	s3 =	sld [smem:$0x3F8F]  }
0x31: {  	[smem:$0x3F98] =	sst s10  }
0x32: {  	s10 =	sld [smem:$0x3F96];
	_ =	sdelay $0x3  }
0x33: {  	p0 =	seq.s32 s10, $0x1;
	s10 =	sld [smem:$0x3F98];
	_ =	sdelay $0x3  }
0x34: {  	[smem:$0x3F98] =	sst s10  }
0x35: {  	s10 =	sld [smem:$0x3F97];
	_ =	sdelay $0x3  }
0x36: {  	p1 =	seq.s32 s10, $0x1;
	s10 =	sld [smem:$0x3F98];
	_ =	sdelay $0x3  }
0x37: {  	[smem:$0x3F98] =	sst s10  }
0x38: {  	s10 =	sld [smem:$0x3F99]  }
0x39: {  	_ = 	snop;
	(pc) =	sbr.ind lr, $3  }
0x3a: {  	_ = 	snop  }
0x3b: {  	_ = 	snop  }
0x3c: {  	p2 =	seq.s32 s10, $0x1;
	s10 =	sld [smem:$0x3F98]  }
0x3d: {  	_ =	shalt  }
0x3e: {  	_ =	shalt  }
0x3f: {  	_ =	shalt  }
0x40: {  	_ =	shalt  }
0x41: {  	_ =	shalt  }
0x42: {  	_ =	shalt  }
0x43: {  	_ =	shalt  }
0x44: {  	_ =	shalt  }
0x45: {  	_ =	shalt  }
0x46: {  	_ =	shalt  }
0x47: {  	_ =	shalt  }
0x48: {  	_ =	shalt  }
0x49: {  	_ =	shalt  }
0x4a: {  	_ =	shalt  }
0x4b: {  	_ =	shalt  }
0x4c: {  	_ =	shalt  }
0x4d: {  	_ =	shalt  }
0x4e: {  	_ =	shalt  }
0x4f: {  	_ =	shalt  }
0x50: {  	_ =	shalt  }
0x51: {  	_ =	shalt  }
0x52: {  	_ =	shalt  }
0x53: {  	_ =	shalt  }
0x54: {  	_ =	shalt  }
0x55: {  	_ =	shalt  }
0x56: {  	_ =	shalt  }
0x57: {  	_ =	shalt  }
0x58: {  	_ =	shalt  }
0x59: {  	_ =	shalt  }
0x5a: {  	_ =	shalt  }
0x5b: {  	_ =	shalt  }
0x5c: {  	_ =	shalt  }
0x5d: {  	_ =	shalt  }
0x5e: {  	_ =	shalt  }
0x5f: {  	_ =	shalt  }
0x60: {  	_ =	shalt  }
0x61: {  	_ =	shalt  }
0x62: {  	_ =	shalt  }
0x63: {  	_ =	shalt  }
0x64: {  	_ =	shalt  }
0x65: {  	_ =	shalt  }
0x66: {  	_ =	shalt  }
0x67: {  	_ =	shalt  }
0x68: {  	_ =	shalt  }
0x69: {  	_ =	shalt  }
0x6a: {  	_ =	shalt  }
0x6b: {  	_ =	shalt  }
0x6c: {  	_ =	shalt  }
0x6d: {  	_ =	shalt  }
0x6e: {  	_ =	shalt  }
0x6f: {  	_ =	shalt  }
0x70: {  	_ =	shalt  }
0x71: {  	_ =	shalt  }
0x72: {  	_ =	shalt  }
0x73: {  	_ =	shalt  }
0x74: {  	_ =	shalt  }
0x75: {  	_ =	shalt  }
0x76: {  	_ =	shalt  }
0x77: {  	_ =	shalt  }
0x78: {  	_ =	shalt  }
0x79: {  	_ =	shalt  }
0x7a: {  	_ =	shalt  }
0x7b: {  	_ =	shalt  }
0x7c: {  	_ =	shalt  }
0x7d: {  	_ =	shalt  }
0x7e: {  	_ =	shalt  }
0x7f: {  	_ =	shalt  }
0x80: {  	_ =	shalt  }
0x81: {  	_ =	shalt  }
0x82: {  	_ =	shalt  }
0x83: {  	_ =	shalt  }
0x84: {  	_ =	shalt  }
0x85: {  	_ =	shalt  }
0x86: {  	_ =	shalt  }
0x87: {  	_ =	shalt  }
.Lfunc_end0:
.L_simem_size_0:
called_computation.1_lowered:
.L_overlay_start_0:
0x88: {  	s2 =	sld [smem:$0x3FD9]  }
0x89: {  	s3 =	sld [smem:$0x3FFE];
	_ =	sdelay $0x1  }
0x8a: {  	s1 =	srdreg.scid  }
0x8b: {  	s0 =	sand.u32 $0x1, s1  }
0x8c: {  	s17 =	sshll.u32 s0, $0xA;
	s2 =	sadd.s32 s3, s2  }
0x8d: {  	s2 =	sadd.s32 s2, s17  }
0x8e: {  	[smem:$0x3FA4] =	sst s2  }
0x8f: {  	_ = 	snop  }
0x90: {  	s18 =	sld [smem:$0x3FD0];
	(tm) =	ssettm $0x1  }
0x91: {  	s19 =	sld [smem:$0x3FFB];
	_ =	sdelay $0x3  }
0x92: {  	_ =	strace s19  }
0x93: {  	s2 =	sld [smem:$0x3FFC];
	_ =	sdelay $0x3  }
0x94: {  	_ =	strace s2  }
0x95: {  	s2 =	sld [smem:$0x3FFD];
	_ =	sdelay $0x3  }
0x96: {  	_ =	strace s2  }
0x97: {  	_ =	strace $0x8FFFFFFF  }
0x98: {  	s20 =	sld [smem:$0x3FDB];
	_ =	sdelay $0x1  }
0x99: {  	s4 =	simm.s32 $_scs_section_size  }
0x9a: {  	s5 =	simm.s32 $_size__tile_overlayer_lowered;
	s6 =	simm.s32 $_tile_overlayer_lowered  }
0x9b: {  	s7 =	simm.s32 $0x1BFF;
	s21 =	sshll.u32 s6, $0x1;
	s4 =	sadd.s32 s4, s20  }
0x9c: {  	s22 =	simm.s32 $0x0;
	s5 =	sshll.u32 s5, $0x1;
	s6 =	sadd.s32 s21, s4  }
0x9d: {  	[timem:s22], [sflag:s7] =	dma.local [hbm:s6], s5  }
0x9e: {  	_ =	swait.ge [sflag:s7], s5  }
0x9f: {  	s5 =	ssub.s32 $0x0, s5;
	[sflag:s7] =	ssyncset.done $0x0  }
0xa0: {  	[sflag:s7] =	ssyncadd.s32 s5;
	_ =	sdelay $0x1  }
0xa1: {  	s23 =	simm.s32 $0x1B8B  }
0xa2: {  	_ =	swait.ge [sflag:s23], $0x1  }
0xa3: {  	[sflag:s23] =	ssyncset.done $0x0  }
0xa4: {  	[sflag:s23] =	ssyncadd.s32 $0xFFFFFFFF  }
0xa5: {  	s5 =	sld [smem:$0x0]  }
0xa6: {  	s6 =	sand.u32 $0xFFFFFFFE, s1  }
0xa7: {  	p0 =	sne.s32 s1, s6  }
0xa8: {  	s6 =	sshll.u32 @p0 s6, $0xE  }
0xa9: {  	s6 =	sadd.s32 @p0 $0x11B8D, s6;
	s7 =	sshll.u32 @p0 s5, $0x11  }
0xaa: {  	s6 =	sor.u32 @p0 s7, s6  }
0xab: {  	[sflag:s6] =	ssyncadd.remote.s32 @p0 $0x1;
	_ =	sdelay $0x1  }
0xac: {  	s6 =	simm.s32 @p0 $0x1B8D  }
0xad: {  	_ =	swait.eq @p0 [sflag:s6], $0x1  }
0xae: {  	[sflag:s6] =	ssyncadd.s32 @p0 $0xFFFFFFFF  }
0xaf: {  	s7 =	sshll.u32 @!p0 s1, $0xE  }
0xb0: {  	s7 =	sor.u32 @!p0 $0x4000, s7;
	s6 =	simm.s32 @!p0 $0x1B8D  }
0xb1: {  	s5 =	sshll.u32 @!p0 s5, $0x11;
	s7 =	sadd.s32 @!p0 $0x11B8D, s7;
	_ =	swait.eq @!p0 [sflag:s6], $0x1  }
0xb2: {  	s5 =	sor.u32 @!p0 s5, s7;
	[sflag:s6] =	ssyncadd.s32 @!p0 $0xFFFFFFFF  }
0xb3: {  	s25 =	simm.s32 $0x1B8E;
	s24 =	sld [smem:$0x3FFE];
	[sflag:s5] =	ssyncadd.remote.s32 @!p0 $0x1  }
0xb4: {  	s26 =	simm.s32 $execute0_lowered;
	[smem:$0x3FD2] =	sst s25  }
0xb5: {  	s6 =	sshll.u32 s26, $0x1;
	_ =	strace $0x8000004F;
	[dreg:$0x1] =	wrdreg $0xFFFFFFFF  }
0xb6: {  	s28 =	simm.s32 $_size_execute0_lowered;
	s4 =	sadd.s32 s4, s6;
	[dreg:$0x0] =	wrdreg $0x0  }
0xb7: {  	s6 =	sshll.u32 s28, $0x1;
	[dreg:$0x2] =	wrdreg s4  }
0xb8: {  	[dreg:$0x3] =	wrdreg s6  }
0xb9: {  	[dreg:$0x4] =	wrdreg $0xC0  }
0xba: {  	_ =	task [dreg:s22], $0x5FFFF  }
0xbb: {  	[dreg:$0x1] =	wrdreg $0xFFFFFFFF  }
0xbc: {  	[dreg:$0x0] =	wrdreg $0x60  }
0xbd: {  	[dreg:$0x2] =	wrdreg s24  }
0xbe: {  	[dreg:$0x3] =	wrdreg s18  }
0xbf: {  	[dreg:$0x4] =	wrdreg $0x90000  }
0xc0: {  	[dreg:$0x5] =	wrdreg $0x9  }
0xc1: {  	_ =	task.clear_ibuf [dreg:s22], $0x6FFFF;
	_ =	strace $0x9000004F  }
0xc2: {  	s29 =	simm.s32 $0x9;
	_ =	strace $0x80000051  }
0xc3: {  	_ =	swait.ge [sflag:s29], $0x1  }
0xc4: {  	[sflag:s29] =	ssyncadd.s32 $0xFFFFFFFF  }
0xc5: {  	_ =	strace $0x90000051  }
0xc6: {  	_ =	sfence  }
0xc7: {  	s30 =	sld [smem:$0x0];
	_ =	sdelay $0x2  }
0xc8: {  	s31 =	sshll.u32 s1, $0xD;
	s1 =	sshrl.u32 s1, $0x2  }
0xc9: {  	s4 =	sand.u32 $0x4000, s31;
	s1 =	sadd.s32 s1, s30  }
0xca: {  	s0 =	sor.u32 s4, s0;
	s1 =	sshll.u32 s1, $0x11  }
0xcb: {  	s0 =	sor.u32 s1, s0  }
0xcc: {  	s0 =	sadd.s32 $0x8F2B, s0  }
0xcd: {  	[sflag:s0] =	ssyncadd.remote.s32 $0x1  }
0xce: {  	_ =	sfence.sel $0xFFFF  }
0xcf: {  	[dreg:$0x0] =	wrdreg $0xFFFFFFFF;
	(pc) =	sbr.abs _section_cstart, $3  }
0xd0: {  	[dreg:$0x1] =	wrdreg $0xFFFFFFFF  }
0xd1: {  	_ =	task.clear_ibuf [dreg:s22], $0x2FFFF;
	_ =	strace $0x9FFFFFFF  }
0xd2: {  	(tm) =	ssettm $0x7FFFFFFF  }
0xd3: {  	_ =	shalt  }
tec
execute0_lowered:
.L_overlay_start_1:
0x0: {  	(tag) =	ssettag $0x1  }
0x1: {  	s0 =	rddreg [dreg:$0x0];
	s1 =	srdreg.scid  }
0x2: {  	s12 =	stileid.u32;
	s5 =	rddreg [dreg:$0x1]  }
0x3: {  	s2 =	rddreg [dreg:$0x2];
	s3 =	simm.s32 $0x0;
	s4 =	smul.u32 $0x5000, s12  }
0x4: {  	[smem:$0x7FF] =	sst s3;
	s25 =	smul.u32 $0x13C00, s12  }
0x5: {  	s8 =	smul.u32 $0x4F000, s12;
	s26 =	sshll.u32 s12, $0x6;
	s12 =	simm.s32 $0x100  }
0x6: {  	s13 =	simm.s32 $0x880;
	_ =	strace $0x80000050;
	[dreg:$0x6] =	wrdreg s12  }
0x7: {  	s14 =	simm.s32 $0x180;
	s15 =	simm.s32 $0x900;
	[dreg:$0x7] =	wrdreg s13  }
0x8: {  	s17 =	simm.s32 $0x200;
	s18 =	simm.s32 $0x980;
	[dreg:$0x8] =	wrdreg s14  }
0x9: {  	s19 =	simm.s32 $0x280;
	s20 =	simm.s32 $0xA00;
	[dreg:$0x9] =	wrdreg s15  }
0xa: {  	s21 =	simm.s32 $0x300;
	s22 =	simm.s32 $0xA80;
	[dreg:$0xa] =	wrdreg s17  }
0xb: {  	s23 =	simm.s32 $0x380;
	s24 =	simm.s32 $0xB00;
	[dreg:$0xb] =	wrdreg s18  }
0xc: {  	s28 =	simm.s32 $0x680;
	s29 =	simm.s32 $0xE00;
	[dreg:$0xc] =	wrdreg s19  }
0xd: {  	s30 =	simm.s32 $0x700;
	s1 =	sand.u32 $0x1, s1;
	[dreg:$0xd] =	wrdreg s20  }
0xe: {  	s31 =	simm.s32 $0xE80;
	s6 =	smul.u32 $0x2800, s1;
	[dreg:$0xe] =	wrdreg s21  }
0xf: {  	s9 =	ssub.s32 $0x2, s1;
	s1 =	smul.u32 $0x13C000, s1;
	[dreg:$0xf] =	wrdreg s22  }
0x10: {  	s12 =	simm.s32 $0x80;
	s13 =	simm.s32 $0x1000;
	[dreg:$0x10] =	wrdreg s23  }
0x11: {  	s14 =	simm.s32 $0x5000;
	s15 =	simm.s32 $0x1;
	[dreg:$0x11] =	wrdreg s24  }
0x12: {  	s17 =	simm.s32 $0x2;
	s18 =	simm.s32 $0x4;
	s19 =	simm.s32 $0x480  }
0x13: {  	s20 =	simm.s32 $0xC00;
	s21 =	simm.s32 $0x500;
	s22 =	simm.s32 $0xC80  }
0x14: {  	s23 =	simm.s32 $0x580;
	s24 =	simm.s32 $0xD00;
	s10 =	sshrl.u32 s25, $0x3  }
0x15: {  	s11 =	sshrl.u32 s9, $0x1;
	s8 =	sshrl.u32 s8, $0x2;
	s4 =	sadd.s32 s6, s4  }
0x16: {  	s9 =	ssub.s32 s9, s11;
	s8 =	sadd.s32 s8, s2;
	s1 =	sadd.s32 s25, s1  }
0x17: {  	s25 =	simm.s32 $0x400;
	s7 =	sshrl.u32 s4, $0x3;
	s4 =	sadd.s32 $0x109C00, s0  }
0x18: {  	s1 =	sshrl.u32 s1, $0x3;
	s16 =	smax.u32 s9, $0x1;
	s8 =	sshrl.u32 s8, $0x3  }
0x19: {  	[dreg:$0x12] =	wrdreg s25;
	s25 =	simm.s32 $0x600;
	s9 =	simm.s32 $0x0  }
0x1a: {  	s7 =	sadd.s32 s7, s0;
	s0 =	sadd.s32 s10, s0;
	[dreg:$0x17] =	wrdreg s16  }
0x1b: {  	s1 =	sadd.s32 s5, s1;
	s10 =	simm.s32 $0x5;
	[dreg:$0x18] =	wrdreg s8  }
0x1c: {  	s16 =	simm.s32 $0x3;
	s0 =	sadd.s32 $0x1C800, s0;
	[dreg:$0x16] =	wrdreg s1  }
0x1d: {  	s5 =	simm.s32 $0xF80;
	s11 =	sadd.s32 $0x9CE00, s7;
	[dreg:$0x14] =	wrdreg s0  }
0x1e: {  	s7 =	sadd.s32 $0xA6E00, s7;
	s1 =	simm.s32 $0x780;
	[dreg:$0x4] =	wrdreg s11  }
0x1f: {  	s0 =	sor.u32 $0x1C05, s26;
	[dreg:$0x5] =	wrdreg s7;
	s26 =	simm.s32 $0xB80  }
0x20: {  	s11 =	simm.s32 $0x800;
	s7 =	smov.u32 s0;
	[dreg:$0x13] =	wrdreg s26  }
0x21: {  	s26 =	simm.s32 $0xD80;
	s0 =	simm.s32 $0xF00;
	[dreg:$0x15] =	wrdreg s7  }
.LBB2_1:
0x22: {  	[dreg:$0x19] =	wrdreg s9  }
0x23: {  	s6 =	rddreg [dreg:$0x14]  }
0x24: {  	[spmem:s8], [sflag:s7] =	dma.local [hbm:s6], $0x2780  }
0x25: {  	_ =	swait.ge [sflag:s10], $0x2780  }
0x26: {  	[sflag:s10] =	ssyncset.done $0x0  }
0x27: {  	[sflag:s10] =	ssyncadd.s32 $0xFFFFD880  }
0x28: {  	[bflag:$0x0] =	sbarrier.arrive $0xFFFF  }
0x29: {  	s9 =	rddreg [dreg:$0x5]  }
0x2a: {  	s6 =	sadd.s32 $0x0, s9  }
0x2b: {  	[tilespmem:s3], [sflag:$0x5] =	stream.linear.gather [hbm4b:s6+s3], $0x800, $0x38;
	[tilespmem:$0x1CC00] =	vst v63  }
0x2c: {  	_ =	swait.ge [sflag:s10], $0x800  }
0x2d: {  	s7 =	rddreg [dreg:$0x4];
	[sflag:s10] =	ssyncset.done $0x0  }
0x2e: {  	[sflag:s10] =	ssyncadd.s32 $0xFFFFF800;
	s6 =	sadd.s32 $0x0, s7  }
0x2f: {  	[tilespmem:s11], [sflag:$0x5] =	stream.linear.gather [hbm4b:s6+s3], $0x800, $0x38;
	[tilespmem:$0x1CC00] =	vst v63  }
0x30: {  	_ =	swait.ge [sflag:s10], $0x800  }
0x31: {  	[sflag:s10] =	ssyncset.done $0x0  }
0x32: {  	[sflag:s10] =	ssyncadd.s32 $0xFFFFF800  }
0x33: {  	[tilespmem:s13], [sflag:$0x1] =	stream.indirect.gather [hbm4b:s4+s12], $0x80, s3, s12, $0xb8;
	[tilespmem:$0x1CC00] =	vst v63  }
0x34: {  	_ = 	snop  }
0x35: {  	[tilespmem:s14], [sflag:$0x2] =	stream.indirect.gather [hbm4b:s4+s12], $0x80, s12, s12, $0xb8;
	[tilespmem:$0x1CC00] =	vst v63  }
0x36: {  	_ =	swait.ge [sflag:s15], $0x4000  }
0x37: {  	[sflag:s15] =	ssyncset.done $0x0  }
0x38: {  	[sflag:s15] =	ssyncadd.s32 $0xFFFFC000  }
0x39: {  	[spmem:s2] =	stream.indirect.scatter.add.f32 [tilespmem:s13], [sflag:$0x3], $0x80, s11, s12, $0xb8;
	[tilespmem:$0x1CC00] =	vst v63  }
0x3a: {  	_ =	swait.ge [sflag:s16], $0x4000  }
0x3b: {  	[sflag:s16] =	ssyncset.done $0x0  }
0x3c: {  	s8 =	rddreg [dreg:$0x6];
	[sflag:s16] =	ssyncadd.s32 $0xFFFFC000  }
0x3d: {  	[tilespmem:s13], [sflag:$0x1] =	stream.indirect.gather [hbm4b:s4+s12], $0x80, s8, s12, $0xb8;
	[tilespmem:$0x1CC00] =	vst v63  }
0x3e: {  	_ =	swait.ge [sflag:s17], $0x4000  }
0x3f: {  	[sflag:s17] =	ssyncset.done $0x0  }
0x40: {  	s9 =	rddreg [dreg:$0x7];
	[sflag:s17] =	ssyncadd.s32 $0xFFFFC000  }
0x41: {  	[spmem:s2] =	stream.indirect.scatter.add.f32 [tilespmem:s14], [sflag:$0x4], $0x80, s9, s12, $0xb8;
	[tilespmem:$0x1CC00] =	vst v63  }
0x42: {  	_ =	swait.ge [sflag:s18], $0x4000  }
0x43: {  	[sflag:s18] =	ssyncset.done $0x0  }
0x44: {  	s7 =	rddreg [dreg:$0x8];
	[sflag:s18] =	ssyncadd.s32 $0xFFFFC000  }
0x45: {  	[tilespmem:s14], [sflag:$0x2] =	stream.indirect.gather [hbm4b:s4+s12], $0x80, s7, s12, $0xb8;
	[tilespmem:$0x1CC00] =	vst v63  }
0x46: {  	_ =	swait.ge [sflag:s15], $0x4000  }
0x47: {  	[sflag:s15] =	ssyncset.done $0x0  }
0x48: {  	s8 =	rddreg [dreg:$0x9];
	[sflag:s15] =	ssyncadd.s32 $0xFFFFC000  }
0x49: {  	[spmem:s2] =	stream.indirect.scatter.add.f32 [tilespmem:s13], [sflag:$0x3], $0x80, s8, s12, $0xb8;
	[tilespmem:$0x1CC00] =	vst v63  }
0x4a: {  	_ =	swait.ge [sflag:s16], $0x4000  }
0x4b: {  	[sflag:s16] =	ssyncset.done $0x0  }
0x4c: {  	s9 =	rddreg [dreg:$0xa];
	[sflag:s16] =	ssyncadd.s32 $0xFFFFC000  }
0x4d: {  	[tilespmem:s13], [sflag:$0x1] =	stream.indirect.gather [hbm4b:s4+s12], $0x80, s9, s12, $0xb8;
	[tilespmem:$0x1CC00] =	vst v63  }
0x4e: {  	_ =	swait.ge [sflag:s17], $0x4000  }
0x4f: {  	[sflag:s17] =	ssyncset.done $0x0  }
0x50: {  	s7 =	rddreg [dreg:$0xb];
	[sflag:s17] =	ssyncadd.s32 $0xFFFFC000  }
0x51: {  	[spmem:s2] =	stream.indirect.scatter.add.f32 [tilespmem:s14], [sflag:$0x4], $0x80, s7, s12, $0xb8;
	[tilespmem:$0x1CC00] =	vst v63  }
0x52: {  	_ =	swait.ge [sflag:s18], $0x4000  }
0x53: {  	[sflag:s18] =	ssyncset.done $0x0  }
0x54: {  	s8 =	rddreg [dreg:$0xc];
	[sflag:s18] =	ssyncadd.s32 $0xFFFFC000  }
0x55: {  	[tilespmem:s14], [sflag:$0x2] =	stream.indirect.gather [hbm4b:s4+s12], $0x80, s8, s12, $0xb8;
	[tilespmem:$0x1CC00] =	vst v63  }
0x56: {  	_ =	swait.ge [sflag:s15], $0x4000  }
0x57: {  	[sflag:s15] =	ssyncset.done $0x0  }
0x58: {  	s9 =	rddreg [dreg:$0xd];
	[sflag:s15] =	ssyncadd.s32 $0xFFFFC000  }
0x59: {  	[spmem:s2] =	stream.indirect.scatter.add.f32 [tilespmem:s13], [sflag:$0x3], $0x80, s9, s12, $0xb8;
	[tilespmem:$0x1CC00] =	vst v63  }
0x5a: {  	_ =	swait.ge [sflag:s16], $0x4000  }
0x5b: {  	[sflag:s16] =	ssyncset.done $0x0  }
0x5c: {  	s7 =	rddreg [dreg:$0xe];
	[sflag:s16] =	ssyncadd.s32 $0xFFFFC000  }
0x5d: {  	[tilespmem:s13], [sflag:$0x1] =	stream.indirect.gather [hbm4b:s4+s12], $0x80, s7, s12, $0xb8;
	[tilespmem:$0x1CC00] =	vst v63  }
0x5e: {  	_ =	swait.ge [sflag:s17], $0x4000  }
0x5f: {  	[sflag:s17] =	ssyncset.done $0x0  }
0x60: {  	s8 =	rddreg [dreg:$0xf];
	[sflag:s17] =	ssyncadd.s32 $0xFFFFC000  }
0x61: {  	[spmem:s2] =	stream.indirect.scatter.add.f32 [tilespmem:s14], [sflag:$0x4], $0x80, s8, s12, $0xb8;
	[tilespmem:$0x1CC00] =	vst v63  }
0x62: {  	_ =	swait.ge [sflag:s18], $0x4000  }
0x63: {  	[sflag:s18] =	ssyncset.done $0x0  }
0x64: {  	s9 =	rddreg [dreg:$0x10];
	[sflag:s18] =	ssyncadd.s32 $0xFFFFC000  }
0x65: {  	[tilespmem:s14], [sflag:$0x2] =	stream.indirect.gather [hbm4b:s4+s12], $0x80, s9, s12, $0xb8;
	[tilespmem:$0x1CC00] =	vst v63  }
0x66: {  	_ =	swait.ge [sflag:s15], $0x4000  }
0x67: {  	[sflag:s15] =	ssyncset.done $0x0  }
0x68: {  	s7 =	rddreg [dreg:$0x11];
	[sflag:s15] =	ssyncadd.s32 $0xFFFFC000  }
0x69: {  	[spmem:s2] =	stream.indirect.scatter.add.f32 [tilespmem:s13], [sflag:$0x3], $0x80, s7, s12, $0xb8;
	[tilespmem:$0x1CC00] =	vst v63  }
0x6a: {  	_ =	swait.ge [sflag:s16], $0x4000  }
0x6b: {  	[sflag:s16] =	ssyncset.done $0x0  }
0x6c: {  	s8 =	rddreg [dreg:$0x12];
	[sflag:s16] =	ssyncadd.s32 $0xFFFFC000  }
0x6d: {  	[tilespmem:s13], [sflag:$0x1] =	stream.indirect.gather [hbm4b:s4+s12], $0x80, s8, s12, $0xb8;
	[tilespmem:$0x1CC00] =	vst v63  }
0x6e: {  	_ =	swait.ge [sflag:s17], $0x4000  }
0x6f: {  	[sflag:s17] =	ssyncset.done $0x0  }
0x70: {  	s9 =	rddreg [dreg:$0x13];
	[sflag:s17] =	ssyncadd.s32 $0xFFFFC000  }
0x71: {  	[spmem:s2] =	stream.indirect.scatter.add.f32 [tilespmem:s14], [sflag:$0x4], $0x80, s9, s12, $0xb8;
	[tilespmem:$0x1CC00] =	vst v63  }
0x72: {  	_ =	swait.ge [sflag:s18], $0x4000  }
0x73: {  	[sflag:s18] =	ssyncset.done $0x0  }
0x74: {  	[sflag:s18] =	ssyncadd.s32 $0xFFFFC000  }
0x75: {  	[tilespmem:s14], [sflag:$0x2] =	stream.indirect.gather [hbm4b:s4+s12], $0x80, s19, s12, $0xb8;
	[tilespmem:$0x1CC00] =	vst v63  }
0x76: {  	_ =	swait.ge [sflag:s15], $0x4000  }
0x77: {  	[sflag:s15] =	ssyncset.done $0x0  }
0x78: {  	[sflag:s15] =	ssyncadd.s32 $0xFFFFC000  }
0x79: {  	[spmem:s2] =	stream.indirect.scatter.add.f32 [tilespmem:s13], [sflag:$0x3], $0x80, s20, s12, $0xb8;
	[tilespmem:$0x1CC00] =	vst v63  }
0x7a: {  	_ =	swait.ge [sflag:s16], $0x4000  }
0x7b: {  	[sflag:s16] =	ssyncset.done $0x0  }
0x7c: {  	[sflag:s16] =	ssyncadd.s32 $0xFFFFC000  }
0x7d: {  	[tilespmem:s13], [sflag:$0x1] =	stream.indirect.gather [hbm4b:s4+s12], $0x80, s21, s12, $0xb8;
	[tilespmem:$0x1CC00] =	vst v63  }
0x7e: {  	_ =	swait.ge [sflag:s17], $0x4000  }
0x7f: {  	[sflag:s17] =	ssyncset.done $0x0  }
0x80: {  	[sflag:s17] =	ssyncadd.s32 $0xFFFFC000  }
0x81: {  	[spmem:s2] =	stream.indirect.scatter.add.f32 [tilespmem:s14], [sflag:$0x4], $0x80, s22, s12, $0xb8;
	[tilespmem:$0x1CC00] =	vst v63  }
0x82: {  	_ =	swait.ge [sflag:s18], $0x4000  }
0x83: {  	[sflag:s18] =	ssyncset.done $0x0  }
0x84: {  	[sflag:s18] =	ssyncadd.s32 $0xFFFFC000  }
0x85: {  	[tilespmem:s14], [sflag:$0x2] =	stream.indirect.gather [hbm4b:s4+s12], $0x80, s23, s12, $0xb8;
	[tilespmem:$0x1CC00] =	vst v63  }
0x86: {  	_ =	swait.ge [sflag:s15], $0x4000  }
0x87: {  	[sflag:s15] =	ssyncset.done $0x0  }
0x88: {  	[sflag:s15] =	ssyncadd.s32 $0xFFFFC000  }
0x89: {  	[spmem:s2] =	stream.indirect.scatter.add.f32 [tilespmem:s13], [sflag:$0x3], $0x80, s24, s12, $0xb8;
	[tilespmem:$0x1CC00] =	vst v63  }
0x8a: {  	_ =	swait.ge [sflag:s16], $0x4000  }
0x8b: {  	[sflag:s16] =	ssyncset.done $0x0  }
0x8c: {  	[sflag:s16] =	ssyncadd.s32 $0xFFFFC000  }
0x8d: {  	[tilespmem:s13], [sflag:$0x1] =	stream.indirect.gather [hbm4b:s4+s12], $0x80, s25, s12, $0xb8;
	[tilespmem:$0x1CC00] =	vst v63  }
0x8e: {  	_ =	swait.ge [sflag:s17], $0x4000  }
0x8f: {  	[sflag:s17] =	ssyncset.done $0x0  }
0x90: {  	[sflag:s17] =	ssyncadd.s32 $0xFFFFC000  }
0x91: {  	[spmem:s2] =	stream.indirect.scatter.add.f32 [tilespmem:s14], [sflag:$0x4], $0x80, s26, s12, $0xb8;
	[tilespmem:$0x1CC00] =	vst v63  }
0x92: {  	_ =	swait.ge [sflag:s18], $0x4000  }
0x93: {  	[sflag:s18] =	ssyncset.done $0x0  }
0x94: {  	[sflag:s18] =	ssyncadd.s32 $0xFFFFC000  }
0x95: {  	[tilespmem:s14], [sflag:$0x2] =	stream.indirect.gather [hbm4b:s4+s12], $0x80, s28, s12, $0xb8;
	[tilespmem:$0x1CC00] =	vst v63  }
0x96: {  	_ =	swait.ge [sflag:s15], $0x4000  }
0x97: {  	[sflag:s15] =	ssyncset.done $0x0  }
0x98: {  	[sflag:s15] =	ssyncadd.s32 $0xFFFFC000  }
0x99: {  	[spmem:s2] =	stream.indirect.scatter.add.f32 [tilespmem:s13], [sflag:$0x3], $0x80, s29, s12, $0xb8;
	[tilespmem:$0x1CC00] =	vst v63  }
0x9a: {  	_ =	swait.ge [sflag:s16], $0x4000  }
0x9b: {  	[sflag:s16] =	ssyncset.done $0x0  }
0x9c: {  	[sflag:s16] =	ssyncadd.s32 $0xFFFFC000  }
0x9d: {  	[tilespmem:s13], [sflag:$0x1] =	stream.indirect.gather [hbm4b:s4+s12], $0x80, s30, s12, $0xb8;
	[tilespmem:$0x1CC00] =	vst v63  }
0x9e: {  	_ =	swait.ge [sflag:s17], $0x4000  }
0x9f: {  	[sflag:s17] =	ssyncset.done $0x0  }
0xa0: {  	[sflag:s17] =	ssyncadd.s32 $0xFFFFC000  }
0xa1: {  	[spmem:s2] =	stream.indirect.scatter.add.f32 [tilespmem:s14], [sflag:$0x4], $0x80, s31, s12, $0xb8;
	[tilespmem:$0x1CC00] =	vst v63  }
0xa2: {  	_ =	swait.ge [sflag:s18], $0x4000  }
0xa3: {  	[sflag:s18] =	ssyncset.done $0x0  }
0xa4: {  	[sflag:s18] =	ssyncadd.s32 $0xFFFFC000  }
0xa5: {  	[tilespmem:s14], [sflag:$0x2] =	stream.indirect.gather [hbm4b:s4+s12], $0x80, s1, s12, $0xb8;
	[tilespmem:$0x1CC00] =	vst v63  }
0xa6: {  	_ =	swait.ge [sflag:s15], $0x4000  }
0xa7: {  	[sflag:s15] =	ssyncset.done $0x0  }
0xa8: {  	[sflag:s15] =	ssyncadd.s32 $0xFFFFC000  }
0xa9: {  	[spmem:s2] =	stream.indirect.scatter.add.f32 [tilespmem:s13], [sflag:$0x3], $0x80, s0, s12, $0xb8;
	[tilespmem:$0x1CC00] =	vst v63  }
0xaa: {  	_ =	swait.ge [sflag:s16], $0x4000  }
0xab: {  	[sflag:s16] =	ssyncset.done $0x0  }
0xac: {  	[sflag:s16] =	ssyncadd.s32 $0xFFFFC000  }
0xad: {  	_ =	swait.ge [sflag:s17], $0x4000  }
0xae: {  	[sflag:s17] =	ssyncset.done $0x0  }
0xaf: {  	[sflag:s17] =	ssyncadd.s32 $0xFFFFC000  }
0xb0: {  	[spmem:s2] =	stream.indirect.scatter.add.f32 [tilespmem:s14], [sflag:$0x4], $0x80, s5, s12, $0xb8;
	[tilespmem:$0x1CC00] =	vst v63  }
0xb1: {  	s6 =	simm.s32 $0x200;
	_ =	swait.ge [sflag:s18], $0x4000  }
0xb2: {  	s8 =	simm.s32 $0x100;
	s9 =	rddreg [dreg:$0x5];
	[sflag:s18] =	ssyncset.done $0x0  }
.LBB2_2:
0xb3: {  	[sflag:s18] =	ssyncadd.s32 $0xFFFFC000;
	s9 =	sadd.s32 s8, s9  }
0xb4: {  	[tilespmem:s3], [sflag:$0x5] =	stream.linear.gather [hbm4b:s9+s3], $0x800, $0x38;
	[tilespmem:$0x1CC00] =	vst v63  }
0xb5: {  	_ =	swait.ge [sflag:s10], $0x800  }
0xb6: {  	s9 =	rddreg [dreg:$0x4];
	[sflag:s10] =	ssyncset.done $0x0  }
0xb7: {  	[sflag:s10] =	ssyncadd.s32 $0xFFFFF800;
	s9 =	sadd.s32 s8, s9  }
0xb8: {  	[tilespmem:s11], [sflag:$0x5] =	stream.linear.gather [hbm4b:s9+s3], $0x800, $0x38;
	[tilespmem:$0x1CC00] =	vst v63  }
0xb9: {  	_ =	swait.ge [sflag:s10], $0x800  }
0xba: {  	[sflag:s10] =	ssyncset.done $0x0  }
0xbb: {  	[sflag:s10] =	ssyncadd.s32 $0xFFFFF800  }
0xbc: {  	[tilespmem:s13], [sflag:$0x1] =	stream.indirect.gather [hbm4b:s4+s12], $0x80, s3, s12, $0xb8;
	[tilespmem:$0x1CC00] =	vst v63  }
0xbd: {  	_ = 	snop  }
0xbe: {  	[tilespmem:s14], [sflag:$0x2] =	stream.indirect.gather [hbm4b:s4+s12], $0x80, s12, s12, $0xb8;
	[tilespmem:$0x1CC00] =	vst v63  }
0xbf: {  	_ =	swait.ge [sflag:s15], $0x4000  }
0xc0: {  	[sflag:s15] =	ssyncset.done $0x0  }
0xc1: {  	[sflag:s15] =	ssyncadd.s32 $0xFFFFC000  }
0xc2: {  	[spmem:s2] =	stream.indirect.scatter.add.f32 [tilespmem:s13], [sflag:$0x3], $0x80, s11, s12, $0xb8;
	[tilespmem:$0x1CC00] =	vst v63  }
0xc3: {  	_ =	swait.ge [sflag:s16], $0x4000  }
0xc4: {  	[sflag:s16] =	ssyncset.done $0x0  }
0xc5: {  	s9 =	rddreg [dreg:$0x6];
	[sflag:s16] =	ssyncadd.s32 $0xFFFFC000  }
0xc6: {  	[tilespmem:s13], [sflag:$0x1] =	stream.indirect.gather [hbm4b:s4+s12], $0x80, s9, s12, $0xb8;
	[tilespmem:$0x1CC00] =	vst v63  }
0xc7: {  	_ =	swait.ge [sflag:s17], $0x4000  }
0xc8: {  	[sflag:s17] =	ssyncset.done $0x0  }
0xc9: {  	s9 =	rddreg [dreg:$0x7];
	[sflag:s17] =	ssyncadd.s32 $0xFFFFC000  }
0xca: {  	[spmem:s2] =	stream.indirect.scatter.add.f32 [tilespmem:s14], [sflag:$0x4], $0x80, s9, s12, $0xb8;
	[tilespmem:$0x1CC00] =	vst v63  }
0xcb: {  	_ =	swait.ge [sflag:s18], $0x4000  }
0xcc: {  	[sflag:s18] =	ssyncset.done $0x0  }
0xcd: {  	s9 =	rddreg [dreg:$0x8];
	[sflag:s18] =	ssyncadd.s32 $0xFFFFC000  }
0xce: {  	[tilespmem:s14], [sflag:$0x2] =	stream.indirect.gather [hbm4b:s4+s12], $0x80, s9, s12, $0xb8;
	[tilespmem:$0x1CC00] =	vst v63  }
0xcf: {  	_ =	swait.ge [sflag:s15], $0x4000  }
0xd0: {  	[sflag:s15] =	ssyncset.done $0x0  }
0xd1: {  	s9 =	rddreg [dreg:$0x9];
	[sflag:s15] =	ssyncadd.s32 $0xFFFFC000  }
0xd2: {  	[spmem:s2] =	stream.indirect.scatter.add.f32 [tilespmem:s13], [sflag:$0x3], $0x80, s9, s12, $0xb8;
	[tilespmem:$0x1CC00] =	vst v63  }
0xd3: {  	_ =	swait.ge [sflag:s16], $0x4000  }
0xd4: {  	[sflag:s16] =	ssyncset.done $0x0  }
0xd5: {  	s9 =	rddreg [dreg:$0xa];
	[sflag:s16] =	ssyncadd.s32 $0xFFFFC000  }
0xd6: {  	[tilespmem:s13], [sflag:$0x1] =	stream.indirect.gather [hbm4b:s4+s12], $0x80, s9, s12, $0xb8;
	[tilespmem:$0x1CC00] =	vst v63  }
0xd7: {  	_ =	swait.ge [sflag:s17], $0x4000  }
0xd8: {  	[sflag:s17] =	ssyncset.done $0x0  }
0xd9: {  	s9 =	rddreg [dreg:$0xb];
	[sflag:s17] =	ssyncadd.s32 $0xFFFFC000  }
0xda: {  	[spmem:s2] =	stream.indirect.scatter.add.f32 [tilespmem:s14], [sflag:$0x4], $0x80, s9, s12, $0xb8;
	[tilespmem:$0x1CC00] =	vst v63  }
0xdb: {  	_ =	swait.ge [sflag:s18], $0x4000  }
0xdc: {  	[sflag:s18] =	ssyncset.done $0x0  }
0xdd: {  	s9 =	rddreg [dreg:$0xc];
	[sflag:s18] =	ssyncadd.s32 $0xFFFFC000  }
0xde: {  	[tilespmem:s14], [sflag:$0x2] =	stream.indirect.gather [hbm4b:s4+s12], $0x80, s9, s12, $0xb8;
	[tilespmem:$0x1CC00] =	vst v63  }
0xdf: {  	_ =	swait.ge [sflag:s15], $0x4000  }
0xe0: {  	[sflag:s15] =	ssyncset.done $0x0  }
0xe1: {  	s9 =	rddreg [dreg:$0xd];
	[sflag:s15] =	ssyncadd.s32 $0xFFFFC000  }
0xe2: {  	[spmem:s2] =	stream.indirect.scatter.add.f32 [tilespmem:s13], [sflag:$0x3], $0x80, s9, s12, $0xb8;
	[tilespmem:$0x1CC00] =	vst v63  }
0xe3: {  	_ =	swait.ge [sflag:s16], $0x4000  }
0xe4: {  	[sflag:s16] =	ssyncset.done $0x0  }
0xe5: {  	s9 =	rddreg [dreg:$0xe];
	[sflag:s16] =	ssyncadd.s32 $0xFFFFC000  }
0xe6: {  	[tilespmem:s13], [sflag:$0x1] =	stream.indirect.gather [hbm4b:s4+s12], $0x80, s9, s12, $0xb8;
	[tilespmem:$0x1CC00] =	vst v63  }
0xe7: {  	_ =	swait.ge [sflag:s17], $0x4000  }
0xe8: {  	[sflag:s17] =	ssyncset.done $0x0  }
0xe9: {  	s9 =	rddreg [dreg:$0xf];
	[sflag:s17] =	ssyncadd.s32 $0xFFFFC000  }
0xea: {  	[spmem:s2] =	stream.indirect.scatter.add.f32 [tilespmem:s14], [sflag:$0x4], $0x80, s9, s12, $0xb8;
	[tilespmem:$0x1CC00] =	vst v63  }
0xeb: {  	_ =	swait.ge [sflag:s18], $0x4000  }
0xec: {  	[sflag:s18] =	ssyncset.done $0x0  }
0xed: {  	s9 =	rddreg [dreg:$0x10];
	[sflag:s18] =	ssyncadd.s32 $0xFFFFC000  }
0xee: {  	[tilespmem:s14], [sflag:$0x2] =	stream.indirect.gather [hbm4b:s4+s12], $0x80, s9, s12, $0xb8;
	[tilespmem:$0x1CC00] =	vst v63  }
0xef: {  	_ =	swait.ge [sflag:s15], $0x4000  }
0xf0: {  	[sflag:s15] =	ssyncset.done $0x0  }
0xf1: {  	s9 =	rddreg [dreg:$0x11];
	[sflag:s15] =	ssyncadd.s32 $0xFFFFC000  }
0xf2: {  	[spmem:s2] =	stream.indirect.scatter.add.f32 [tilespmem:s13], [sflag:$0x3], $0x80, s9, s12, $0xb8;
	[tilespmem:$0x1CC00] =	vst v63  }
0xf3: {  	_ =	swait.ge [sflag:s16], $0x4000  }
0xf4: {  	[sflag:s16] =	ssyncset.done $0x0  }
0xf5: {  	s9 =	rddreg [dreg:$0x12];
	[sflag:s16] =	ssyncadd.s32 $0xFFFFC000  }
0xf6: {  	[tilespmem:s13], [sflag:$0x1] =	stream.indirect.gather [hbm4b:s4+s12], $0x80, s9, s12, $0xb8;
	[tilespmem:$0x1CC00] =	vst v63  }
0xf7: {  	_ =	swait.ge [sflag:s17], $0x4000  }
0xf8: {  	[sflag:s17] =	ssyncset.done $0x0  }
0xf9: {  	s9 =	rddreg [dreg:$0x13];
	[sflag:s17] =	ssyncadd.s32 $0xFFFFC000  }
0xfa: {  	[spmem:s2] =	stream.indirect.scatter.add.f32 [tilespmem:s14], [sflag:$0x4], $0x80, s9, s12, $0xb8;
	[tilespmem:$0x1CC00] =	vst v63  }
0xfb: {  	_ =	swait.ge [sflag:s18], $0x4000  }
0xfc: {  	[sflag:s18] =	ssyncset.done $0x0  }
0xfd: {  	[sflag:s18] =	ssyncadd.s32 $0xFFFFC000  }
0xfe: {  	[tilespmem:s14], [sflag:$0x2] =	stream.indirect.gather [hbm4b:s4+s12], $0x80, s19, s12, $0xb8;
	[tilespmem:$0x1CC00] =	vst v63  }
0xff: {  	_ =	swait.ge [sflag:s15], $0x4000  }
0x100: {  	[sflag:s15] =	ssyncset.done $0x0  }
0x101: {  	[sflag:s15] =	ssyncadd.s32 $0xFFFFC000  }
0x102: {  	[spmem:s2] =	stream.indirect.scatter.add.f32 [tilespmem:s13], [sflag:$0x3], $0x80, s20, s12, $0xb8;
	[tilespmem:$0x1CC00] =	vst v63  }
0x103: {  	_ =	swait.ge [sflag:s16], $0x4000  }
0x104: {  	[sflag:s16] =	ssyncset.done $0x0  }
0x105: {  	[sflag:s16] =	ssyncadd.s32 $0xFFFFC000  }
0x106: {  	[tilespmem:s13], [sflag:$0x1] =	stream.indirect.gather [hbm4b:s4+s12], $0x80, s21, s12, $0xb8;
	[tilespmem:$0x1CC00] =	vst v63  }
0x107: {  	_ =	swait.ge [sflag:s17], $0x4000  }
0x108: {  	[sflag:s17] =	ssyncset.done $0x0  }
0x109: {  	[sflag:s17] =	ssyncadd.s32 $0xFFFFC000  }
0x10a: {  	[spmem:s2] =	stream.indirect.scatter.add.f32 [tilespmem:s14], [sflag:$0x4], $0x80, s22, s12, $0xb8;
	[tilespmem:$0x1CC00] =	vst v63  }
0x10b: {  	_ =	swait.ge [sflag:s18], $0x4000  }
0x10c: {  	[sflag:s18] =	ssyncset.done $0x0  }
0x10d: {  	[sflag:s18] =	ssyncadd.s32 $0xFFFFC000  }
0x10e: {  	[tilespmem:s14], [sflag:$0x2] =	stream.indirect.gather [hbm4b:s4+s12], $0x80, s23, s12, $0xb8;
	[tilespmem:$0x1CC00] =	vst v63  }
0x10f: {  	_ =	swait.ge [sflag:s15], $0x4000  }
0x110: {  	[sflag:s15] =	ssyncset.done $0x0  }
0x111: {  	[sflag:s15] =	ssyncadd.s32 $0xFFFFC000  }
0x112: {  	[spmem:s2] =	stream.indirect.scatter.add.f32 [tilespmem:s13], [sflag:$0x3], $0x80, s24, s12, $0xb8;
	[tilespmem:$0x1CC00] =	vst v63  }
0x113: {  	_ =	swait.ge [sflag:s16], $0x4000  }
0x114: {  	[sflag:s16] =	ssyncset.done $0x0  }
0x115: {  	[sflag:s16] =	ssyncadd.s32 $0xFFFFC000  }
0x116: {  	[tilespmem:s13], [sflag:$0x1] =	stream.indirect.gather [hbm4b:s4+s12], $0x80, s25, s12, $0xb8;
	[tilespmem:$0x1CC00] =	vst v63  }
0x117: {  	_ =	swait.ge [sflag:s17], $0x4000  }
0x118: {  	[sflag:s17] =	ssyncset.done $0x0  }
0x119: {  	[sflag:s17] =	ssyncadd.s32 $0xFFFFC000  }
0x11a: {  	[spmem:s2] =	stream.indirect.scatter.add.f32 [tilespmem:s14], [sflag:$0x4], $0x80, s26, s12, $0xb8;
	[tilespmem:$0x1CC00] =	vst v63  }
0x11b: {  	_ =	swait.ge [sflag:s18], $0x4000  }
0x11c: {  	[sflag:s18] =	ssyncset.done $0x0  }
0x11d: {  	[sflag:s18] =	ssyncadd.s32 $0xFFFFC000  }
0x11e: {  	[tilespmem:s14], [sflag:$0x2] =	stream.indirect.gather [hbm4b:s4+s12], $0x80, s28, s12, $0xb8;
	[tilespmem:$0x1CC00] =	vst v63  }
0x11f: {  	_ =	swait.ge [sflag:s15], $0x4000  }
0x120: {  	[sflag:s15] =	ssyncset.done $0x0  }
0x121: {  	[sflag:s15] =	ssyncadd.s32 $0xFFFFC000  }
0x122: {  	[spmem:s2] =	stream.indirect.scatter.add.f32 [tilespmem:s13], [sflag:$0x3], $0x80, s29, s12, $0xb8;
	[tilespmem:$0x1CC00] =	vst v63  }
0x123: {  	_ =	swait.ge [sflag:s16], $0x4000  }
0x124: {  	[sflag:s16] =	ssyncset.done $0x0  }
0x125: {  	[sflag:s16] =	ssyncadd.s32 $0xFFFFC000  }
0x126: {  	[tilespmem:s13], [sflag:$0x1] =	stream.indirect.gather [hbm4b:s4+s12], $0x80, s30, s12, $0xb8;
	[tilespmem:$0x1CC00] =	vst v63  }
0x127: {  	_ =	swait.ge [sflag:s17], $0x4000  }
0x128: {  	[sflag:s17] =	ssyncset.done $0x0  }
0x129: {  	[sflag:s17] =	ssyncadd.s32 $0xFFFFC000  }
0x12a: {  	[spmem:s2] =	stream.indirect.scatter.add.f32 [tilespmem:s14], [sflag:$0x4], $0x80, s31, s12, $0xb8;
	[tilespmem:$0x1CC00] =	vst v63  }
0x12b: {  	_ =	swait.ge [sflag:s18], $0x4000  }
0x12c: {  	[sflag:s18] =	ssyncset.done $0x0  }
0x12d: {  	[sflag:s18] =	ssyncadd.s32 $0xFFFFC000  }
0x12e: {  	[tilespmem:s14], [sflag:$0x2] =	stream.indirect.gather [hbm4b:s4+s12], $0x80, s1, s12, $0xb8;
	[tilespmem:$0x1CC00] =	vst v63  }
0x12f: {  	_ =	swait.ge [sflag:s15], $0x4000  }
0x130: {  	[sflag:s15] =	ssyncset.done $0x0  }
0x131: {  	[sflag:s15] =	ssyncadd.s32 $0xFFFFC000  }
0x132: {  	[spmem:s2] =	stream.indirect.scatter.add.f32 [tilespmem:s13], [sflag:$0x3], $0x80, s0, s12, $0xb8;
	[tilespmem:$0x1CC00] =	vst v63  }
0x133: {  	_ =	swait.ge [sflag:s16], $0x4000  }
0x134: {  	[sflag:s16] =	ssyncset.done $0x0  }
0x135: {  	[sflag:s16] =	ssyncadd.s32 $0xFFFFC000  }
0x136: {  	p0 =	sne.s32 s6, $0x400;
	_ =	swait.ge [sflag:s17], $0x4000  }
.Ltmp0:
0x137: {  	[sflag:s17] =	ssyncset.done $0x0;
	(pc) =	sbr.rel @p0 .LBB2_2-.Ltmp0, $4  }
0x138: {  	[sflag:s17] =	ssyncadd.s32 $0xFFFFC000  }
0x139: {  	[spmem:s2] =	stream.indirect.scatter.add.f32 [tilespmem:s14], [sflag:$0x4], $0x80, s5, s12, $0xb8;
	[tilespmem:$0x1CC00] =	vst v63  }
0x13a: {  	s7 =	smov.u32 s6;
	s6 =	sadd.s32 $0x100, s6;
	_ =	swait.ge [sflag:s18], $0x4000  }
0x13b: {  	s8 =	smov.u32 s7;
	s9 =	rddreg [dreg:$0x5];
	[sflag:s18] =	ssyncset.done $0x0  }
0x13c: {  	[sflag:s18] =	ssyncadd.s32 $0xFFFFC000;
	s6 =	sadd.s32 s8, s9  }
0x13d: {  	[tilespmem:s3], [sflag:$0x5] =	stream.linear.gather [hbm4b:s6+s3], $0x800, $0x38;
	[tilespmem:$0x1CC00] =	vst v63  }
0x13e: {  	_ =	swait.ge [sflag:s10], $0x800  }
0x13f: {  	s9 =	rddreg [dreg:$0x4];
	[sflag:s10] =	ssyncset.done $0x0  }
0x140: {  	s6 =	sadd.s32 s8, s9;
	[sflag:s10] =	ssyncadd.s32 $0xFFFFF800  }
0x141: {  	[tilespmem:s11], [sflag:$0x5] =	stream.linear.gather [hbm4b:s6+s3], $0x800, $0x38;
	[tilespmem:$0x1CC00] =	vst v63  }
0x142: {  	_ =	swait.ge [sflag:s10], $0x800  }
0x143: {  	[sflag:s10] =	ssyncset.done $0x0  }
0x144: {  	[sflag:s10] =	ssyncadd.s32 $0xFFFFF800  }
0x145: {  	[tilespmem:s13], [sflag:$0x1] =	stream.indirect.gather [hbm4b:s4+s12], $0x80, s3, s12, $0xb8;
	[tilespmem:$0x1CC00] =	vst v63  }
0x146: {  	_ = 	snop  }
0x147: {  	[tilespmem:s14], [sflag:$0x2] =	stream.indirect.gather [hbm4b:s4+s12], $0x80, s12, s12, $0xb8;
	[tilespmem:$0x1CC00] =	vst v63  }
0x148: {  	_ =	swait.ge [sflag:s15], $0x4000  }
0x149: {  	[sflag:s15] =	ssyncset.done $0x0  }
0x14a: {  	[sflag:s15] =	ssyncadd.s32 $0xFFFFC000  }
0x14b: {  	[spmem:s2] =	stream.indirect.scatter.add.f32 [tilespmem:s13], [sflag:$0x3], $0x80, s11, s12, $0xb8;
	[tilespmem:$0x1CC00] =	vst v63  }
0x14c: {  	_ =	swait.ge [sflag:s16], $0x4000  }
0x14d: {  	[sflag:s16] =	ssyncset.done $0x0  }
0x14e: {  	s7 =	rddreg [dreg:$0x6];
	[sflag:s16] =	ssyncadd.s32 $0xFFFFC000  }
0x14f: {  	[tilespmem:s13], [sflag:$0x1] =	stream.indirect.gather [hbm4b:s4+s12], $0x80, s7, s12, $0xb8;
	[tilespmem:$0x1CC00] =	vst v63  }
0x150: {  	_ =	swait.ge [sflag:s17], $0x4000  }
0x151: {  	[sflag:s17] =	ssyncset.done $0x0  }
0x152: {  	s8 =	rddreg [dreg:$0x7];
	[sflag:s17] =	ssyncadd.s32 $0xFFFFC000  }
0x153: {  	[spmem:s2] =	stream.indirect.scatter.add.f32 [tilespmem:s14], [sflag:$0x4], $0x80, s8, s12, $0xb8;
	[tilespmem:$0x1CC00] =	vst v63  }
0x154: {  	_ =	swait.ge [sflag:s18], $0x4000  }
0x155: {  	[sflag:s18] =	ssyncset.done $0x0  }
0x156: {  	s9 =	rddreg [dreg:$0x8];
	[sflag:s18] =	ssyncadd.s32 $0xFFFFC000  }
0x157: {  	[tilespmem:s14], [sflag:$0x2] =	stream.indirect.gather [hbm4b:s4+s12], $0x80, s9, s12, $0xb8;
	[tilespmem:$0x1CC00] =	vst v63  }
0x158: {  	_ =	swait.ge [sflag:s15], $0x4000  }
0x159: {  	[sflag:s15] =	ssyncset.done $0x0  }
0x15a: {  	s7 =	rddreg [dreg:$0x9];
	[sflag:s15] =	ssyncadd.s32 $0xFFFFC000  }
0x15b: {  	[spmem:s2] =	stream.indirect.scatter.add.f32 [tilespmem:s13], [sflag:$0x3], $0x80, s7, s12, $0xb8;
	[tilespmem:$0x1CC00] =	vst v63  }
0x15c: {  	_ =	swait.ge [sflag:s16], $0x4000  }
0x15d: {  	[sflag:s16] =	ssyncset.done $0x0  }
0x15e: {  	s8 =	rddreg [dreg:$0xa];
	[sflag:s16] =	ssyncadd.s32 $0xFFFFC000  }
0x15f: {  	[tilespmem:s13], [sflag:$0x1] =	stream.indirect.gather [hbm4b:s4+s12], $0x80, s8, s12, $0xb8;
	[tilespmem:$0x1CC00] =	vst v63  }
0x160: {  	_ =	swait.ge [sflag:s17], $0x4000  }
0x161: {  	[sflag:s17] =	ssyncset.done $0x0  }
0x162: {  	s9 =	rddreg [dreg:$0xb];
	[sflag:s17] =	ssyncadd.s32 $0xFFFFC000  }
0x163: {  	[spmem:s2] =	stream.indirect.scatter.add.f32 [tilespmem:s14], [sflag:$0x4], $0x80, s9, s12, $0xb8;
	[tilespmem:$0x1CC00] =	vst v63  }
0x164: {  	_ =	swait.ge [sflag:s18], $0x4000  }
0x165: {  	[sflag:s18] =	ssyncset.done $0x0  }
0x166: {  	s7 =	rddreg [dreg:$0xc];
	[sflag:s18] =	ssyncadd.s32 $0xFFFFC000  }
0x167: {  	[tilespmem:s14], [sflag:$0x2] =	stream.indirect.gather [hbm4b:s4+s12], $0x80, s7, s12, $0xb8;
	[tilespmem:$0x1CC00] =	vst v63  }
0x168: {  	_ =	swait.ge [sflag:s15], $0x4000  }
0x169: {  	[sflag:s15] =	ssyncset.done $0x0  }
0x16a: {  	s8 =	rddreg [dreg:$0xd];
	[sflag:s15] =	ssyncadd.s32 $0xFFFFC000  }
0x16b: {  	[spmem:s2] =	stream.indirect.scatter.add.f32 [tilespmem:s13], [sflag:$0x3], $0x80, s8, s12, $0xb8;
	[tilespmem:$0x1CC00] =	vst v63  }
0x16c: {  	_ =	swait.ge [sflag:s16], $0x4000  }
0x16d: {  	[sflag:s16] =	ssyncset.done $0x0  }
0x16e: {  	s9 =	rddreg [dreg:$0xe];
	[sflag:s16] =	ssyncadd.s32 $0xFFFFC000  }
0x16f: {  	[tilespmem:s13], [sflag:$0x1] =	stream.indirect.gather [hbm4b:s4+s12], $0x80, s9, s12, $0xb8;
	[tilespmem:$0x1CC00] =	vst v63  }
0x170: {  	_ =	swait.ge [sflag:s17], $0x4000  }
0x171: {  	[sflag:s17] =	ssyncset.done $0x0  }
0x172: {  	s7 =	rddreg [dreg:$0xf];
	[sflag:s17] =	ssyncadd.s32 $0xFFFFC000  }
0x173: {  	[spmem:s2] =	stream.indirect.scatter.add.f32 [tilespmem:s14], [sflag:$0x4], $0x80, s7, s12, $0xb8;
	[tilespmem:$0x1CC00] =	vst v63  }
0x174: {  	_ =	swait.ge [sflag:s18], $0x4000  }
0x175: {  	[sflag:s18] =	ssyncset.done $0x0  }
0x176: {  	s8 =	rddreg [dreg:$0x10];
	[sflag:s18] =	ssyncadd.s32 $0xFFFFC000  }
0x177: {  	[tilespmem:s14], [sflag:$0x2] =	stream.indirect.gather [hbm4b:s4+s12], $0x80, s8, s12, $0xb8;
	[tilespmem:$0x1CC00] =	vst v63  }
0x178: {  	_ =	swait.ge [sflag:s15], $0x4000  }
0x179: {  	[sflag:s15] =	ssyncset.done $0x0  }
0x17a: {  	s9 =	rddreg [dreg:$0x11];
	[sflag:s15] =	ssyncadd.s32 $0xFFFFC000  }
0x17b: {  	[spmem:s2] =	stream.indirect.scatter.add.f32 [tilespmem:s13], [sflag:$0x3], $0x80, s9, s12, $0xb8;
	[tilespmem:$0x1CC00] =	vst v63  }
0x17c: {  	_ =	swait.ge [sflag:s16], $0x4000  }
0x17d: {  	[sflag:s16] =	ssyncset.done $0x0  }
0x17e: {  	s7 =	rddreg [dreg:$0x12];
	[sflag:s16] =	ssyncadd.s32 $0xFFFFC000  }
0x17f: {  	[tilespmem:s13], [sflag:$0x1] =	stream.indirect.gather [hbm4b:s4+s12], $0x80, s7, s12, $0xb8;
	[tilespmem:$0x1CC00] =	vst v63  }
0x180: {  	_ =	swait.ge [sflag:s17], $0x4000  }
0x181: {  	[sflag:s17] =	ssyncset.done $0x0  }
0x182: {  	s8 =	rddreg [dreg:$0x13];
	[sflag:s17] =	ssyncadd.s32 $0xFFFFC000  }
0x183: {  	[spmem:s2] =	stream.indirect.scatter.add.f32 [tilespmem:s14], [sflag:$0x4], $0x80, s8, s12, $0xb8;
	[tilespmem:$0x1CC00] =	vst v63  }
0x184: {  	_ =	swait.ge [sflag:s18], $0x4000  }
0x185: {  	[sflag:s18] =	ssyncset.done $0x0  }
0x186: {  	[sflag:s18] =	ssyncadd.s32 $0xFFFFC000  }
0x187: {  	[tilespmem:s14], [sflag:$0x2] =	stream.indirect.gather [hbm4b:s4+s12], $0x80, s19, s12, $0xb8;
	[tilespmem:$0x1CC00] =	vst v63  }
0x188: {  	_ =	swait.ge [sflag:s15], $0x4000  }
0x189: {  	[sflag:s15] =	ssyncset.done $0x0  }
0x18a: {  	[sflag:s15] =	ssyncadd.s32 $0xFFFFC000  }
0x18b: {  	[spmem:s2] =	stream.indirect.scatter.add.f32 [tilespmem:s13], [sflag:$0x3], $0x80, s20, s12, $0xb8;
	[tilespmem:$0x1CC00] =	vst v63  }
0x18c: {  	_ =	swait.ge [sflag:s16], $0x4000  }
0x18d: {  	[sflag:s16] =	ssyncset.done $0x0  }
0x18e: {  	[sflag:s16] =	ssyncadd.s32 $0xFFFFC000  }
0x18f: {  	[tilespmem:s13], [sflag:$0x1] =	stream.indirect.gather [hbm4b:s4+s12], $0x80, s21, s12, $0xb8;
	[tilespmem:$0x1CC00] =	vst v63  }
0x190: {  	_ =	swait.ge [sflag:s17], $0x4000  }
0x191: {  	[sflag:s17] =	ssyncset.done $0x0  }
0x192: {  	[sflag:s17] =	ssyncadd.s32 $0xFFFFC000  }
0x193: {  	[spmem:s2] =	stream.indirect.scatter.add.f32 [tilespmem:s14], [sflag:$0x4], $0x80, s22, s12, $0xb8;
	[tilespmem:$0x1CC00] =	vst v63  }
0x194: {  	_ =	swait.ge [sflag:s18], $0x4000  }
0x195: {  	[sflag:s18] =	ssyncset.done $0x0  }
0x196: {  	[sflag:s18] =	ssyncadd.s32 $0xFFFFC000  }
0x197: {  	[tilespmem:s14], [sflag:$0x2] =	stream.indirect.gather [hbm4b:s4+s12], $0x80, s23, s12, $0xb8;
	[tilespmem:$0x1CC00] =	vst v63  }
0x198: {  	_ =	swait.ge [sflag:s15], $0x4000  }
0x199: {  	[sflag:s15] =	ssyncset.done $0x0  }
0x19a: {  	[sflag:s15] =	ssyncadd.s32 $0xFFFFC000  }
0x19b: {  	[spmem:s2] =	stream.indirect.scatter.add.f32 [tilespmem:s13], [sflag:$0x3], $0x80, s24, s12, $0xb8;
	[tilespmem:$0x1CC00] =	vst v63  }
0x19c: {  	_ =	swait.ge [sflag:s16], $0x4000  }
0x19d: {  	[sflag:s16] =	ssyncset.done $0x0  }
0x19e: {  	[sflag:s16] =	ssyncadd.s32 $0xFFFFC000  }
0x19f: {  	[tilespmem:s13], [sflag:$0x1] =	stream.indirect.gather [hbm4b:s4+s12], $0x80, s25, s12, $0xb8;
	[tilespmem:$0x1CC00] =	vst v63  }
0x1a0: {  	_ =	swait.ge [sflag:s17], $0x4000  }
0x1a1: {  	[sflag:s17] =	ssyncset.done $0x0  }
0x1a2: {  	[sflag:s17] =	ssyncadd.s32 $0xFFFFC000  }
0x1a3: {  	[spmem:s2] =	stream.indirect.scatter.add.f32 [tilespmem:s14], [sflag:$0x4], $0x80, s26, s12, $0xb8;
	[tilespmem:$0x1CC00] =	vst v63  }
0x1a4: {  	_ =	swait.ge [sflag:s18], $0x4000  }
0x1a5: {  	[sflag:s18] =	ssyncset.done $0x0  }
0x1a6: {  	[sflag:s18] =	ssyncadd.s32 $0xFFFFC000  }
0x1a7: {  	[tilespmem:s14], [sflag:$0x2] =	stream.indirect.gather [hbm4b:s4+s12], $0x80, s28, s12, $0xb8;
	[tilespmem:$0x1CC00] =	vst v63  }
0x1a8: {  	_ =	swait.ge [sflag:s15], $0x4000  }
0x1a9: {  	[sflag:s15] =	ssyncset.done $0x0  }
0x1aa: {  	[sflag:s15] =	ssyncadd.s32 $0xFFFFC000  }
0x1ab: {  	[spmem:s2] =	stream.indirect.scatter.add.f32 [tilespmem:s13], [sflag:$0x3], $0x80, s29, s12, $0xb8;
	[tilespmem:$0x1CC00] =	vst v63  }
0x1ac: {  	_ =	swait.ge [sflag:s16], $0x4000  }
0x1ad: {  	[sflag:s16] =	ssyncset.done $0x0  }
0x1ae: {  	[sflag:s16] =	ssyncadd.s32 $0xFFFFC000  }
0x1af: {  	[tilespmem:s13], [sflag:$0x1] =	stream.indirect.gather [hbm4b:s4+s12], $0x80, s30, s12, $0xb8;
	[tilespmem:$0x1CC00] =	vst v63  }
0x1b0: {  	_ =	swait.ge [sflag:s17], $0x4000  }
0x1b1: {  	[sflag:s17] =	ssyncset.done $0x0  }
0x1b2: {  	[sflag:s17] =	ssyncadd.s32 $0xFFFFC000  }
0x1b3: {  	[spmem:s2] =	stream.indirect.scatter.add.f32 [tilespmem:s14], [sflag:$0x4], $0x80, s31, s12, $0xb8;
	[tilespmem:$0x1CC00] =	vst v63  }
0x1b4: {  	_ =	swait.ge [sflag:s18], $0x4000  }
0x1b5: {  	[sflag:s18] =	ssyncset.done $0x0  }
0x1b6: {  	[sflag:s18] =	ssyncadd.s32 $0xFFFFC000  }
0x1b7: {  	[tilespmem:s14], [sflag:$0x2] =	stream.indirect.gather [hbm4b:s4+s12], $0x80, s1, s12, $0xb8;
	[tilespmem:$0x1CC00] =	vst v63  }
0x1b8: {  	_ =	swait.ge [sflag:s15], $0x4000  }
0x1b9: {  	[sflag:s15] =	ssyncset.done $0x0  }
0x1ba: {  	[sflag:s15] =	ssyncadd.s32 $0xFFFFC000  }
0x1bb: {  	[spmem:s2] =	stream.indirect.scatter.add.f32 [tilespmem:s13], [sflag:$0x3], $0x80, s0, s12, $0xb8;
	[tilespmem:$0x1CC00] =	vst v63  }
0x1bc: {  	_ =	swait.ge [sflag:s16], $0x4000  }
0x1bd: {  	[sflag:s16] =	ssyncset.done $0x0  }
0x1be: {  	[sflag:s16] =	ssyncadd.s32 $0xFFFFC000  }
0x1bf: {  	_ =	swait.ge [sflag:s17], $0x4000  }
0x1c0: {  	[sflag:s17] =	ssyncset.done $0x0  }
0x1c1: {  	[sflag:s17] =	ssyncadd.s32 $0xFFFFC000  }
0x1c2: {  	[spmem:s2] =	stream.indirect.scatter.add.f32 [tilespmem:s14], [sflag:$0x4], $0x80, s5, s12, $0xb8;
	[tilespmem:$0x1CC00] =	vst v63  }
0x1c3: {  	_ =	swait.ge [sflag:s18], $0x4000  }
0x1c4: {  	[sflag:s18] =	ssyncset.done $0x0  }
0x1c5: {  	[sflag:s18] =	ssyncadd.s32 $0xFFFFC000  }
0x1c6: {  	[bflag:$0x0] =	sbarrier.arrive $0xFFFF  }
0x1c7: {  	s7 =	rddreg [dreg:$0x15]  }
0x1c8: {  	s9 =	rddreg [dreg:$0x16]  }
0x1c9: {  	s8 =	rddreg [dreg:$0x18]  }
0x1ca: {  	[hbm:s9], [sflag:s7] =	dma.local [spmem:s8], $0x2780  }
0x1cb: {  	_ =	swait.ge [sflag:s10], $0x2780  }
0x1cc: {  	s6 =	rddreg [dreg:$0x19]  }
0x1cd: {  	s9 =	sadd.s32 $0x1, s6;
	s6 =	rddreg [dreg:$0x17]  }
0x1ce: {  	p0 =	sne.s32 s9, s6  }
.Ltmp1:
0x1cf: {  	_ = 	snop;
	(pc) =	sbr.rel @p0 .LBB2_1-.Ltmp1, $3  }
0x1d0: {  	_ =	sdelay $0x1  }
0x1d1: {  	[sflag:s10] =	ssyncset.done $0x0  }
0x1d2: {  	[sflag:s10] =	ssyncadd.s32 $0xFFFFD880  }
0x1d3: {  	_ =	sfence.sel $0x180000  }
0x1d4: {  	[bflag:$0x0] =	sbarrier.arrive $0xFFFF  }
0x1d5: {  	_ =	strace $0x90000050  }
0x1d6: {  	s0 =	stileid.u32;
	[bflag:$0x2] =	sbarrier.arrive $0xFFFF  }
0x1d7: {  	p0 =	sne.s32 s0, $0x0;
	s0 =	rddreg [dreg:$0x3]  }
0x1d8: {  	s0 =	sadd.s32 @!p0 $0x100000, s0  }
0x1d9: {  	[sflag:s0] =	ssyncadd.tile.s32 @!p0 $0x1;
	_ =	shalt  }
.Lfunc_end2:
_tile_overlayer_lowered:
.L_overlay_start_2:
0x1da: {  	(tag) =	ssettag $0x2  }
0x1db: {  	s0 =	rddreg [dreg:$0x0];
	s2 =	stileid.u32  }
0x1dc: {  	s1 =	rddreg [dreg:$0x1];
	p0 =	sne.s32 s2, $0x0  }
0x1dd: {  	s3 =	rddreg [dreg:$0x2];
	[bflag:$0x3] =	sbarrier.arrive $0xFFFF;
	s2 =	simm.s32 @!p0 $0x1C05  }
0x1de: {  	[timem:s3], [sflag:s2] =	dma.local @!p0 [hbm:s0], s1  }
0x1df: {  	s0 =	simm.s32 @!p0 $0x5  }
0x1e0: {  	_ =	swait.ge @!p0 [sflag:s0], s1  }
0x1e1: {  	s1 =	ssub.s32 @!p0 $0x0, s1;
	[sflag:s0] =	ssyncset.done @!p0 $0x0  }
0x1e2: {  	[sflag:s0] =	ssyncadd.s32 @!p0 s1  }
0x1e3: {  	[bflag:$0x3] =	sbarrier.arrive $0xFFFF  }
0x1e4: {  	_ =	shalt  }

// kernel: kernel.17.cloned.1.call-start
scs
__scs_entry_jumppad:
0x0: {  	(pc) =	sbr.rel $0x88, $3  }
0x1: {  	(tag) =	ssettag $0x0;
	lr =	simm.s32 $0x1  }
0x2: {  	[smem:$0x3F7D] =	sst lr;
	_ =	strace $0xD0000000  }
0x3: {  	_ = 	snop  }
0x4: {  	_ = 	snop  }
0x5: {  	_ = 	snop  }
0x6: {  	_ = 	snop  }
0x7: {  	_ = 	snop  }
__scs_overlays_trampoline_lowered:
0x8: {  	[smem:$0x3F8C] =	sst s0  }
0x9: {  	[smem:$0x3F8D] =	sst s1  }
0xa: {  	[smem:$0x3F8E] =	sst s2  }
0xb: {  	[smem:$0x3F8F] =	sst s3  }
0xc: {  	[smem:$0x3F90] =	sst s4  }
0xd: {  	[smem:$0x3F91] =	sst s5  }
0xe: {  	[smem:$0x3F92] =	sst s6  }
0xf: {  	[smem:$0x3F93] =	sst s7  }
0x10: {  	[smem:$0x3F94] =	sst s8  }
0x11: {  	[smem:$0x3F95] =	sst s9;
	s0 =	simm.s32 @!p0 $0x0  }
0x12: {  	s1 =	sld [smem:$0x3F7B];
	s0 =	simm.s32 @p0 $0x1  }
0x13: {  	[smem:$0x3F96] =	sst s0;
	s0 =	simm.s32 @!p1 $0x0  }
0x14: {  	s2 =	sld [smem:$0x3F7A];
	s0 =	simm.s32 @p1 $0x1  }
0x15: {  	[smem:$0x3F97] =	sst s0;
	s0 =	simm.s32 @!p2 $0x0  }
0x16: {  	s3 =	sld [smem:$0x3FDB];
	s0 =	simm.s32 @p2 $0x1  }
0x17: {  	s4 =	simm.s32 $0x1BF5;
	[smem:$0x3F99] =	sst s0  }
0x18: {  	s0 =	sld [smem:$0x3F7C];
	_ =	swait.ge [sflag:s4], $0x0  }
0x19: {  	s7 =	sld [smem:$0x3F7D]  }
0x1a: {  	s8 =	sadd.s32 $0xFFFFE003, lr  }
0x1b: {  	s9 =	sadd.s32 $0xFFFFFEF7, lr;
	s5 =	simm.s32 $0xFFFFFFFF;
	p2 =	slt.u32 s8, $0xFFFFF086  }
0x1c: {  	p1 =	slt.u32 s9, $0xF7A;
	s5 =	simm.s32 @!p2 $0x0  }
0x1d: {  	s5 =	simm.s32 @p1 $0x1;
	p0 =	seq.s32 s7, s2  }
0x1e: {  	s7 =	smul.u32 @!p0 $0xF7A, s2;
	p2 =	seq.s32 @!p0 s5, $0x0  }
0x1f: {  	s9 =	smul.u32 $0xF7A, s1;
	s8 =	simm.s32 @!p0 $0x1BF5;
	p2 =	por !p2, p0  }
0x20: {  	[sflag:s8] =	ssyncset.s32 @!p0 $0xFFFFF086;
	s6 =	sadd.s32 @!p0 s3, s7;
	s7 =	simm.s32 @!p0 $0x108  }
0x21: {  	s3 =	sadd.s32 s3, s9;
	s6 =	sadd.s32 @!p0 $0x88, s6;
	s7 =	simm.s32 @p2 $0x1082  }
0x22: {  	[simem:s7], [sflag:s8] =	dma.local @!p0 [hbm:s6], $0xF7A  }
0x23: {  	s9 =	sor.u32 $0xD0000000, s2;
	s6 =	simm.s32 $0x108;
	_ =	swait.ge @!p0 [sflag:s8], $0x0  }
0x24: {  	s3 =	sadd.s32 $0x88, s3;
	s6 =	simm.s32 @!p1 $0x1082;
	[sflag:s4] =	ssyncset.s32 $0xFFFFF086  }
0x25: {  	[simem:s6], [sflag:s4] =	dma.local [hbm:s3], $0xF7A  }
0x26: {  	[smem:$0x3F7D] =	sst s1;
	(tag) =	ssettag s2;
	_ =	strace s9  }
0x27: {  	s1 =	sld [smem:$0x3F8D]  }
0x28: {  	s2 =	sld [smem:$0x3F8E]  }
0x29: {  	s4 =	sld [smem:$0x3F90]  }
0x2a: {  	p0 =	seq.s32 s5, $0x0;
	s5 =	sld [smem:$0x3F91]  }
0x2b: {  	s6 =	sld [smem:$0x3F92]  }
0x2c: {  	s7 =	sld [smem:$0x3F93]  }
0x2d: {  	s3 =	simm.s32 $0x108;
	s8 =	sld [smem:$0x3F94]  }
0x2e: {  	s3 =	simm.s32 @!p0 $0x1082;
	s9 =	sld [smem:$0x3F95]  }
0x2f: {  	lr =	sadd.s32 s0, s3;
	s0 =	sld [smem:$0x3F8C]  }
0x30: {  	s3 =	sld [smem:$0x3F8F]  }
0x31: {  	[smem:$0x3F98] =	sst s10  }
0x32: {  	s10 =	sld [smem:$0x3F96];
	_ =	sdelay $0x3  }
0x33: {  	p0 =	seq.s32 s10, $0x1;
	s10 =	sld [smem:$0x3F98];
	_ =	sdelay $0x3  }
0x34: {  	[smem:$0x3F98] =	sst s10  }
0x35: {  	s10 =	sld [smem:$0x3F97];
	_ =	sdelay $0x3  }
0x36: {  	p1 =	seq.s32 s10, $0x1;
	s10 =	sld [smem:$0x3F98];
	_ =	sdelay $0x3  }
0x37: {  	[smem:$0x3F98] =	sst s10  }
0x38: {  	s10 =	sld [smem:$0x3F99]  }
0x39: {  	_ = 	snop;
	(pc) =	sbr.ind lr, $3  }
0x3a: {  	_ = 	snop  }
0x3b: {  	_ = 	snop  }
0x3c: {  	p2 =	seq.s32 s10, $0x1;
	s10 =	sld [smem:$0x3F98]  }
0x3d: {  	_ =	shalt  }
0x3e: {  	_ =	shalt  }
0x3f: {  	_ =	shalt  }
0x40: {  	_ =	shalt  }
0x41: {  	_ =	shalt  }
0x42: {  	_ =	shalt  }
0x43: {  	_ =	shalt  }
0x44: {  	_ =	shalt  }
0x45: {  	_ =	shalt  }
0x46: {  	_ =	shalt  }
0x47: {  	_ =	shalt  }
0x48: {  	_ =	shalt  }
0x49: {  	_ =	shalt  }
0x4a: {  	_ =	shalt  }
0x4b: {  	_ =	shalt  }
0x4c: {  	_ =	shalt  }
0x4d: {  	_ =	shalt  }
0x4e: {  	_ =	shalt  }
0x4f: {  	_ =	shalt  }
0x50: {  	_ =	shalt  }
0x51: {  	_ =	shalt  }
0x52: {  	_ =	shalt  }
0x53: {  	_ =	shalt  }
0x54: {  	_ =	shalt  }
0x55: {  	_ =	shalt  }
0x56: {  	_ =	shalt  }
0x57: {  	_ =	shalt  }
0x58: {  	_ =	shalt  }
0x59: {  	_ =	shalt  }
0x5a: {  	_ =	shalt  }
0x5b: {  	_ =	shalt  }
0x5c: {  	_ =	shalt  }
0x5d: {  	_ =	shalt  }
0x5e: {  	_ =	shalt  }
0x5f: {  	_ =	shalt  }
0x60: {  	_ =	shalt  }
0x61: {  	_ =	shalt  }
0x62: {  	_ =	shalt  }
0x63: {  	_ =	shalt  }
0x64: {  	_ =	shalt  }
0x65: {  	_ =	shalt  }
0x66: {  	_ =	shalt  }
0x67: {  	_ =	shalt  }
0x68: {  	_ =	shalt  }
0x69: {  	_ =	shalt  }
0x6a: {  	_ =	shalt  }
0x6b: {  	_ =	shalt  }
0x6c: {  	_ =	shalt  }
0x6d: {  	_ =	shalt  }
0x6e: {  	_ =	shalt  }
0x6f: {  	_ =	shalt  }
0x70: {  	_ =	shalt  }
0x71: {  	_ =	shalt  }
0x72: {  	_ =	shalt  }
0x73: {  	_ =	shalt  }
0x74: {  	_ =	shalt  }
0x75: {  	_ =	shalt  }
0x76: {  	_ =	shalt  }
0x77: {  	_ =	shalt  }
0x78: {  	_ =	shalt  }
0x79: {  	_ =	shalt  }
0x7a: {  	_ =	shalt  }
0x7b: {  	_ =	shalt  }
0x7c: {  	_ =	shalt  }
0x7d: {  	_ =	shalt  }
0x7e: {  	_ =	shalt  }
0x7f: {  	_ =	shalt  }
0x80: {  	_ =	shalt  }
0x81: {  	_ =	shalt  }
0x82: {  	_ =	shalt  }
0x83: {  	_ =	shalt  }
0x84: {  	_ =	shalt  }
0x85: {  	_ =	shalt  }
0x86: {  	_ =	shalt  }
0x87: {  	_ =	shalt  }
.Lfunc_end0:
.L_simem_size_0:
called_computation.2_lowered:
.L_overlay_start_0:
0x88: {  	s2 =	sld [smem:$0x3FD9]  }
0x89: {  	s3 =	sld [smem:$0x3FFE];
	_ =	sdelay $0x1  }
0x8a: {  	s1 =	srdreg.scid  }
0x8b: {  	s0 =	sand.u32 $0x1, s1  }
0x8c: {  	s17 =	sshll.u32 s0, $0xA;
	s2 =	sadd.s32 s3, s2  }
0x8d: {  	s2 =	sadd.s32 s2, s17  }
0x8e: {  	[smem:$0x3FA4] =	sst s2  }
0x8f: {  	_ = 	snop  }
0x90: {  	s2 =	sld [smem:$0x3FC6];
	(tm) =	ssettm $0x1  }
0x91: {  	s18 =	sld [smem:$0x3FFB];
	_ =	sdelay $0x3  }
0x92: {  	_ =	strace s18  }
0x93: {  	s3 =	sld [smem:$0x3FFC];
	_ =	sdelay $0x3  }
0x94: {  	_ =	strace s3  }
0x95: {  	s3 =	sld [smem:$0x3FFD];
	_ =	sdelay $0x3  }
0x96: {  	_ =	strace s3  }
0x97: {  	_ =	strace $0x8FFFFFFF  }
0x98: {  	s19 =	sld [smem:$0x3FDB];
	_ =	sdelay $0x1  }
0x99: {  	s4 =	simm.s32 $_scs_section_size  }
0x9a: {  	s5 =	simm.s32 $_size__tile_overlayer_lowered;
	s6 =	simm.s32 $_tile_overlayer_lowered  }
0x9b: {  	s22 =	simm.s32 $0x1BFF;
	s21 =	sshll.u32 s6, $0x1;
	s3 =	sadd.s32 s4, s19  }
0x9c: {  	s7 =	simm.s32 $0x0;
	s20 =	sshll.u32 s5, $0x1;
	s5 =	sadd.s32 s21, s3  }
0x9d: {  	[timem:s7], [sflag:s22] =	dma.local [hbm:s5], s20  }
0x9e: {  	_ =	swait.ge [sflag:s22], s20  }
0x9f: {  	s4 =	ssub.s32 $0x0, s20;
	[sflag:s22] =	ssyncset.done $0x0  }
0xa0: {  	[sflag:s22] =	ssyncadd.s32 s4;
	_ =	sdelay $0x1  }
0xa1: {  	s23 =	simm.s32 $0x1B8B  }
0xa2: {  	_ =	swait.ge [sflag:s23], $0x1  }
0xa3: {  	[sflag:s23] =	ssyncset.done $0x0  }
0xa4: {  	s25 =	simm.s32 $0x1B8E;
	s24 =	sld [smem:$0x3FFE];
	[sflag:s23] =	ssyncadd.s32 $0xFFFFFFFF  }
0xa5: {  	s26 =	simm.s32 $execute0_lowered;
	[smem:$0x3FD2] =	sst s25  }
0xa6: {  	s5 =	sshll.u32 s26, $0x1;
	_ =	strace $0x80000046;
	[dreg:$0x1] =	wrdreg $0xFFFFFFFF  }
0xa7: {  	s28 =	simm.s32 $_size_execute0_lowered;
	s3 =	sadd.s32 s3, s5;
	[dreg:$0x0] =	wrdreg $0x0  }
0xa8: {  	s5 =	sshll.u32 s28, $0x1;
	[dreg:$0x2] =	wrdreg s3  }
0xa9: {  	[dreg:$0x3] =	wrdreg s5  }
0xaa: {  	[dreg:$0x4] =	wrdreg $0xC0  }
0xab: {  	_ =	task [dreg:s7], $0x5FFFF  }
0xac: {  	[dreg:$0x1] =	wrdreg $0xFFFFFFFF  }
0xad: {  	[dreg:$0x0] =	wrdreg $0x60  }
0xae: {  	[dreg:$0x2] =	wrdreg s2  }
0xaf: {  	[dreg:$0x3] =	wrdreg s24  }
0xb0: {  	[dreg:$0x4] =	wrdreg $0xB7800  }
0xb1: {  	[dreg:$0x5] =	wrdreg $0xA  }
0xb2: {  	_ =	task.clear_ibuf [dreg:s7], $0x6FFFF;
	_ =	strace $0x90000046  }
0xb3: {  	s29 =	simm.s32 $0xA;
	_ =	strace $0x80000048  }
0xb4: {  	_ =	swait.ge [sflag:s29], $0x1  }
0xb5: {  	[sflag:s29] =	ssyncadd.s32 $0xFFFFFFFF  }
0xb6: {  	_ =	strace $0x90000048  }
0xb7: {  	_ =	sfence  }
0xb8: {  	s30 =	sld [smem:$0x0];
	_ =	sdelay $0x2  }
0xb9: {  	s31 =	sshll.u32 s1, $0xD;
	s1 =	sshrl.u32 s1, $0x2  }
0xba: {  	s3 =	sand.u32 $0x4000, s31;
	s1 =	sadd.s32 s1, s30  }
0xbb: {  	s0 =	sor.u32 s3, s0;
	s1 =	sshll.u32 s1, $0x11  }
0xbc: {  	s0 =	sor.u32 s1, s0  }
0xbd: {  	s0 =	sadd.s32 $0x8F2B, s0  }
0xbe: {  	[sflag:s0] =	ssyncadd.remote.s32 $0x1  }
0xbf: {  	_ =	sfence.sel $0xFFFF  }
0xc0: {  	[dreg:$0x0] =	wrdreg $0xFFFFFFFF;
	(pc) =	sbr.abs _section_cstart, $3  }
0xc1: {  	[dreg:$0x1] =	wrdreg $0xFFFFFFFF  }
0xc2: {  	_ =	task.clear_ibuf [dreg:s7], $0x2FFFF;
	_ =	strace $0x9FFFFFFF  }
0xc3: {  	(tm) =	ssettm $0x7FFFFFFF  }
tec
execute0_lowered:
.L_overlay_start_1:
0x0: {  	(tag) =	ssettag $0x1  }
0x1: {  	s1 =	rddreg [dreg:$0x0]  }
0x2: {  	s0 =	rddreg [dreg:$0x1]  }
0x3: {  	s2 =	rddreg [dreg:$0x2]  }
0x4: {  	s3 =	simm.s32 $0x0;
	s12 =	stileid.u32;
	s19 =	srdreg.scid  }
0x5: {  	s15 =	simm.s32 $0x5;
	s16 =	simm.s32 $0x9000;
	s17 =	simm.s32 $0x800  }
0x6: {  	s18 =	simm.s32 $0x80;
	s28 =	simm.s32 $0x580;
	s29 =	simm.s32 $0xD00  }
0x7: {  	s30 =	simm.s32 $0x600;
	s31 =	simm.s32 $0xD80;
	s13 =	simm.s32 $0xF80  }
0x8: {  	[smem:$0x7FF] =	sst s3;
	s5 =	sadd.s32 $0x12200, s0;
	s6 =	sadd.s32 $0x8200, s0  }
0x9: {  	s4 =	smul.u32 $0x13C00, s12;
	s3 =	sand.u32 $0x1, s19;
	s7 =	sshll.u32 s12, $0x1  }
0xa: {  	s9 =	sshrl.u32 s12, $0x2;
	s21 =	sadd.s32 $0x1C200, s0;
	s22 =	smul.u32 $0x4F000, s12  }
0xb: {  	s25 =	sshll.u32 s12, $0x6;
	s19 =	simm.s32 $0x1000;
	s12 =	simm.s32 $0x400  }
0xc: {  	_ =	strace $0x80000047;
	s8 =	smul.u32 $0x13C000, s3;
	s7 =	sor.u32 s3, s7  }
0xd: {  	s9 =	smul.u32 $0x13C00, s9;
	[dreg:$0x4] =	wrdreg s21;
	s3 =	ssub.s32 $0x2, s3  }
0xe: {  	s14 =	sor.u32 $0x1C05, s25;
	s21 =	simm.s32 $0x1;
	s25 =	simm.s32 $0x0  }
0xf: {  	s10 =	sshrl.u32 s4, $0x3;
	s11 =	sshll.u32 s7, $0x7;
	s23 =	sshrl.u32 s3, $0x1  }
0x10: {  	s24 =	sshrl.u32 s22, $0x2;
	s22 =	simm.s32 $0x3;
	[dreg:$0x6] =	wrdreg s14  }
0x11: {  	s10 =	sadd.s32 s10, s0;
	s4 =	sadd.s32 s4, s8;
	s20 =	sand.u32 $0x380, s11  }
0x12: {  	s3 =	ssub.s32 s3, s23;
	s11 =	simm.s32 $0xF00;
	s4 =	sshrl.u32 s4, $0x3  }
0x13: {  	s8 =	sor.u32 s9, s20;
	s10 =	sadd.s32 $0x1C800, s10;
	s26 =	smax.u32 s3, $0x1  }
0x14: {  	s20 =	simm.s32 $0x5000;
	s3 =	simm.s32 $0x700;
	s8 =	sshrl.u32 s8, $0x3  }
0x15: {  	s4 =	sadd.s32 s4, s0;
	[dreg:$0x5] =	wrdreg s10;
	s10 =	smul.u32 $0x2800, s7  }
0x16: {  	[dreg:$0x9] =	wrdreg s26;
	s26 =	simm.s32 $0x4;
	s7 =	simm.s32 $0xE80  }
0x17: {  	s0 =	sadd.s32 s8, s0;
	s8 =	sadd.s32 s24, s2;
	s4 =	sadd.s32 $0x4DE00, s4  }
0x18: {  	s24 =	simm.s32 $0x2;
	[dreg:$0x7] =	wrdreg s4;
	s0 =	sadd.s32 $0x44000, s0  }
0x19: {  	s23 =	sshrl.u32 s8, $0x3;
	s4 =	simm.s32 $0xE00;
	[dreg:$0x8] =	wrdreg s0  }
0x1a: {  	v0 =	vimm.f32 $1.000000000e+00;
	s8 =	simm.s32 $0x780;
	s0 =	simm.s32 $0x680;
	[dreg:$0xa] =	wrdreg s23  }
.LBB2_1:
0x1b: {  	[dreg:$0xb] =	wrdreg s25  }
0x1c: {  	s9 =	rddreg [dreg:$0x5]  }
0x1d: {  	[spmem:s23], [sflag:s14] =	dma.local [hbm:s9], $0x2780  }
0x1e: {  	_ =	swait.ge [sflag:s15], $0x2780  }
0x1f: {  	[sflag:s15] =	ssyncset.done $0x0  }
0x20: {  	s23 =	simm.s32 $0x0;
	s25 =	rddreg [dreg:$0x4];
	[sflag:s15] =	ssyncadd.s32 $0xFFFFD880  }
0x21: {  	[tilespmem:s16], [sflag:$0x5] =	stream.linear.gather [hbm4b:s25+s23], $0x2780, $0x38;
	[tilespmem:$0x1F380] =	vst v63  }
0x22: {  	_ =	swait.ge [sflag:s15], $0x2780  }
0x23: {  	[sflag:s15] =	ssyncset.done $0x0  }
0x24: {  	[sflag:s15] =	ssyncadd.s32 $0xFFFFD880  }
0x25: {  	s9 =	simm.s32 $0x0;
	[bflag:$0x0] =	sbarrier.arrive $0xFFFF  }
.LBB2_2:
0x26: {  	s14 =	sshll.u32 s9, $0xB  }
0x27: {  	s14 =	sadd.s32 s10, s14  }
0x28: {  	s23 =	sshrl.u32 s14, $0x3  }
0x29: {  	s14 =	simm.s32 $0x0;
	s25 =	sadd.s32 s5, s23  }
0x2a: {  	[tilespmem:s14], [sflag:$0x5] =	stream.linear.gather [hbm4b:s25+s14], $0x800, $0x38;
	[tilespmem:$0x1F380] =	vst v63  }
0x2b: {  	_ =	swait.ge [sflag:s15], $0x800  }
0x2c: {  	[sflag:s15] =	ssyncset.done $0x0  }
0x2d: {  	s23 =	sadd.s32 s6, s23;
	[sflag:s15] =	ssyncadd.s32 $0xFFFFF800  }
0x2e: {  	[tilespmem:s17], [sflag:$0x5] =	stream.linear.gather [hbm4b:s23+s14], $0x800, $0x38;
	[tilespmem:$0x1F380] =	vst v63  }
0x2f: {  	_ =	swait.ge [sflag:s15], $0x800  }
0x30: {  	[sflag:s15] =	ssyncset.done $0x0  }
0x31: {  	[sflag:s15] =	ssyncadd.s32 $0xFFFFF800  }
0x32: {  	[tilespmem:s19], [sflag:$0x1] =	stream.indirect.gather [hbm4b:s1+s18], $0x80, s14, s18, $0xb8;
	[tilespmem:$0x1F380] =	vst v63  }
0x33: {  	_ = 	snop  }
0x34: {  	[tilespmem:s20], [sflag:$0x2] =	stream.indirect.gather [hbm4b:s1+s18], $0x80, s18, s18, $0xb8;
	[tilespmem:$0x1F380] =	vst v63  }
0x35: {  	_ =	swait.ge [sflag:s21], $0x4000  }
0x36: {  	[sflag:s21] =	ssyncset.done $0x0  }
0x37: {  	[sflag:s21] =	ssyncadd.s32 $0xFFFFC000  }
0x38: {  	[spmem:s2] =	stream.indirect.scatter.add.f32 [tilespmem:s19], [sflag:$0x3], $0x80, s17, s18, $0xb8;
	[tilespmem:$0x1F380] =	vst v63  }
0x39: {  	_ =	swait.ge [sflag:s22], $0x4000  }
0x3a: {  	[sflag:s22] =	ssyncset.done $0x0  }
0x3b: {  	s25 =	simm.s32 $0x100;
	[sflag:s22] =	ssyncadd.s32 $0xFFFFC000  }
0x3c: {  	[tilespmem:s19], [sflag:$0x1] =	stream.indirect.gather [hbm4b:s1+s18], $0x80, s25, s18, $0xb8;
	[tilespmem:$0x1F380] =	vst v63  }
0x3d: {  	_ =	swait.ge [sflag:s24], $0x4000  }
0x3e: {  	[sflag:s24] =	ssyncset.done $0x0  }
0x3f: {  	s25 =	simm.s32 $0x880;
	[sflag:s24] =	ssyncadd.s32 $0xFFFFC000  }
0x40: {  	[spmem:s2] =	stream.indirect.scatter.add.f32 [tilespmem:s20], [sflag:$0x4], $0x80, s25, s18, $0xb8;
	[tilespmem:$0x1F380] =	vst v63  }
0x41: {  	_ =	swait.ge [sflag:s26], $0x4000  }
0x42: {  	[sflag:s26] =	ssyncset.done $0x0  }
0x43: {  	s25 =	simm.s32 $0x180;
	[sflag:s26] =	ssyncadd.s32 $0xFFFFC000  }
0x44: {  	[tilespmem:s20], [sflag:$0x2] =	stream.indirect.gather [hbm4b:s1+s18], $0x80, s25, s18, $0xb8;
	[tilespmem:$0x1F380] =	vst v63  }
0x45: {  	_ =	swait.ge [sflag:s21], $0x4000  }
0x46: {  	[sflag:s21] =	ssyncset.done $0x0  }
0x47: {  	s25 =	simm.s32 $0x900;
	[sflag:s21] =	ssyncadd.s32 $0xFFFFC000  }
0x48: {  	[spmem:s2] =	stream.indirect.scatter.add.f32 [tilespmem:s19], [sflag:$0x3], $0x80, s25, s18, $0xb8;
	[tilespmem:$0x1F380] =	vst v63  }
0x49: {  	_ =	swait.ge [sflag:s22], $0x4000  }
0x4a: {  	[sflag:s22] =	ssyncset.done $0x0  }
0x4b: {  	s25 =	simm.s32 $0x200;
	[sflag:s22] =	ssyncadd.s32 $0xFFFFC000  }
0x4c: {  	[tilespmem:s19], [sflag:$0x1] =	stream.indirect.gather [hbm4b:s1+s18], $0x80, s25, s18, $0xb8;
	[tilespmem:$0x1F380] =	vst v63  }
0x4d: {  	_ =	swait.ge [sflag:s24], $0x4000  }
0x4e: {  	[sflag:s24] =	ssyncset.done $0x0  }
0x4f: {  	s25 =	simm.s32 $0x980;
	[sflag:s24] =	ssyncadd.s32 $0xFFFFC000  }
0x50: {  	[spmem:s2] =	stream.indirect.scatter.add.f32 [tilespmem:s20], [sflag:$0x4], $0x80, s25, s18, $0xb8;
	[tilespmem:$0x1F380] =	vst v63  }
0x51: {  	_ =	swait.ge [sflag:s26], $0x4000  }
0x52: {  	[sflag:s26] =	ssyncset.done $0x0  }
0x53: {  	s25 =	simm.s32 $0x280;
	[sflag:s26] =	ssyncadd.s32 $0xFFFFC000  }
0x54: {  	[tilespmem:s20], [sflag:$0x2] =	stream.indirect.gather [hbm4b:s1+s18], $0x80, s25, s18, $0xb8;
	[tilespmem:$0x1F380] =	vst v63  }
0x55: {  	_ =	swait.ge [sflag:s21], $0x4000  }
0x56: {  	[sflag:s21] =	ssyncset.done $0x0  }
0x57: {  	s25 =	simm.s32 $0xA00;
	[sflag:s21] =	ssyncadd.s32 $0xFFFFC000  }
0x58: {  	[spmem:s2] =	stream.indirect.scatter.add.f32 [tilespmem:s19], [sflag:$0x3], $0x80, s25, s18, $0xb8;
	[tilespmem:$0x1F380] =	vst v63  }
0x59: {  	_ =	swait.ge [sflag:s22], $0x4000  }
0x5a: {  	[sflag:s22] =	ssyncset.done $0x0  }
0x5b: {  	s25 =	simm.s32 $0x300;
	[sflag:s22] =	ssyncadd.s32 $0xFFFFC000  }
0x5c: {  	[tilespmem:s19], [sflag:$0x1] =	stream.indirect.gather [hbm4b:s1+s18], $0x80, s25, s18, $0xb8;
	[tilespmem:$0x1F380] =	vst v63  }
0x5d: {  	_ =	swait.ge [sflag:s24], $0x4000  }
0x5e: {  	[sflag:s24] =	ssyncset.done $0x0  }
0x5f: {  	s25 =	simm.s32 $0xA80;
	[sflag:s24] =	ssyncadd.s32 $0xFFFFC000  }
0x60: {  	[spmem:s2] =	stream.indirect.scatter.add.f32 [tilespmem:s20], [sflag:$0x4], $0x80, s25, s18, $0xb8;
	[tilespmem:$0x1F380] =	vst v63  }
0x61: {  	_ =	swait.ge [sflag:s26], $0x4000  }
0x62: {  	[sflag:s26] =	ssyncset.done $0x0  }
0x63: {  	s25 =	simm.s32 $0x380;
	[sflag:s26] =	ssyncadd.s32 $0xFFFFC000  }
0x64: {  	[tilespmem:s20], [sflag:$0x2] =	stream.indirect.gather [hbm4b:s1+s18], $0x80, s25, s18, $0xb8;
	[tilespmem:$0x1F380] =	vst v63  }
0x65: {  	_ =	swait.ge [sflag:s21], $0x4000  }
0x66: {  	[sflag:s21] =	ssyncset.done $0x0  }
0x67: {  	s25 =	simm.s32 $0xB00;
	[sflag:s21] =	ssyncadd.s32 $0xFFFFC000  }
0x68: {  	[spmem:s2] =	stream.indirect.scatter.add.f32 [tilespmem:s19], [sflag:$0x3], $0x80, s25, s18, $0xb8;
	[tilespmem:$0x1F380] =	vst v63  }
0x69: {  	_ =	swait.ge [sflag:s22], $0x4000  }
0x6a: {  	[sflag:s22] =	ssyncset.done $0x0  }
0x6b: {  	[sflag:s22] =	ssyncadd.s32 $0xFFFFC000  }
0x6c: {  	[tilespmem:s19], [sflag:$0x1] =	stream.indirect.gather [hbm4b:s1+s18], $0x80, s12, s18, $0xb8;
	[tilespmem:$0x1F380] =	vst v63  }
0x6d: {  	_ =	swait.ge [sflag:s24], $0x4000  }
0x6e: {  	[sflag:s24] =	ssyncset.done $0x0  }
0x6f: {  	s25 =	simm.s32 $0xB80;
	[sflag:s24] =	ssyncadd.s32 $0xFFFFC000  }
0x70: {  	[spmem:s2] =	stream.indirect.scatter.add.f32 [tilespmem:s20], [sflag:$0x4], $0x80, s25, s18, $0xb8;
	[tilespmem:$0x1F380] =	vst v63  }
0x71: {  	_ =	swait.ge [sflag:s26], $0x4000  }
0x72: {  	[sflag:s26] =	ssyncset.done $0x0  }
0x73: {  	s25 =	simm.s32 $0x480;
	[sflag:s26] =	ssyncadd.s32 $0xFFFFC000  }
0x74: {  	[tilespmem:s20], [sflag:$0x2] =	stream.indirect.gather [hbm4b:s1+s18], $0x80, s25, s18, $0xb8;
	[tilespmem:$0x1F380] =	vst v63  }
0x75: {  	_ =	swait.ge [sflag:s21], $0x4000  }
0x76: {  	[sflag:s21] =	ssyncset.done $0x0  }
0x77: {  	s25 =	simm.s32 $0xC00;
	[sflag:s21] =	ssyncadd.s32 $0xFFFFC000  }
0x78: {  	[spmem:s2] =	stream.indirect.scatter.add.f32 [tilespmem:s19], [sflag:$0x3], $0x80, s25, s18, $0xb8;
	[tilespmem:$0x1F380] =	vst v63  }
0x79: {  	_ =	swait.ge [sflag:s22], $0x4000  }
0x7a: {  	[sflag:s22] =	ssyncset.done $0x0  }
0x7b: {  	s25 =	simm.s32 $0x500;
	[sflag:s22] =	ssyncadd.s32 $0xFFFFC000  }
0x7c: {  	[tilespmem:s19], [sflag:$0x1] =	stream.indirect.gather [hbm4b:s1+s18], $0x80, s25, s18, $0xb8;
	[tilespmem:$0x1F380] =	vst v63  }
0x7d: {  	_ =	swait.ge [sflag:s24], $0x4000  }
0x7e: {  	[sflag:s24] =	ssyncset.done $0x0  }
0x7f: {  	s25 =	simm.s32 $0xC80;
	[sflag:s24] =	ssyncadd.s32 $0xFFFFC000  }
0x80: {  	[spmem:s2] =	stream.indirect.scatter.add.f32 [tilespmem:s20], [sflag:$0x4], $0x80, s25, s18, $0xb8;
	[tilespmem:$0x1F380] =	vst v63  }
0x81: {  	_ =	swait.ge [sflag:s26], $0x4000  }
0x82: {  	[sflag:s26] =	ssyncset.done $0x0  }
0x83: {  	[sflag:s26] =	ssyncadd.s32 $0xFFFFC000  }
0x84: {  	[tilespmem:s20], [sflag:$0x2] =	stream.indirect.gather [hbm4b:s1+s18], $0x80, s28, s18, $0xb8;
	[tilespmem:$0x1F380] =	vst v63  }
0x85: {  	_ =	swait.ge [sflag:s21], $0x4000  }
0x86: {  	[sflag:s21] =	ssyncset.done $0x0  }
0x87: {  	[sflag:s21] =	ssyncadd.s32 $0xFFFFC000  }
0x88: {  	[spmem:s2] =	stream.indirect.scatter.add.f32 [tilespmem:s19], [sflag:$0x3], $0x80, s29, s18, $0xb8;
	[tilespmem:$0x1F380] =	vst v63  }
0x89: {  	_ =	swait.ge [sflag:s22], $0x4000  }
0x8a: {  	[sflag:s22] =	ssyncset.done $0x0  }
0x8b: {  	[sflag:s22] =	ssyncadd.s32 $0xFFFFC000  }
0x8c: {  	[tilespmem:s19], [sflag:$0x1] =	stream.indirect.gather [hbm4b:s1+s18], $0x80, s30, s18, $0xb8;
	[tilespmem:$0x1F380] =	vst v63  }
0x8d: {  	_ =	swait.ge [sflag:s24], $0x4000  }
0x8e: {  	[sflag:s24] =	ssyncset.done $0x0  }
0x8f: {  	[sflag:s24] =	ssyncadd.s32 $0xFFFFC000  }
0x90: {  	[spmem:s2] =	stream.indirect.scatter.add.f32 [tilespmem:s20], [sflag:$0x4], $0x80, s31, s18, $0xb8;
	[tilespmem:$0x1F380] =	vst v63  }
0x91: {  	_ =	swait.ge [sflag:s26], $0x4000  }
0x92: {  	[sflag:s26] =	ssyncset.done $0x0  }
0x93: {  	[sflag:s26] =	ssyncadd.s32 $0xFFFFC000  }
0x94: {  	[tilespmem:s20], [sflag:$0x2] =	stream.indirect.gather [hbm4b:s1+s18], $0x80, s0, s18, $0xb8;
	[tilespmem:$0x1F380] =	vst v63  }
0x95: {  	_ =	swait.ge [sflag:s21], $0x4000  }
0x96: {  	[sflag:s21] =	ssyncset.done $0x0  }
0x97: {  	[sflag:s21] =	ssyncadd.s32 $0xFFFFC000  }
0x98: {  	[spmem:s2] =	stream.indirect.scatter.add.f32 [tilespmem:s19], [sflag:$0x3], $0x80, s4, s18, $0xb8;
	[tilespmem:$0x1F380] =	vst v63  }
0x99: {  	_ =	swait.ge [sflag:s22], $0x4000  }
0x9a: {  	[sflag:s22] =	ssyncset.done $0x0  }
0x9b: {  	[sflag:s22] =	ssyncadd.s32 $0xFFFFC000  }
0x9c: {  	[tilespmem:s19], [sflag:$0x1] =	stream.indirect.gather [hbm4b:s1+s18], $0x80, s3, s18, $0xb8;
	[tilespmem:$0x1F380] =	vst v63  }
0x9d: {  	_ =	swait.ge [sflag:s24], $0x4000  }
0x9e: {  	[sflag:s24] =	ssyncset.done $0x0  }
0x9f: {  	[sflag:s24] =	ssyncadd.s32 $0xFFFFC000  }
0xa0: {  	[spmem:s2] =	stream.indirect.scatter.add.f32 [tilespmem:s20], [sflag:$0x4], $0x80, s7, s18, $0xb8;
	[tilespmem:$0x1F380] =	vst v63  }
0xa1: {  	_ =	swait.ge [sflag:s26], $0x4000  }
0xa2: {  	[sflag:s26] =	ssyncset.done $0x0  }
0xa3: {  	[sflag:s26] =	ssyncadd.s32 $0xFFFFC000  }
0xa4: {  	[tilespmem:s20], [sflag:$0x2] =	stream.indirect.gather [hbm4b:s1+s18], $0x80, s8, s18, $0xb8;
	[tilespmem:$0x1F380] =	vst v63  }
0xa5: {  	_ =	swait.ge [sflag:s21], $0x4000  }
0xa6: {  	[sflag:s21] =	ssyncset.done $0x0  }
0xa7: {  	[sflag:s21] =	ssyncadd.s32 $0xFFFFC000  }
0xa8: {  	[spmem:s2] =	stream.indirect.scatter.add.f32 [tilespmem:s19], [sflag:$0x3], $0x80, s11, s18, $0xb8;
	[tilespmem:$0x1F380] =	vst v63  }
0xa9: {  	_ =	swait.ge [sflag:s22], $0x4000  }
0xaa: {  	[sflag:s22] =	ssyncset.done $0x0  }
0xab: {  	[sflag:s22] =	ssyncadd.s32 $0xFFFFC000  }
0xac: {  	_ =	swait.ge [sflag:s24], $0x4000  }
0xad: {  	[sflag:s24] =	ssyncset.done $0x0  }
0xae: {  	[sflag:s24] =	ssyncadd.s32 $0xFFFFC000  }
0xaf: {  	[spmem:s2] =	stream.indirect.scatter.add.f32 [tilespmem:s20], [sflag:$0x4], $0x80, s13, s18, $0xb8;
	[tilespmem:$0x1F380] =	vst v63  }
0xb0: {  	_ =	swait.ge [sflag:s26], $0x4000  }
0xb1: {  	[sflag:s26] =	ssyncset.done $0x0  }
0xb2: {  	[sflag:s26] =	ssyncadd.s32 $0xFFFFC000  }
.LBB2_3:
0xb3: {  	s23 =	sshra.s32 s14, $0x2  }
0xb4: {  	v1 =	vld [tilespmem:s23+$0x800];
	_ =	sdelay $0x7  }
0xb5: {  	[tilespmem:v1+s16+$0x0] =	vst.idx.add.f32.msk $0xffff, v0  }
0xb6: {  	v1 =	vld [tilespmem:s23+$0x810];
	_ =	sdelay $0x7  }
0xb7: {  	[tilespmem:v1+s16+$0x0] =	vst.idx.add.f32.msk $0xffff, v0  }
0xb8: {  	v1 =	vld [tilespmem:s23+$0x820];
	_ =	sdelay $0x7  }
0xb9: {  	[tilespmem:v1+s16+$0x0] =	vst.idx.add.f32.msk $0xffff, v0  }
0xba: {  	v1 =	vld [tilespmem:s23+$0x830];
	_ =	sdelay $0x7  }
0xbb: {  	[tilespmem:v1+s16+$0x0] =	vst.idx.add.f32.msk $0xffff, v0  }
0xbc: {  	v1 =	vld [tilespmem:s23+$0x840];
	_ =	sdelay $0x7  }
0xbd: {  	[tilespmem:v1+s16+$0x0] =	vst.idx.add.f32.msk $0xffff, v0  }
0xbe: {  	v1 =	vld [tilespmem:s23+$0x850];
	_ =	sdelay $0x7  }
0xbf: {  	[tilespmem:v1+s16+$0x0] =	vst.idx.add.f32.msk $0xffff, v0  }
0xc0: {  	v1 =	vld [tilespmem:s23+$0x860];
	_ =	sdelay $0x7  }
0xc1: {  	[tilespmem:v1+s16+$0x0] =	vst.idx.add.f32.msk $0xffff, v0  }
0xc2: {  	v1 =	vld [tilespmem:s23+$0x870];
	_ =	sdelay $0x2  }
0xc3: {  	p0 =	sne.s32 s14, $0x1E00  }
.Ltmp0:
0xc4: {  	_ = 	snop;
	(pc) =	sbr.rel @p0 .LBB2_3-.Ltmp0, $2  }
0xc5: {  	_ =	sdelay $0x2  }
0xc6: {  	s14 =	sadd.s32 $0x200, s14;
	[tilespmem:v1+s16+$0x0] =	vst.idx.add.f32.msk $0xffff, v0  }
0xc7: {  	s9 =	sadd.s32 $0x1, s9  }
0xc8: {  	p0 =	sne.s32 s9, $0x5  }
.Ltmp1:
0xc9: {  	_ = 	snop;
	(pc) =	sbr.rel @p0 .LBB2_2-.Ltmp1, $1  }
0xca: {  	_ =	sdelay $0x3  }
0xcb: {  	[bflag:$0x0] =	sbarrier.arrive $0xFFFF  }
0xcc: {  	s14 =	rddreg [dreg:$0x6]  }
0xcd: {  	s9 =	rddreg [dreg:$0x7]  }
0xce: {  	s23 =	rddreg [dreg:$0xa]  }
0xcf: {  	[hbm:s9], [sflag:s14] =	dma.local [spmem:s23], $0x2780  }
0xd0: {  	_ =	swait.ge [sflag:s15], $0x2780  }
0xd1: {  	[sflag:s15] =	ssyncset.done $0x0  }
0xd2: {  	s25 =	rddreg [dreg:$0x8];
	[sflag:s15] =	ssyncadd.s32 $0xFFFFD880  }
0xd3: {  	[hbm4b:s25+s18] =	stream.strided.scatter [tilespmem:s16], [sflag:$0x5], $0x2780, s12, s18, $0x38;
	[tilespmem:$0x1F380] =	vst v63  }
0xd4: {  	_ =	swait.ge [sflag:s15], $0x2780  }
0xd5: {  	s25 =	rddreg [dreg:$0xb]  }
0xd6: {  	s9 =	rddreg [dreg:$0x9];
	s25 =	sadd.s32 $0x1, s25  }
0xd7: {  	p0 =	sne.s32 s25, s9  }
.Ltmp2:
0xd8: {  	_ = 	snop;
	(pc) =	sbr.rel @p0 .LBB2_1-.Ltmp2, $3  }
0xd9: {  	_ =	sdelay $0x1  }
0xda: {  	[sflag:s15] =	ssyncset.done $0x0  }
0xdb: {  	[sflag:s15] =	ssyncadd.s32 $0xFFFFD880  }
0xdc: {  	_ =	sfence.sel $0x180000  }
0xdd: {  	[bflag:$0x0] =	sbarrier.arrive $0xFFFF  }
0xde: {  	_ =	strace $0x90000047  }
0xdf: {  	s0 =	stileid.u32;
	[bflag:$0x2] =	sbarrier.arrive $0xFFFF  }
0xe0: {  	p0 =	sne.s32 s0, $0x0;
	s0 =	rddreg [dreg:$0x3]  }
0xe1: {  	s0 =	sadd.s32 @!p0 $0x100000, s0  }
0xe2: {  	[sflag:s0] =	ssyncadd.tile.s32 @!p0 $0x1;
	_ =	shalt  }
.Lfunc_end2:
_tile_overlayer_lowered:
.L_overlay_start_2:
0xe3: {  	(tag) =	ssettag $0x2  }
0xe4: {  	s0 =	rddreg [dreg:$0x0];
	s2 =	stileid.u32  }
0xe5: {  	s1 =	rddreg [dreg:$0x1];
	p0 =	sne.s32 s2, $0x0  }
0xe6: {  	s3 =	rddreg [dreg:$0x2];
	[bflag:$0x3] =	sbarrier.arrive $0xFFFF;
	s2 =	simm.s32 @!p0 $0x1C05  }
0xe7: {  	[timem:s3], [sflag:s2] =	dma.local @!p0 [hbm:s0], s1  }
0xe8: {  	s0 =	simm.s32 @!p0 $0x5  }
0xe9: {  	_ =	swait.ge @!p0 [sflag:s0], s1  }
0xea: {  	s1 =	ssub.s32 @!p0 $0x0, s1;
	[sflag:s0] =	ssyncset.done @!p0 $0x0  }
0xeb: {  	[sflag:s0] =	ssyncadd.s32 @!p0 s1  }
0xec: {  	[bflag:$0x3] =	sbarrier.arrive $0xFFFF  }
0xed: {  	_ =	shalt  }

// kernel: kernel.20.cloned.1.call-start
scs
__scs_entry_jumppad:
0x0: {  	(pc) =	sbr.rel $0x88, $3  }
0x1: {  	(tag) =	ssettag $0x0;
	lr =	simm.s32 $0x1  }
0x2: {  	[smem:$0x3F7D] =	sst lr;
	_ =	strace $0xD0000000  }
0x3: {  	_ = 	snop  }
0x4: {  	_ = 	snop  }
0x5: {  	_ = 	snop  }
0x6: {  	_ = 	snop  }
0x7: {  	_ = 	snop  }
__scs_overlays_trampoline_lowered:
0x8: {  	[smem:$0x3F8C] =	sst s0  }
0x9: {  	[smem:$0x3F8D] =	sst s1  }
0xa: {  	[smem:$0x3F8E] =	sst s2  }
0xb: {  	[smem:$0x3F8F] =	sst s3  }
0xc: {  	[smem:$0x3F90] =	sst s4  }
0xd: {  	[smem:$0x3F91] =	sst s5  }
0xe: {  	[smem:$0x3F92] =	sst s6  }
0xf: {  	[smem:$0x3F93] =	sst s7  }
0x10: {  	[smem:$0x3F94] =	sst s8  }
0x11: {  	[smem:$0x3F95] =	sst s9;
	s0 =	simm.s32 @!p0 $0x0  }
0x12: {  	s1 =	sld [smem:$0x3F7B];
	s0 =	simm.s32 @p0 $0x1  }
0x13: {  	[smem:$0x3F96] =	sst s0;
	s0 =	simm.s32 @!p1 $0x0  }
0x14: {  	s2 =	sld [smem:$0x3F7A];
	s0 =	simm.s32 @p1 $0x1  }
0x15: {  	[smem:$0x3F97] =	sst s0;
	s0 =	simm.s32 @!p2 $0x0  }
0x16: {  	s3 =	sld [smem:$0x3FDB];
	s0 =	simm.s32 @p2 $0x1  }
0x17: {  	s4 =	simm.s32 $0x1BF5;
	[smem:$0x3F99] =	sst s0  }
0x18: {  	s0 =	sld [smem:$0x3F7C];
	_ =	swait.ge [sflag:s4], $0x0  }
0x19: {  	s7 =	sld [smem:$0x3F7D]  }
0x1a: {  	s8 =	sadd.s32 $0xFFFFE003, lr  }
0x1b: {  	s9 =	sadd.s32 $0xFFFFFEF7, lr;
	s5 =	simm.s32 $0xFFFFFFFF;
	p2 =	slt.u32 s8, $0xFFFFF086  }
0x1c: {  	p1 =	slt.u32 s9, $0xF7A;
	s5 =	simm.s32 @!p2 $0x0  }
0x1d: {  	s5 =	simm.s32 @p1 $0x1;
	p0 =	seq.s32 s7, s2  }
0x1e: {  	s7 =	smul.u32 @!p0 $0xF7A, s2;
	p2 =	seq.s32 @!p0 s5, $0x0  }
0x1f: {  	s9 =	smul.u32 $0xF7A, s1;
	s8 =	simm.s32 @!p0 $0x1BF5;
	p2 =	por !p2, p0  }
0x20: {  	[sflag:s8] =	ssyncset.s32 @!p0 $0xFFFFF086;
	s6 =	sadd.s32 @!p0 s3, s7;
	s7 =	simm.s32 @!p0 $0x108  }
0x21: {  	s3 =	sadd.s32 s3, s9;
	s6 =	sadd.s32 @!p0 $0x88, s6;
	s7 =	simm.s32 @p2 $0x1082  }
0x22: {  	[simem:s7], [sflag:s8] =	dma.local @!p0 [hbm:s6], $0xF7A  }
0x23: {  	s9 =	sor.u32 $0xD0000000, s2;
	s6 =	simm.s32 $0x108;
	_ =	swait.ge @!p0 [sflag:s8], $0x0  }
0x24: {  	s3 =	sadd.s32 $0x88, s3;
	s6 =	simm.s32 @!p1 $0x1082;
	[sflag:s4] =	ssyncset.s32 $0xFFFFF086  }
0x25: {  	[simem:s6], [sflag:s4] =	dma.local [hbm:s3], $0xF7A  }
0x26: {  	[smem:$0x3F7D] =	sst s1;
	(tag) =	ssettag s2;
	_ =	strace s9  }
0x27: {  	s1 =	sld [smem:$0x3F8D]  }
0x28: {  	s2 =	sld [smem:$0x3F8E]  }
0x29: {  	s4 =	sld [smem:$0x3F90]  }
0x2a: {  	p0 =	seq.s32 s5, $0x0;
	s5 =	sld [smem:$0x3F91]  }
0x2b: {  	s6 =	sld [smem:$0x3F92]  }
0x2c: {  	s7 =	sld [smem:$0x3F93]  }
0x2d: {  	s3 =	simm.s32 $0x108;
	s8 =	sld [smem:$0x3F94]  }
0x2e: {  	s3 =	simm.s32 @!p0 $0x1082;
	s9 =	sld [smem:$0x3F95]  }
0x2f: {  	lr =	sadd.s32 s0, s3;
	s0 =	sld [smem:$0x3F8C]  }
0x30: {  	s3 =	sld [smem:$0x3F8F]  }
0x31: {  	[smem:$0x3F98] =	sst s10  }
0x32: {  	s10 =	sld [smem:$0x3F96];
	_ =	sdelay $0x3  }
0x33: {  	p0 =	seq.s32 s10, $0x1;
	s10 =	sld [smem:$0x3F98];
	_ =	sdelay $0x3  }
0x34: {  	[smem:$0x3F98] =	sst s10  }
0x35: {  	s10 =	sld [smem:$0x3F97];
	_ =	sdelay $0x3  }
0x36: {  	p1 =	seq.s32 s10, $0x1;
	s10 =	sld [smem:$0x3F98];
	_ =	sdelay $0x3  }
0x37: {  	[smem:$0x3F98] =	sst s10  }
0x38: {  	s10 =	sld [smem:$0x3F99]  }
0x39: {  	_ = 	snop;
	(pc) =	sbr.ind lr, $3  }
0x3a: {  	_ = 	snop  }
0x3b: {  	_ = 	snop  }
0x3c: {  	p2 =	seq.s32 s10, $0x1;
	s10 =	sld [smem:$0x3F98]  }
0x3d: {  	_ =	shalt  }
0x3e: {  	_ =	shalt  }
0x3f: {  	_ =	shalt  }
0x40: {  	_ =	shalt  }
0x41: {  	_ =	shalt  }
0x42: {  	_ =	shalt  }
0x43: {  	_ =	shalt  }
0x44: {  	_ =	shalt  }
0x45: {  	_ =	shalt  }
0x46: {  	_ =	shalt  }
0x47: {  	_ =	shalt  }
0x48: {  	_ =	shalt  }
0x49: {  	_ =	shalt  }
0x4a: {  	_ =	shalt  }
0x4b: {  	_ =	shalt  }
0x4c: {  	_ =	shalt  }
0x4d: {  	_ =	shalt  }
0x4e: {  	_ =	shalt  }
0x4f: {  	_ =	shalt  }
0x50: {  	_ =	shalt  }
0x51: {  	_ =	shalt  }
0x52: {  	_ =	shalt  }
0x53: {  	_ =	shalt  }
0x54: {  	_ =	shalt  }
0x55: {  	_ =	shalt  }
0x56: {  	_ =	shalt  }
0x57: {  	_ =	shalt  }
0x58: {  	_ =	shalt  }
0x59: {  	_ =	shalt  }
0x5a: {  	_ =	shalt  }
0x5b: {  	_ =	shalt  }
0x5c: {  	_ =	shalt  }
0x5d: {  	_ =	shalt  }
0x5e: {  	_ =	shalt  }
0x5f: {  	_ =	shalt  }
0x60: {  	_ =	shalt  }
0x61: {  	_ =	shalt  }
0x62: {  	_ =	shalt  }
0x63: {  	_ =	shalt  }
0x64: {  	_ =	shalt  }
0x65: {  	_ =	shalt  }
0x66: {  	_ =	shalt  }
0x67: {  	_ =	shalt  }
0x68: {  	_ =	shalt  }
0x69: {  	_ =	shalt  }
0x6a: {  	_ =	shalt  }
0x6b: {  	_ =	shalt  }
0x6c: {  	_ =	shalt  }
0x6d: {  	_ =	shalt  }
0x6e: {  	_ =	shalt  }
0x6f: {  	_ =	shalt  }
0x70: {  	_ =	shalt  }
0x71: {  	_ =	shalt  }
0x72: {  	_ =	shalt  }
0x73: {  	_ =	shalt  }
0x74: {  	_ =	shalt  }
0x75: {  	_ =	shalt  }
0x76: {  	_ =	shalt  }
0x77: {  	_ =	shalt  }
0x78: {  	_ =	shalt  }
0x79: {  	_ =	shalt  }
0x7a: {  	_ =	shalt  }
0x7b: {  	_ =	shalt  }
0x7c: {  	_ =	shalt  }
0x7d: {  	_ =	shalt  }
0x7e: {  	_ =	shalt  }
0x7f: {  	_ =	shalt  }
0x80: {  	_ =	shalt  }
0x81: {  	_ =	shalt  }
0x82: {  	_ =	shalt  }
0x83: {  	_ =	shalt  }
0x84: {  	_ =	shalt  }
0x85: {  	_ =	shalt  }
0x86: {  	_ =	shalt  }
0x87: {  	_ =	shalt  }
.Lfunc_end0:
.L_simem_size_0:
called_computation.3_lowered:
.L_overlay_start_0:
0x88: {  	s2 =	sld [smem:$0x3FD9]  }
0x89: {  	s3 =	sld [smem:$0x3FFE];
	_ =	sdelay $0x1  }
0x8a: {  	s1 =	srdreg.scid  }
0x8b: {  	s0 =	sand.u32 $0x1, s1  }
0x8c: {  	s17 =	sshll.u32 s0, $0xA;
	s2 =	sadd.s32 s3, s2  }
0x8d: {  	s2 =	sadd.s32 s2, s17  }
0x8e: {  	[smem:$0x3FA4] =	sst s2  }
0x8f: {  	_ = 	snop  }
0x90: {  	(tm) =	ssettm $0x1  }
0x91: {  	s18 =	sld [smem:$0x3FFB];
	_ =	sdelay $0x3  }
0x92: {  	_ =	strace s18  }
0x93: {  	s2 =	sld [smem:$0x3FFC];
	_ =	sdelay $0x3  }
0x94: {  	_ =	strace s2  }
0x95: {  	s2 =	sld [smem:$0x3FFD];
	_ =	sdelay $0x3  }
0x96: {  	_ =	strace s2  }
0x97: {  	_ =	strace $0x8FFFFFFF  }
0x98: {  	s19 =	sld [smem:$0x3FDB];
	_ =	sdelay $0x1  }
0x99: {  	s20 =	simm.s32 $_scs_section_size  }
0x9a: {  	s4 =	simm.s32 $_size__tile_overlayer_lowered;
	s5 =	simm.s32 $_tile_overlayer_lowered  }
0x9b: {  	s6 =	simm.s32 $0x1BFF;
	s21 =	sshll.u32 s5, $0x1;
	s3 =	sadd.s32 s20, s19  }
0x9c: {  	s22 =	simm.s32 $0x0;
	s4 =	sshll.u32 s4, $0x1;
	s5 =	sadd.s32 s21, s3  }
0x9d: {  	[timem:s22], [sflag:s6] =	dma.local [hbm:s5], s4  }
0x9e: {  	_ =	swait.ge [sflag:s6], s4  }
0x9f: {  	s4 =	ssub.s32 $0x0, s4;
	[sflag:s6] =	ssyncset.done $0x0  }
0xa0: {  	[sflag:s6] =	ssyncadd.s32 s4;
	_ =	sdelay $0x1  }
0xa1: {  	s23 =	simm.s32 $0x1B8B  }
0xa2: {  	_ =	swait.ge [sflag:s23], $0x1  }
0xa3: {  	[sflag:s23] =	ssyncset.done $0x0  }
0xa4: {  	[sflag:s23] =	ssyncadd.s32 $0xFFFFFFFF  }
0xa5: {  	s4 =	sld [smem:$0x0]  }
0xa6: {  	s5 =	sand.u32 $0xFFFFFFFE, s1  }
0xa7: {  	p0 =	sne.s32 s1, s5  }
0xa8: {  	s5 =	sshll.u32 @p0 s5, $0xE  }
0xa9: {  	s5 =	sadd.s32 @p0 $0x11B8D, s5;
	s6 =	sshll.u32 @p0 s4, $0x11  }
0xaa: {  	s5 =	sor.u32 @p0 s6, s5  }
0xab: {  	[sflag:s5] =	ssyncadd.remote.s32 @p0 $0x1;
	_ =	sdelay $0x1  }
0xac: {  	s5 =	simm.s32 @p0 $0x1B8D  }
0xad: {  	_ =	swait.eq @p0 [sflag:s5], $0x1  }
0xae: {  	[sflag:s5] =	ssyncadd.s32 @p0 $0xFFFFFFFF  }
0xaf: {  	s6 =	sshll.u32 @!p0 s1, $0xE  }
0xb0: {  	s6 =	sor.u32 @!p0 $0x4000, s6;
	s5 =	simm.s32 @!p0 $0x1B8D  }
0xb1: {  	s4 =	sshll.u32 @!p0 s4, $0x11;
	s6 =	sadd.s32 @!p0 $0x11B8D, s6;
	_ =	swait.eq @!p0 [sflag:s5], $0x1  }
0xb2: {  	s4 =	sor.u32 @!p0 s4, s6;
	[sflag:s5] =	ssyncadd.s32 @!p0 $0xFFFFFFFF  }
0xb3: {  	s25 =	simm.s32 $0x1B8E;
	s24 =	sld [smem:$0x3FFE];
	[sflag:s4] =	ssyncadd.remote.s32 @!p0 $0x1  }
0xb4: {  	s26 =	simm.s32 $execute0_lowered;
	[smem:$0x3FD2] =	sst s25  }
0xb5: {  	s5 =	sshll.u32 s26, $0x1;
	_ =	strace $0x8000004C;
	[dreg:$0x1] =	wrdreg $0xFFFFFFFF  }
0xb6: {  	s28 =	simm.s32 $_size_execute0_lowered;
	s3 =	sadd.s32 s3, s5;
	[dreg:$0x0] =	wrdreg $0x0  }
0xb7: {  	s5 =	sshll.u32 s28, $0x1;
	[dreg:$0x2] =	wrdreg s3  }
0xb8: {  	[dreg:$0x3] =	wrdreg s5  }
0xb9: {  	[dreg:$0x4] =	wrdreg $0xC0  }
0xba: {  	_ =	task [dreg:s22], $0x5FFFF  }
0xbb: {  	[dreg:$0x1] =	wrdreg $0xFFFFFFFF  }
0xbc: {  	[dreg:$0x0] =	wrdreg $0x60  }
0xbd: {  	[dreg:$0x2] =	wrdreg s24  }
0xbe: {  	[dreg:$0x3] =	wrdreg $0x90000  }
0xbf: {  	[dreg:$0x4] =	wrdreg $0xA  }
0xc0: {  	_ =	task.clear_ibuf [dreg:s22], $0x5FFFF;
	_ =	strace $0x9000004C  }
0xc1: {  	s29 =	simm.s32 $0xA;
	_ =	strace $0x8000004E  }
0xc2: {  	_ =	swait.ge [sflag:s29], $0x1  }
0xc3: {  	[sflag:s29] =	ssyncadd.s32 $0xFFFFFFFF  }
0xc4: {  	_ =	strace $0x9000004E  }
0xc5: {  	_ =	sfence  }
0xc6: {  	s30 =	sld [smem:$0x0];
	_ =	sdelay $0x2  }
0xc7: {  	s31 =	sshll.u32 s1, $0xD;
	s1 =	sshrl.u32 s1, $0x2  }
0xc8: {  	s4 =	sand.u32 $0x4000, s31;
	s1 =	sadd.s32 s1, s30  }
0xc9: {  	s0 =	sor.u32 s4, s0;
	s1 =	sshll.u32 s1, $0x11  }
0xca: {  	s0 =	sor.u32 s1, s0  }
0xcb: {  	s0 =	sadd.s32 $0x8F2B, s0  }
0xcc: {  	[sflag:s0] =	ssyncadd.remote.s32 $0x1  }
0xcd: {  	_ =	sfence.sel $0xFFFF  }
0xce: {  	[dreg:$0x0] =	wrdreg $0xFFFFFFFF;
	(pc) =	sbr.abs _section_cstart, $3  }
0xcf: {  	[dreg:$0x1] =	wrdreg $0xFFFFFFFF  }
0xd0: {  	_ =	task.clear_ibuf [dreg:s22], $0x2FFFF;
	_ =	strace $0x9FFFFFFF  }
0xd1: {  	(tm) =	ssettm $0x7FFFFFFF  }
tec
execute0_lowered:
.L_overlay_start_1:
0x0: {  	(tag) =	ssettag $0x1  }
0x1: {  	s0 =	srdreg.scid;
	s1 =	rddreg [dreg:$0x0]  }
0x2: {  	s9 =	stileid.u32;
	s2 =	rddreg [dreg:$0x1];
	s3 =	simm.s32 $0x0  }
0x3: {  	s12 =	simm.s32 $0x100;
	s14 =	simm.s32 $0x880;
	s15 =	simm.s32 $0x180  }
0x4: {  	s16 =	simm.s32 $0x900;
	s17 =	simm.s32 $0x200;
	s18 =	simm.s32 $0x980  }
0x5: {  	s19 =	simm.s32 $0x280;
	s20 =	simm.s32 $0xA00;
	[smem:$0x7FF] =	sst s3  }
0x6: {  	s21 =	simm.s32 $0x300;
	_ =	strace $0x8000004D;
	[dreg:$0x5] =	wrdreg s12  }
0x7: {  	s22 =	simm.s32 $0xA80;
	s23 =	simm.s32 $0x380;
	[dreg:$0x6] =	wrdreg s14  }
0x8: {  	s24 =	simm.s32 $0xB00;
	s28 =	simm.s32 $0x680;
	[dreg:$0x7] =	wrdreg s15  }
0x9: {  	s29 =	simm.s32 $0xE00;
	s30 =	simm.s32 $0x700;
	[dreg:$0x8] =	wrdreg s16  }
0xa: {  	s31 =	simm.s32 $0xE80;
	s4 =	smul.u32 $0x5000, s9;
	[dreg:$0x9] =	wrdreg s17  }
0xb: {  	s0 =	sand.u32 $0x1, s0;
	s6 =	smul.u32 $0x13C00, s9;
	[dreg:$0xa] =	wrdreg s18  }
0xc: {  	s25 =	smul.u32 $0x4F000, s9;
	s13 =	sshll.u32 s9, $0x6;
	[dreg:$0xb] =	wrdreg s19  }
0xd: {  	s9 =	simm.s32 $0x0;
	s5 =	smul.u32 $0x2800, s0;
	[dreg:$0xc] =	wrdreg s20  }
0xe: {  	s7 =	smul.u32 $0x13C000, s0;
	s0 =	ssub.s32 $0x2, s0;
	[dreg:$0xd] =	wrdreg s21  }
0xf: {  	s12 =	simm.s32 $0x80;
	s14 =	simm.s32 $0x5000;
	[dreg:$0xe] =	wrdreg s22  }
0x10: {  	s15 =	simm.s32 $0x1;
	[dreg:$0xf] =	wrdreg s23;
	s16 =	simm.s32 $0x3  }
0x11: {  	[dreg:$0x10] =	wrdreg s24;
	s17 =	simm.s32 $0x2;
	s18 =	simm.s32 $0x4  }
0x12: {  	s19 =	simm.s32 $0x480;
	s20 =	simm.s32 $0xC00;
	s21 =	simm.s32 $0x500  }
0x13: {  	s22 =	simm.s32 $0xC80;
	s23 =	simm.s32 $0x580;
	s24 =	simm.s32 $0xD00  }
0x14: {  	s8 =	sshrl.u32 s6, $0x3;
	s26 =	sshrl.u32 s0, $0x1;
	s5 =	sadd.s32 s5, s4  }
0x15: {  	s4 =	sadd.s32 $0x44000, s1;
	s6 =	sadd.s32 s6, s7;
	s8 =	sadd.s32 s8, s1  }
0x16: {  	s0 =	ssub.s32 s0, s26;
	s7 =	sshrl.u32 s25, $0x2;
	s25 =	simm.s32 $0x400  }
0x17: {  	s26 =	simm.s32 $0xB80;
	s5 =	sshrl.u32 s5, $0x3;
	s6 =	sshrl.u32 s6, $0x3  }
0x18: {  	s11 =	sadd.s32 $0x1C800, s8;
	s0 =	smax.u32 s0, $0x1;
	[dreg:$0x11] =	wrdreg s25  }
0x19: {  	[dreg:$0x12] =	wrdreg s26;
	s25 =	simm.s32 $0x600;
	s26 =	simm.s32 $0xD80  }
0x1a: {  	s5 =	sadd.s32 s5, s1;
	s1 =	sadd.s32 s6, s1;
	[dreg:$0x13] =	wrdreg s11  }
0x1b: {  	s6 =	sadd.s32 s7, s2;
	s7 =	sor.u32 $0x1C05, s13;
	[dreg:$0x16] =	wrdreg s0  }
0x1c: {  	s11 =	simm.s32 $0x800;
	s10 =	sadd.s32 $0x8200, s5;
	[dreg:$0x14] =	wrdreg s7  }
0x1d: {  	s13 =	simm.s32 $0x1000;
	s5 =	sadd.s32 $0x12200, s5;
	[dreg:$0x3] =	wrdreg s10  }
0x1e: {  	s0 =	simm.s32 $0xF00;
	s1 =	sadd.s32 $0xBAC00, s1;
	[dreg:$0x4] =	wrdreg s5  }
0x1f: {  	s8 =	sshrl.u32 s6, $0x3;
	[dreg:$0x15] =	wrdreg s1;
	s10 =	simm.s32 $0x5  }
0x20: {  	s1 =	simm.s32 $0x780;
	s5 =	simm.s32 $0xF80;
	[dreg:$0x17] =	wrdreg s8  }
.LBB2_1:
0x21: {  	[dreg:$0x18] =	wrdreg s9  }
0x22: {  	s6 =	rddreg [dreg:$0x13]  }
0x23: {  	[spmem:s8], [sflag:s7] =	dma.local [hbm:s6], $0x2780  }
0x24: {  	_ =	swait.ge [sflag:s10], $0x2780  }
0x25: {  	[sflag:s10] =	ssyncset.done $0x0  }
0x26: {  	[sflag:s10] =	ssyncadd.s32 $0xFFFFD880  }
0x27: {  	[bflag:$0x0] =	sbarrier.arrive $0xFFFF  }
0x28: {  	s9 =	rddreg [dreg:$0x4]  }
0x29: {  	s6 =	sadd.s32 $0x0, s9  }
0x2a: {  	[tilespmem:s3], [sflag:$0x5] =	stream.linear.gather [hbm4b:s6+s3], $0x800, $0x38;
	[tilespmem:$0x1CC00] =	vst v63  }
0x2b: {  	_ =	swait.ge [sflag:s10], $0x800  }
0x2c: {  	s7 =	rddreg [dreg:$0x3];
	[sflag:s10] =	ssyncset.done $0x0  }
0x2d: {  	[sflag:s10] =	ssyncadd.s32 $0xFFFFF800;
	s6 =	sadd.s32 $0x0, s7  }
0x2e: {  	[tilespmem:s11], [sflag:$0x5] =	stream.linear.gather [hbm4b:s6+s3], $0x800, $0x38;
	[tilespmem:$0x1CC00] =	vst v63  }
0x2f: {  	_ =	swait.ge [sflag:s10], $0x800  }
0x30: {  	[sflag:s10] =	ssyncset.done $0x0  }
0x31: {  	[sflag:s10] =	ssyncadd.s32 $0xFFFFF800  }
0x32: {  	[tilespmem:s13], [sflag:$0x1] =	stream.indirect.gather [hbm4b:s4+s12], $0x80, s3, s12, $0xb8;
	[tilespmem:$0x1CC00] =	vst v63  }
0x33: {  	_ = 	snop  }
0x34: {  	[tilespmem:s14], [sflag:$0x2] =	stream.indirect.gather [hbm4b:s4+s12], $0x80, s12, s12, $0xb8;
	[tilespmem:$0x1CC00] =	vst v63  }
0x35: {  	_ =	swait.ge [sflag:s15], $0x4000  }
0x36: {  	[sflag:s15] =	ssyncset.done $0x0  }
0x37: {  	[sflag:s15] =	ssyncadd.s32 $0xFFFFC000  }
0x38: {  	[spmem:s2] =	stream.indirect.scatter.add.f32 [tilespmem:s13], [sflag:$0x3], $0x80, s11, s12, $0xb8;
	[tilespmem:$0x1CC00] =	vst v63  }
0x39: {  	_ =	swait.ge [sflag:s16], $0x4000  }
0x3a: {  	[sflag:s16] =	ssyncset.done $0x0  }
0x3b: {  	s8 =	rddreg [dreg:$0x5];
	[sflag:s16] =	ssyncadd.s32 $0xFFFFC000  }
0x3c: {  	[tilespmem:s13], [sflag:$0x1] =	stream.indirect.gather [hbm4b:s4+s12], $0x80, s8, s12, $0xb8;
	[tilespmem:$0x1CC00] =	vst v63  }
0x3d: {  	_ =	swait.ge [sflag:s17], $0x4000  }
0x3e: {  	[sflag:s17] =	ssyncset.done $0x0  }
0x3f: {  	s9 =	rddreg [dreg:$0x6];
	[sflag:s17] =	ssyncadd.s32 $0xFFFFC000  }
0x40: {  	[spmem:s2] =	stream.indirect.scatter.add.f32 [tilespmem:s14], [sflag:$0x4], $0x80, s9, s12, $0xb8;
	[tilespmem:$0x1CC00] =	vst v63  }
0x41: {  	_ =	swait.ge [sflag:s18], $0x4000  }
0x42: {  	[sflag:s18] =	ssyncset.done $0x0  }
0x43: {  	s7 =	rddreg [dreg:$0x7];
	[sflag:s18] =	ssyncadd.s32 $0xFFFFC000  }
0x44: {  	[tilespmem:s14], [sflag:$0x2] =	stream.indirect.gather [hbm4b:s4+s12], $0x80, s7, s12, $0xb8;
	[tilespmem:$0x1CC00] =	vst v63  }
0x45: {  	_ =	swait.ge [sflag:s15], $0x4000  }
0x46: {  	[sflag:s15] =	ssyncset.done $0x0  }
0x47: {  	s8 =	rddreg [dreg:$0x8];
	[sflag:s15] =	ssyncadd.s32 $0xFFFFC000  }
0x48: {  	[spmem:s2] =	stream.indirect.scatter.add.f32 [tilespmem:s13], [sflag:$0x3], $0x80, s8, s12, $0xb8;
	[tilespmem:$0x1CC00] =	vst v63  }
0x49: {  	_ =	swait.ge [sflag:s16], $0x4000  }
0x4a: {  	[sflag:s16] =	ssyncset.done $0x0  }
0x4b: {  	s9 =	rddreg [dreg:$0x9];
	[sflag:s16] =	ssyncadd.s32 $0xFFFFC000  }
0x4c: {  	[tilespmem:s13], [sflag:$0x1] =	stream.indirect.gather [hbm4b:s4+s12], $0x80, s9, s12, $0xb8;
	[tilespmem:$0x1CC00] =	vst v63  }
0x4d: {  	_ =	swait.ge [sflag:s17], $0x4000  }
0x4e: {  	[sflag:s17] =	ssyncset.done $0x0  }
0x4f: {  	s7 =	rddreg [dreg:$0xa];
	[sflag:s17] =	ssyncadd.s32 $0xFFFFC000  }
0x50: {  	[spmem:s2] =	stream.indirect.scatter.add.f32 [tilespmem:s14], [sflag:$0x4], $0x80, s7, s12, $0xb8;
	[tilespmem:$0x1CC00] =	vst v63  }
0x51: {  	_ =	swait.ge [sflag:s18], $0x4000  }
0x52: {  	[sflag:s18] =	ssyncset.done $0x0  }
0x53: {  	s8 =	rddreg [dreg:$0xb];
	[sflag:s18] =	ssyncadd.s32 $0xFFFFC000  }
0x54: {  	[tilespmem:s14], [sflag:$0x2] =	stream.indirect.gather [hbm4b:s4+s12], $0x80, s8, s12, $0xb8;
	[tilespmem:$0x1CC00] =	vst v63  }
0x55: {  	_ =	swait.ge [sflag:s15], $0x4000  }
0x56: {  	[sflag:s15] =	ssyncset.done $0x0  }
0x57: {  	s9 =	rddreg [dreg:$0xc];
	[sflag:s15] =	ssyncadd.s32 $0xFFFFC000  }
0x58: {  	[spmem:s2] =	stream.indirect.scatter.add.f32 [tilespmem:s13], [sflag:$0x3], $0x80, s9, s12, $0xb8;
	[tilespmem:$0x1CC00] =	vst v63  }
0x59: {  	_ =	swait.ge [sflag:s16], $0x4000  }
0x5a: {  	[sflag:s16] =	ssyncset.done $0x0  }
0x5b: {  	s7 =	rddreg [dreg:$0xd];
	[sflag:s16] =	ssyncadd.s32 $0xFFFFC000  }
0x5c: {  	[tilespmem:s13], [sflag:$0x1] =	stream.indirect.gather [hbm4b:s4+s12], $0x80, s7, s12, $0xb8;
	[tilespmem:$0x1CC00] =	vst v63  }
0x5d: {  	_ =	swait.ge [sflag:s17], $0x4000  }
0x5e: {  	[sflag:s17] =	ssyncset.done $0x0  }
0x5f: {  	s8 =	rddreg [dreg:$0xe];
	[sflag:s17] =	ssyncadd.s32 $0xFFFFC000  }
0x60: {  	[spmem:s2] =	stream.indirect.scatter.add.f32 [tilespmem:s14], [sflag:$0x4], $0x80, s8, s12, $0xb8;
	[tilespmem:$0x1CC00] =	vst v63  }
0x61: {  	_ =	swait.ge [sflag:s18], $0x4000  }
0x62: {  	[sflag:s18] =	ssyncset.done $0x0  }
0x63: {  	s9 =	rddreg [dreg:$0xf];
	[sflag:s18] =	ssyncadd.s32 $0xFFFFC000  }
0x64: {  	[tilespmem:s14], [sflag:$0x2] =	stream.indirect.gather [hbm4b:s4+s12], $0x80, s9, s12, $0xb8;
	[tilespmem:$0x1CC00] =	vst v63  }
0x65: {  	_ =	swait.ge [sflag:s15], $0x4000  }
0x66: {  	[sflag:s15] =	ssyncset.done $0x0  }
0x67: {  	s7 =	rddreg [dreg:$0x10];
	[sflag:s15] =	ssyncadd.s32 $0xFFFFC000  }
0x68: {  	[spmem:s2] =	stream.indirect.scatter.add.f32 [tilespmem:s13], [sflag:$0x3], $0x80, s7, s12, $0xb8;
	[tilespmem:$0x1CC00] =	vst v63  }
0x69: {  	_ =	swait.ge [sflag:s16], $0x4000  }
0x6a: {  	[sflag:s16] =	ssyncset.done $0x0  }
0x6b: {  	s8 =	rddreg [dreg:$0x11];
	[sflag:s16] =	ssyncadd.s32 $0xFFFFC000  }
0x6c: {  	[tilespmem:s13], [sflag:$0x1] =	stream.indirect.gather [hbm4b:s4+s12], $0x80, s8, s12, $0xb8;
	[tilespmem:$0x1CC00] =	vst v63  }
0x6d: {  	_ =	swait.ge [sflag:s17], $0x4000  }
0x6e: {  	[sflag:s17] =	ssyncset.done $0x0  }
0x6f: {  	s9 =	rddreg [dreg:$0x12];
	[sflag:s17] =	ssyncadd.s32 $0xFFFFC000  }
0x70: {  	[spmem:s2] =	stream.indirect.scatter.add.f32 [tilespmem:s14], [sflag:$0x4], $0x80, s9, s12, $0xb8;
	[tilespmem:$0x1CC00] =	vst v63  }
0x71: {  	_ =	swait.ge [sflag:s18], $0x4000  }
0x72: {  	[sflag:s18] =	ssyncset.done $0x0  }
0x73: {  	[sflag:s18] =	ssyncadd.s32 $0xFFFFC000  }
0x74: {  	[tilespmem:s14], [sflag:$0x2] =	stream.indirect.gather [hbm4b:s4+s12], $0x80, s19, s12, $0xb8;
	[tilespmem:$0x1CC00] =	vst v63  }
0x75: {  	_ =	swait.ge [sflag:s15], $0x4000  }
0x76: {  	[sflag:s15] =	ssyncset.done $0x0  }
0x77: {  	[sflag:s15] =	ssyncadd.s32 $0xFFFFC000  }
0x78: {  	[spmem:s2] =	stream.indirect.scatter.add.f32 [tilespmem:s13], [sflag:$0x3], $0x80, s20, s12, $0xb8;
	[tilespmem:$0x1CC00] =	vst v63  }
0x79: {  	_ =	swait.ge [sflag:s16], $0x4000  }
0x7a: {  	[sflag:s16] =	ssyncset.done $0x0  }
0x7b: {  	[sflag:s16] =	ssyncadd.s32 $0xFFFFC000  }
0x7c: {  	[tilespmem:s13], [sflag:$0x1] =	stream.indirect.gather [hbm4b:s4+s12], $0x80, s21, s12, $0xb8;
	[tilespmem:$0x1CC00] =	vst v63  }
0x7d: {  	_ =	swait.ge [sflag:s17], $0x4000  }
0x7e: {  	[sflag:s17] =	ssyncset.done $0x0  }
0x7f: {  	[sflag:s17] =	ssyncadd.s32 $0xFFFFC000  }
0x80: {  	[spmem:s2] =	stream.indirect.scatter.add.f32 [tilespmem:s14], [sflag:$0x4], $0x80, s22, s12, $0xb8;
	[tilespmem:$0x1CC00] =	vst v63  }
0x81: {  	_ =	swait.ge [sflag:s18], $0x4000  }
0x82: {  	[sflag:s18] =	ssyncset.done $0x0  }
0x83: {  	[sflag:s18] =	ssyncadd.s32 $0xFFFFC000  }
0x84: {  	[tilespmem:s14], [sflag:$0x2] =	stream.indirect.gather [hbm4b:s4+s12], $0x80, s23, s12, $0xb8;
	[tilespmem:$0x1CC00] =	vst v63  }
0x85: {  	_ =	swait.ge [sflag:s15], $0x4000  }
0x86: {  	[sflag:s15] =	ssyncset.done $0x0  }
0x87: {  	[sflag:s15] =	ssyncadd.s32 $0xFFFFC000  }
0x88: {  	[spmem:s2] =	stream.indirect.scatter.add.f32 [tilespmem:s13], [sflag:$0x3], $0x80, s24, s12, $0xb8;
	[tilespmem:$0x1CC00] =	vst v63  }
0x89: {  	_ =	swait.ge [sflag:s16], $0x4000  }
0x8a: {  	[sflag:s16] =	ssyncset.done $0x0  }
0x8b: {  	[sflag:s16] =	ssyncadd.s32 $0xFFFFC000  }
0x8c: {  	[tilespmem:s13], [sflag:$0x1] =	stream.indirect.gather [hbm4b:s4+s12], $0x80, s25, s12, $0xb8;
	[tilespmem:$0x1CC00] =	vst v63  }
0x8d: {  	_ =	swait.ge [sflag:s17], $0x4000  }
0x8e: {  	[sflag:s17] =	ssyncset.done $0x0  }
0x8f: {  	[sflag:s17] =	ssyncadd.s32 $0xFFFFC000  }
0x90: {  	[spmem:s2] =	stream.indirect.scatter.add.f32 [tilespmem:s14], [sflag:$0x4], $0x80, s26, s12, $0xb8;
	[tilespmem:$0x1CC00] =	vst v63  }
0x91: {  	_ =	swait.ge [sflag:s18], $0x4000  }
0x92: {  	[sflag:s18] =	ssyncset.done $0x0  }
0x93: {  	[sflag:s18] =	ssyncadd.s32 $0xFFFFC000  }
0x94: {  	[tilespmem:s14], [sflag:$0x2] =	stream.indirect.gather [hbm4b:s4+s12], $0x80, s28, s12, $0xb8;
	[tilespmem:$0x1CC00] =	vst v63  }
0x95: {  	_ =	swait.ge [sflag:s15], $0x4000  }
0x96: {  	[sflag:s15] =	ssyncset.done $0x0  }
0x97: {  	[sflag:s15] =	ssyncadd.s32 $0xFFFFC000  }
0x98: {  	[spmem:s2] =	stream.indirect.scatter.add.f32 [tilespmem:s13], [sflag:$0x3], $0x80, s29, s12, $0xb8;
	[tilespmem:$0x1CC00] =	vst v63  }
0x99: {  	_ =	swait.ge [sflag:s16], $0x4000  }
0x9a: {  	[sflag:s16] =	ssyncset.done $0x0  }
0x9b: {  	[sflag:s16] =	ssyncadd.s32 $0xFFFFC000  }
0x9c: {  	[tilespmem:s13], [sflag:$0x1] =	stream.indirect.gather [hbm4b:s4+s12], $0x80, s30, s12, $0xb8;
	[tilespmem:$0x1CC00] =	vst v63  }
0x9d: {  	_ =	swait.ge [sflag:s17], $0x4000  }
0x9e: {  	[sflag:s17] =	ssyncset.done $0x0  }
0x9f: {  	[sflag:s17] =	ssyncadd.s32 $0xFFFFC000  }
0xa0: {  	[spmem:s2] =	stream.indirect.scatter.add.f32 [tilespmem:s14], [sflag:$0x4], $0x80, s31, s12, $0xb8;
	[tilespmem:$0x1CC00] =	vst v63  }
0xa1: {  	_ =	swait.ge [sflag:s18], $0x4000  }
0xa2: {  	[sflag:s18] =	ssyncset.done $0x0  }
0xa3: {  	[sflag:s18] =	ssyncadd.s32 $0xFFFFC000  }
0xa4: {  	[tilespmem:s14], [sflag:$0x2] =	stream.indirect.gather [hbm4b:s4+s12], $0x80, s1, s12, $0xb8;
	[tilespmem:$0x1CC00] =	vst v63  }
0xa5: {  	_ =	swait.ge [sflag:s15], $0x4000  }
0xa6: {  	[sflag:s15] =	ssyncset.done $0x0  }
0xa7: {  	[sflag:s15] =	ssyncadd.s32 $0xFFFFC000  }
0xa8: {  	[spmem:s2] =	stream.indirect.scatter.add.f32 [tilespmem:s13], [sflag:$0x3], $0x80, s0, s12, $0xb8;
	[tilespmem:$0x1CC00] =	vst v63  }
0xa9: {  	_ =	swait.ge [sflag:s16], $0x4000  }
0xaa: {  	[sflag:s16] =	ssyncset.done $0x0  }
0xab: {  	[sflag:s16] =	ssyncadd.s32 $0xFFFFC000  }
0xac: {  	_ =	swait.ge [sflag:s17], $0x4000  }
0xad: {  	[sflag:s17] =	ssyncset.done $0x0  }
0xae: {  	[sflag:s17] =	ssyncadd.s32 $0xFFFFC000  }
0xaf: {  	[spmem:s2] =	stream.indirect.scatter.add.f32 [tilespmem:s14], [sflag:$0x4], $0x80, s5, s12, $0xb8;
	[tilespmem:$0x1CC00] =	vst v63  }
0xb0: {  	s6 =	simm.s32 $0x200;
	_ =	swait.ge [sflag:s18], $0x4000  }
0xb1: {  	s8 =	simm.s32 $0x100;
	s9 =	rddreg [dreg:$0x4];
	[sflag:s18] =	ssyncset.done $0x0  }
.LBB2_2:
0xb2: {  	[sflag:s18] =	ssyncadd.s32 $0xFFFFC000;
	s9 =	sadd.s32 s8, s9  }
0xb3: {  	[tilespmem:s3], [sflag:$0x5] =	stream.linear.gather [hbm4b:s9+s3], $0x800, $0x38;
	[tilespmem:$0x1CC00] =	vst v63  }
0xb4: {  	_ =	swait.ge [sflag:s10], $0x800  }
0xb5: {  	s9 =	rddreg [dreg:$0x3];
	[sflag:s10] =	ssyncset.done $0x0  }
0xb6: {  	[sflag:s10] =	ssyncadd.s32 $0xFFFFF800;
	s9 =	sadd.s32 s8, s9  }
0xb7: {  	[tilespmem:s11], [sflag:$0x5] =	stream.linear.gather [hbm4b:s9+s3], $0x800, $0x38;
	[tilespmem:$0x1CC00] =	vst v63  }
0xb8: {  	_ =	swait.ge [sflag:s10], $0x800  }
0xb9: {  	[sflag:s10] =	ssyncset.done $0x0  }
0xba: {  	[sflag:s10] =	ssyncadd.s32 $0xFFFFF800  }
0xbb: {  	[tilespmem:s13], [sflag:$0x1] =	stream.indirect.gather [hbm4b:s4+s12], $0x80, s3, s12, $0xb8;
	[tilespmem:$0x1CC00] =	vst v63  }
0xbc: {  	_ = 	snop  }
0xbd: {  	[tilespmem:s14], [sflag:$0x2] =	stream.indirect.gather [hbm4b:s4+s12], $0x80, s12, s12, $0xb8;
	[tilespmem:$0x1CC00] =	vst v63  }
0xbe: {  	_ =	swait.ge [sflag:s15], $0x4000  }
0xbf: {  	[sflag:s15] =	ssyncset.done $0x0  }
0xc0: {  	[sflag:s15] =	ssyncadd.s32 $0xFFFFC000  }
0xc1: {  	[spmem:s2] =	stream.indirect.scatter.add.f32 [tilespmem:s13], [sflag:$0x3], $0x80, s11, s12, $0xb8;
	[tilespmem:$0x1CC00] =	vst v63  }
0xc2: {  	_ =	swait.ge [sflag:s16], $0x4000  }
0xc3: {  	[sflag:s16] =	ssyncset.done $0x0  }
0xc4: {  	s9 =	rddreg [dreg:$0x5];
	[sflag:s16] =	ssyncadd.s32 $0xFFFFC000  }
0xc5: {  	[tilespmem:s13], [sflag:$0x1] =	stream.indirect.gather [hbm4b:s4+s12], $0x80, s9, s12, $0xb8;
	[tilespmem:$0x1CC00] =	vst v63  }
0xc6: {  	_ =	swait.ge [sflag:s17], $0x4000  }
0xc7: {  	[sflag:s17] =	ssyncset.done $0x0  }
0xc8: {  	s9 =	rddreg [dreg:$0x6];
	[sflag:s17] =	ssyncadd.s32 $0xFFFFC000  }
0xc9: {  	[spmem:s2] =	stream.indirect.scatter.add.f32 [tilespmem:s14], [sflag:$0x4], $0x80, s9, s12, $0xb8;
	[tilespmem:$0x1CC00] =	vst v63  }
0xca: {  	_ =	swait.ge [sflag:s18], $0x4000  }
0xcb: {  	[sflag:s18] =	ssyncset.done $0x0  }
0xcc: {  	s9 =	rddreg [dreg:$0x7];
	[sflag:s18] =	ssyncadd.s32 $0xFFFFC000  }
0xcd: {  	[tilespmem:s14], [sflag:$0x2] =	stream.indirect.gather [hbm4b:s4+s12], $0x80, s9, s12, $0xb8;
	[tilespmem:$0x1CC00] =	vst v63  }
0xce: {  	_ =	swait.ge [sflag:s15], $0x4000  }
0xcf: {  	[sflag:s15] =	ssyncset.done $0x0  }
0xd0: {  	s9 =	rddreg [dreg:$0x8];
	[sflag:s15] =	ssyncadd.s32 $0xFFFFC000  }
0xd1: {  	[spmem:s2] =	stream.indirect.scatter.add.f32 [tilespmem:s13], [sflag:$0x3], $0x80, s9, s12, $0xb8;
	[tilespmem:$0x1CC00] =	vst v63  }
0xd2: {  	_ =	swait.ge [sflag:s16], $0x4000  }
0xd3: {  	[sflag:s16] =	ssyncset.done $0x0  }
0xd4: {  	s9 =	rddreg [dreg:$0x9];
	[sflag:s16] =	ssyncadd.s32 $0xFFFFC000  }
0xd5: {  	[tilespmem:s13], [sflag:$0x1] =	stream.indirect.gather [hbm4b:s4+s12], $0x80, s9, s12, $0xb8;
	[tilespmem:$0x1CC00] =	vst v63  }
0xd6: {  	_ =	swait.ge [sflag:s17], $0x4000  }
0xd7: {  	[sflag:s17] =	ssyncset.done $0x0  }
0xd8: {  	s9 =	rddreg [dreg:$0xa];
	[sflag:s17] =	ssyncadd.s32 $0xFFFFC000  }
0xd9: {  	[spmem:s2] =	stream.indirect.scatter.add.f32 [tilespmem:s14], [sflag:$0x4], $0x80, s9, s12, $0xb8;
	[tilespmem:$0x1CC00] =	vst v63  }
0xda: {  	_ =	swait.ge [sflag:s18], $0x4000  }
0xdb: {  	[sflag:s18] =	ssyncset.done $0x0  }
0xdc: {  	s9 =	rddreg [dreg:$0xb];
	[sflag:s18] =	ssyncadd.s32 $0xFFFFC000  }
0xdd: {  	[tilespmem:s14], [sflag:$0x2] =	stream.indirect.gather [hbm4b:s4+s12], $0x80, s9, s12, $0xb8;
	[tilespmem:$0x1CC00] =	vst v63  }
0xde: {  	_ =	swait.ge [sflag:s15], $0x4000  }
0xdf: {  	[sflag:s15] =	ssyncset.done $0x0  }
0xe0: {  	s9 =	rddreg [dreg:$0xc];
	[sflag:s15] =	ssyncadd.s32 $0xFFFFC000  }
0xe1: {  	[spmem:s2] =	stream.indirect.scatter.add.f32 [tilespmem:s13], [sflag:$0x3], $0x80, s9, s12, $0xb8;
	[tilespmem:$0x1CC00] =	vst v63  }
0xe2: {  	_ =	swait.ge [sflag:s16], $0x4000  }
0xe3: {  	[sflag:s16] =	ssyncset.done $0x0  }
0xe4: {  	s9 =	rddreg [dreg:$0xd];
	[sflag:s16] =	ssyncadd.s32 $0xFFFFC000  }
0xe5: {  	[tilespmem:s13], [sflag:$0x1] =	stream.indirect.gather [hbm4b:s4+s12], $0x80, s9, s12, $0xb8;
	[tilespmem:$0x1CC00] =	vst v63  }
0xe6: {  	_ =	swait.ge [sflag:s17], $0x4000  }
0xe7: {  	[sflag:s17] =	ssyncset.done $0x0  }
0xe8: {  	s9 =	rddreg [dreg:$0xe];
	[sflag:s17] =	ssyncadd.s32 $0xFFFFC000  }
0xe9: {  	[spmem:s2] =	stream.indirect.scatter.add.f32 [tilespmem:s14], [sflag:$0x4], $0x80, s9, s12, $0xb8;
	[tilespmem:$0x1CC00] =	vst v63  }
0xea: {  	_ =	swait.ge [sflag:s18], $0x4000  }
0xeb: {  	[sflag:s18] =	ssyncset.done $0x0  }
0xec: {  	s9 =	rddreg [dreg:$0xf];
	[sflag:s18] =	ssyncadd.s32 $0xFFFFC000  }
0xed: {  	[tilespmem:s14], [sflag:$0x2] =	stream.indirect.gather [hbm4b:s4+s12], $0x80, s9, s12, $0xb8;
	[tilespmem:$0x1CC00] =	vst v63  }
0xee: {  	_ =	swait.ge [sflag:s15], $0x4000  }
0xef: {  	[sflag:s15] =	ssyncset.done $0x0  }
0xf0: {  	s9 =	rddreg [dreg:$0x10];
	[sflag:s15] =	ssyncadd.s32 $0xFFFFC000  }
0xf1: {  	[spmem:s2] =	stream.indirect.scatter.add.f32 [tilespmem:s13], [sflag:$0x3], $0x80, s9, s12, $0xb8;
	[tilespmem:$0x1CC00] =	vst v63  }
0xf2: {  	_ =	swait.ge [sflag:s16], $0x4000  }
0xf3: {  	[sflag:s16] =	ssyncset.done $0x0  }
0xf4: {  	s9 =	rddreg [dreg:$0x11];
	[sflag:s16] =	ssyncadd.s32 $0xFFFFC000  }
0xf5: {  	[tilespmem:s13], [sflag:$0x1] =	stream.indirect.gather [hbm4b:s4+s12], $0x80, s9, s12, $0xb8;
	[tilespmem:$0x1CC00] =	vst v63  }
0xf6: {  	_ =	swait.ge [sflag:s17], $0x4000  }
0xf7: {  	[sflag:s17] =	ssyncset.done $0x0  }
0xf8: {  	s9 =	rddreg [dreg:$0x12];
	[sflag:s17] =	ssyncadd.s32 $0xFFFFC000  }
0xf9: {  	[spmem:s2] =	stream.indirect.scatter.add.f32 [tilespmem:s14], [sflag:$0x4], $0x80, s9, s12, $0xb8;
	[tilespmem:$0x1CC00] =	vst v63  }
0xfa: {  	_ =	swait.ge [sflag:s18], $0x4000  }
0xfb: {  	[sflag:s18] =	ssyncset.done $0x0  }
0xfc: {  	[sflag:s18] =	ssyncadd.s32 $0xFFFFC000  }
0xfd: {  	[tilespmem:s14], [sflag:$0x2] =	stream.indirect.gather [hbm4b:s4+s12], $0x80, s19, s12, $0xb8;
	[tilespmem:$0x1CC00] =	vst v63  }
0xfe: {  	_ =	swait.ge [sflag:s15], $0x4000  }
0xff: {  	[sflag:s15] =	ssyncset.done $0x0  }
0x100: {  	[sflag:s15] =	ssyncadd.s32 $0xFFFFC000  }
0x101: {  	[spmem:s2] =	stream.indirect.scatter.add.f32 [tilespmem:s13], [sflag:$0x3], $0x80, s20, s12, $0xb8;
	[tilespmem:$0x1CC00] =	vst v63  }
0x102: {  	_ =	swait.ge [sflag:s16], $0x4000  }
0x103: {  	[sflag:s16] =	ssyncset.done $0x0  }
0x104: {  	[sflag:s16] =	ssyncadd.s32 $0xFFFFC000  }
0x105: {  	[tilespmem:s13], [sflag:$0x1] =	stream.indirect.gather [hbm4b:s4+s12], $0x80, s21, s12, $0xb8;
	[tilespmem:$0x1CC00] =	vst v63  }
0x106: {  	_ =	swait.ge [sflag:s17], $0x4000  }
0x107: {  	[sflag:s17] =	ssyncset.done $0x0  }
0x108: {  	[sflag:s17] =	ssyncadd.s32 $0xFFFFC000  }
0x109: {  	[spmem:s2] =	stream.indirect.scatter.add.f32 [tilespmem:s14], [sflag:$0x4], $0x80, s22, s12, $0xb8;
	[tilespmem:$0x1CC00] =	vst v63  }
0x10a: {  	_ =	swait.ge [sflag:s18], $0x4000  }
0x10b: {  	[sflag:s18] =	ssyncset.done $0x0  }
0x10c: {  	[sflag:s18] =	ssyncadd.s32 $0xFFFFC000  }
0x10d: {  	[tilespmem:s14], [sflag:$0x2] =	stream.indirect.gather [hbm4b:s4+s12], $0x80, s23, s12, $0xb8;
	[tilespmem:$0x1CC00] =	vst v63  }
0x10e: {  	_ =	swait.ge [sflag:s15], $0x4000  }
0x10f: {  	[sflag:s15] =	ssyncset.done $0x0  }
0x110: {  	[sflag:s15] =	ssyncadd.s32 $0xFFFFC000  }
0x111: {  	[spmem:s2] =	stream.indirect.scatter.add.f32 [tilespmem:s13], [sflag:$0x3], $0x80, s24, s12, $0xb8;
	[tilespmem:$0x1CC00] =	vst v63  }
0x112: {  	_ =	swait.ge [sflag:s16], $0x4000  }
0x113: {  	[sflag:s16] =	ssyncset.done $0x0  }
0x114: {  	[sflag:s16] =	ssyncadd.s32 $0xFFFFC000  }
0x115: {  	[tilespmem:s13], [sflag:$0x1] =	stream.indirect.gather [hbm4b:s4+s12], $0x80, s25, s12, $0xb8;
	[tilespmem:$0x1CC00] =	vst v63  }
0x116: {  	_ =	swait.ge [sflag:s17], $0x4000  }
0x117: {  	[sflag:s17] =	ssyncset.done $0x0  }
0x118: {  	[sflag:s17] =	ssyncadd.s32 $0xFFFFC000  }
0x119: {  	[spmem:s2] =	stream.indirect.scatter.add.f32 [tilespmem:s14], [sflag:$0x4], $0x80, s26, s12, $0xb8;
	[tilespmem:$0x1CC00] =	vst v63  }
0x11a: {  	_ =	swait.ge [sflag:s18], $0x4000  }
0x11b: {  	[sflag:s18] =	ssyncset.done $0x0  }
0x11c: {  	[sflag:s18] =	ssyncadd.s32 $0xFFFFC000  }
0x11d: {  	[tilespmem:s14], [sflag:$0x2] =	stream.indirect.gather [hbm4b:s4+s12], $0x80, s28, s12, $0xb8;
	[tilespmem:$0x1CC00] =	vst v63  }
0x11e: {  	_ =	swait.ge [sflag:s15], $0x4000  }
0x11f: {  	[sflag:s15] =	ssyncset.done $0x0  }
0x120: {  	[sflag:s15] =	ssyncadd.s32 $0xFFFFC000  }
0x121: {  	[spmem:s2] =	stream.indirect.scatter.add.f32 [tilespmem:s13], [sflag:$0x3], $0x80, s29, s12, $0xb8;
	[tilespmem:$0x1CC00] =	vst v63  }
0x122: {  	_ =	swait.ge [sflag:s16], $0x4000  }
0x123: {  	[sflag:s16] =	ssyncset.done $0x0  }
0x124: {  	[sflag:s16] =	ssyncadd.s32 $0xFFFFC000  }
0x125: {  	[tilespmem:s13], [sflag:$0x1] =	stream.indirect.gather [hbm4b:s4+s12], $0x80, s30, s12, $0xb8;
	[tilespmem:$0x1CC00] =	vst v63  }
0x126: {  	_ =	swait.ge [sflag:s17], $0x4000  }
0x127: {  	[sflag:s17] =	ssyncset.done $0x0  }
0x128: {  	[sflag:s17] =	ssyncadd.s32 $0xFFFFC000  }
0x129: {  	[spmem:s2] =	stream.indirect.scatter.add.f32 [tilespmem:s14], [sflag:$0x4], $0x80, s31, s12, $0xb8;
	[tilespmem:$0x1CC00] =	vst v63  }
0x12a: {  	_ =	swait.ge [sflag:s18], $0x4000  }
0x12b: {  	[sflag:s18] =	ssyncset.done $0x0  }
0x12c: {  	[sflag:s18] =	ssyncadd.s32 $0xFFFFC000  }
0x12d: {  	[tilespmem:s14], [sflag:$0x2] =	stream.indirect.gather [hbm4b:s4+s12], $0x80, s1, s12, $0xb8;
	[tilespmem:$0x1CC00] =	vst v63  }
0x12e: {  	_ =	swait.ge [sflag:s15], $0x4000  }
0x12f: {  	[sflag:s15] =	ssyncset.done $0x0  }
0x130: {  	[sflag:s15] =	ssyncadd.s32 $0xFFFFC000  }
0x131: {  	[spmem:s2] =	stream.indirect.scatter.add.f32 [tilespmem:s13], [sflag:$0x3], $0x80, s0, s12, $0xb8;
	[tilespmem:$0x1CC00] =	vst v63  }
0x132: {  	_ =	swait.ge [sflag:s16], $0x4000  }
0x133: {  	[sflag:s16] =	ssyncset.done $0x0  }
0x134: {  	[sflag:s16] =	ssyncadd.s32 $0xFFFFC000  }
0x135: {  	p0 =	sne.s32 s6, $0x400;
	_ =	swait.ge [sflag:s17], $0x4000  }
.Ltmp0:
0x136: {  	[sflag:s17] =	ssyncset.done $0x0;
	(pc) =	sbr.rel @p0 .LBB2_2-.Ltmp0, $4  }
0x137: {  	[sflag:s17] =	ssyncadd.s32 $0xFFFFC000  }
0x138: {  	[spmem:s2] =	stream.indirect.scatter.add.f32 [tilespmem:s14], [sflag:$0x4], $0x80, s5, s12, $0xb8;
	[tilespmem:$0x1CC00] =	vst v63  }
0x139: {  	s7 =	smov.u32 s6;
	s6 =	sadd.s32 $0x100, s6;
	_ =	swait.ge [sflag:s18], $0x4000  }
0x13a: {  	s8 =	smov.u32 s7;
	s9 =	rddreg [dreg:$0x4];
	[sflag:s18] =	ssyncset.done $0x0  }
0x13b: {  	[sflag:s18] =	ssyncadd.s32 $0xFFFFC000;
	s6 =	sadd.s32 s8, s9  }
0x13c: {  	[tilespmem:s3], [sflag:$0x5] =	stream.linear.gather [hbm4b:s6+s3], $0x800, $0x38;
	[tilespmem:$0x1CC00] =	vst v63  }
0x13d: {  	_ =	swait.ge [sflag:s10], $0x800  }
0x13e: {  	s9 =	rddreg [dreg:$0x3];
	[sflag:s10] =	ssyncset.done $0x0  }
0x13f: {  	s6 =	sadd.s32 s8, s9;
	[sflag:s10] =	ssyncadd.s32 $0xFFFFF800  }
0x140: {  	[tilespmem:s11], [sflag:$0x5] =	stream.linear.gather [hbm4b:s6+s3], $0x800, $0x38;
	[tilespmem:$0x1CC00] =	vst v63  }
0x141: {  	_ =	swait.ge [sflag:s10], $0x800  }
0x142: {  	[sflag:s10] =	ssyncset.done $0x0  }
0x143: {  	[sflag:s10] =	ssyncadd.s32 $0xFFFFF800  }
0x144: {  	[tilespmem:s13], [sflag:$0x1] =	stream.indirect.gather [hbm4b:s4+s12], $0x80, s3, s12, $0xb8;
	[tilespmem:$0x1CC00] =	vst v63  }
0x145: {  	_ = 	snop  }
0x146: {  	[tilespmem:s14], [sflag:$0x2] =	stream.indirect.gather [hbm4b:s4+s12], $0x80, s12, s12, $0xb8;
	[tilespmem:$0x1CC00] =	vst v63  }
0x147: {  	_ =	swait.ge [sflag:s15], $0x4000  }
0x148: {  	[sflag:s15] =	ssyncset.done $0x0  }
0x149: {  	[sflag:s15] =	ssyncadd.s32 $0xFFFFC000  }
0x14a: {  	[spmem:s2] =	stream.indirect.scatter.add.f32 [tilespmem:s13], [sflag:$0x3], $0x80, s11, s12, $0xb8;
	[tilespmem:$0x1CC00] =	vst v63  }
0x14b: {  	_ =	swait.ge [sflag:s16], $0x4000  }
0x14c: {  	[sflag:s16] =	ssyncset.done $0x0  }
0x14d: {  	s7 =	rddreg [dreg:$0x5];
	[sflag:s16] =	ssyncadd.s32 $0xFFFFC000  }
0x14e: {  	[tilespmem:s13], [sflag:$0x1] =	stream.indirect.gather [hbm4b:s4+s12], $0x80, s7, s12, $0xb8;
	[tilespmem:$0x1CC00] =	vst v63  }
0x14f: {  	_ =	swait.ge [sflag:s17], $0x4000  }
0x150: {  	[sflag:s17] =	ssyncset.done $0x0  }
0x151: {  	s8 =	rddreg [dreg:$0x6];
	[sflag:s17] =	ssyncadd.s32 $0xFFFFC000  }
0x152: {  	[spmem:s2] =	stream.indirect.scatter.add.f32 [tilespmem:s14], [sflag:$0x4], $0x80, s8, s12, $0xb8;
	[tilespmem:$0x1CC00] =	vst v63  }
0x153: {  	_ =	swait.ge [sflag:s18], $0x4000  }
0x154: {  	[sflag:s18] =	ssyncset.done $0x0  }
0x155: {  	s9 =	rddreg [dreg:$0x7];
	[sflag:s18] =	ssyncadd.s32 $0xFFFFC000  }
0x156: {  	[tilespmem:s14], [sflag:$0x2] =	stream.indirect.gather [hbm4b:s4+s12], $0x80, s9, s12, $0xb8;
	[tilespmem:$0x1CC00] =	vst v63  }
0x157: {  	_ =	swait.ge [sflag:s15], $0x4000  }
0x158: {  	[sflag:s15] =	ssyncset.done $0x0  }
0x159: {  	s7 =	rddreg [dreg:$0x8];
	[sflag:s15] =	ssyncadd.s32 $0xFFFFC000  }
0x15a: {  	[spmem:s2] =	stream.indirect.scatter.add.f32 [tilespmem:s13], [sflag:$0x3], $0x80, s7, s12, $0xb8;
	[tilespmem:$0x1CC00] =	vst v63  }
0x15b: {  	_ =	swait.ge [sflag:s16], $0x4000  }
0x15c: {  	[sflag:s16] =	ssyncset.done $0x0  }
0x15d: {  	s8 =	rddreg [dreg:$0x9];
	[sflag:s16] =	ssyncadd.s32 $0xFFFFC000  }
0x15e: {  	[tilespmem:s13], [sflag:$0x1] =	stream.indirect.gather [hbm4b:s4+s12], $0x80, s8, s12, $0xb8;
	[tilespmem:$0x1CC00] =	vst v63  }
0x15f: {  	_ =	swait.ge [sflag:s17], $0x4000  }
0x160: {  	[sflag:s17] =	ssyncset.done $0x0  }
0x161: {  	s9 =	rddreg [dreg:$0xa];
	[sflag:s17] =	ssyncadd.s32 $0xFFFFC000  }
0x162: {  	[spmem:s2] =	stream.indirect.scatter.add.f32 [tilespmem:s14], [sflag:$0x4], $0x80, s9, s12, $0xb8;
	[tilespmem:$0x1CC00] =	vst v63  }
0x163: {  	_ =	swait.ge [sflag:s18], $0x4000  }
0x164: {  	[sflag:s18] =	ssyncset.done $0x0  }
0x165: {  	s7 =	rddreg [dreg:$0xb];
	[sflag:s18] =	ssyncadd.s32 $0xFFFFC000  }
0x166: {  	[tilespmem:s14], [sflag:$0x2] =	stream.indirect.gather [hbm4b:s4+s12], $0x80, s7, s12, $0xb8;
	[tilespmem:$0x1CC00] =	vst v63  }
0x167: {  	_ =	swait.ge [sflag:s15], $0x4000  }
0x168: {  	[sflag:s15] =	ssyncset.done $0x0  }
0x169: {  	s8 =	rddreg [dreg:$0xc];
	[sflag:s15] =	ssyncadd.s32 $0xFFFFC000  }
0x16a: {  	[spmem:s2] =	stream.indirect.scatter.add.f32 [tilespmem:s13], [sflag:$0x3], $0x80, s8, s12, $0xb8;
	[tilespmem:$0x1CC00] =	vst v63  }
0x16b: {  	_ =	swait.ge [sflag:s16], $0x4000  }
0x16c: {  	[sflag:s16] =	ssyncset.done $0x0  }
0x16d: {  	s9 =	rddreg [dreg:$0xd];
	[sflag:s16] =	ssyncadd.s32 $0xFFFFC000  }
0x16e: {  	[tilespmem:s13], [sflag:$0x1] =	stream.indirect.gather [hbm4b:s4+s12], $0x80, s9, s12, $0xb8;
	[tilespmem:$0x1CC00] =	vst v63  }
0x16f: {  	_ =	swait.ge [sflag:s17], $0x4000  }
0x170: {  	[sflag:s17] =	ssyncset.done $0x0  }
0x171: {  	s7 =	rddreg [dreg:$0xe];
	[sflag:s17] =	ssyncadd.s32 $0xFFFFC000  }
0x172: {  	[spmem:s2] =	stream.indirect.scatter.add.f32 [tilespmem:s14], [sflag:$0x4], $0x80, s7, s12, $0xb8;
	[tilespmem:$0x1CC00] =	vst v63  }
0x173: {  	_ =	swait.ge [sflag:s18], $0x4000  }
0x174: {  	[sflag:s18] =	ssyncset.done $0x0  }
0x175: {  	s8 =	rddreg [dreg:$0xf];
	[sflag:s18] =	ssyncadd.s32 $0xFFFFC000  }
0x176: {  	[tilespmem:s14], [sflag:$0x2] =	stream.indirect.gather [hbm4b:s4+s12], $0x80, s8, s12, $0xb8;
	[tilespmem:$0x1CC00] =	vst v63  }
0x177: {  	_ =	swait.ge [sflag:s15], $0x4000  }
0x178: {  	[sflag:s15] =	ssyncset.done $0x0  }
0x179: {  	s9 =	rddreg [dreg:$0x10];
	[sflag:s15] =	ssyncadd.s32 $0xFFFFC000  }
0x17a: {  	[spmem:s2] =	stream.indirect.scatter.add.f32 [tilespmem:s13], [sflag:$0x3], $0x80, s9, s12, $0xb8;
	[tilespmem:$0x1CC00] =	vst v63  }
0x17b: {  	_ =	swait.ge [sflag:s16], $0x4000  }
0x17c: {  	[sflag:s16] =	ssyncset.done $0x0  }
0x17d: {  	s7 =	rddreg [dreg:$0x11];
	[sflag:s16] =	ssyncadd.s32 $0xFFFFC000  }
0x17e: {  	[tilespmem:s13], [sflag:$0x1] =	stream.indirect.gather [hbm4b:s4+s12], $0x80, s7, s12, $0xb8;
	[tilespmem:$0x1CC00] =	vst v63  }
0x17f: {  	_ =	swait.ge [sflag:s17], $0x4000  }
0x180: {  	[sflag:s17] =	ssyncset.done $0x0  }
0x181: {  	s8 =	rddreg [dreg:$0x12];
	[sflag:s17] =	ssyncadd.s32 $0xFFFFC000  }
0x182: {  	[spmem:s2] =	stream.indirect.scatter.add.f32 [tilespmem:s14], [sflag:$0x4], $0x80, s8, s12, $0xb8;
	[tilespmem:$0x1CC00] =	vst v63  }
0x183: {  	_ =	swait.ge [sflag:s18], $0x4000  }
0x184: {  	[sflag:s18] =	ssyncset.done $0x0  }
0x185: {  	[sflag:s18] =	ssyncadd.s32 $0xFFFFC000  }
0x186: {  	[tilespmem:s14], [sflag:$0x2] =	stream.indirect.gather [hbm4b:s4+s12], $0x80, s19, s12, $0xb8;
	[tilespmem:$0x1CC00] =	vst v63  }
0x187: {  	_ =	swait.ge [sflag:s15], $0x4000  }
0x188: {  	[sflag:s15] =	ssyncset.done $0x0  }
0x189: {  	[sflag:s15] =	ssyncadd.s32 $0xFFFFC000  }
0x18a: {  	[spmem:s2] =	stream.indirect.scatter.add.f32 [tilespmem:s13], [sflag:$0x3], $0x80, s20, s12, $0xb8;
	[tilespmem:$0x1CC00] =	vst v63  }
0x18b: {  	_ =	swait.ge [sflag:s16], $0x4000  }
0x18c: {  	[sflag:s16] =	ssyncset.done $0x0  }
0x18d: {  	[sflag:s16] =	ssyncadd.s32 $0xFFFFC000  }
0x18e: {  	[tilespmem:s13], [sflag:$0x1] =	stream.indirect.gather [hbm4b:s4+s12], $0x80, s21, s12, $0xb8;
	[tilespmem:$0x1CC00] =	vst v63  }
0x18f: {  	_ =	swait.ge [sflag:s17], $0x4000  }
0x190: {  	[sflag:s17] =	ssyncset.done $0x0  }
0x191: {  	[sflag:s17] =	ssyncadd.s32 $0xFFFFC000  }
0x192: {  	[spmem:s2] =	stream.indirect.scatter.add.f32 [tilespmem:s14], [sflag:$0x4], $0x80, s22, s12, $0xb8;
	[tilespmem:$0x1CC00] =	vst v63  }
0x193: {  	_ =	swait.ge [sflag:s18], $0x4000  }
0x194: {  	[sflag:s18] =	ssyncset.done $0x0  }
0x195: {  	[sflag:s18] =	ssyncadd.s32 $0xFFFFC000  }
0x196: {  	[tilespmem:s14], [sflag:$0x2] =	stream.indirect.gather [hbm4b:s4+s12], $0x80, s23, s12, $0xb8;
	[tilespmem:$0x1CC00] =	vst v63  }
0x197: {  	_ =	swait.ge [sflag:s15], $0x4000  }
0x198: {  	[sflag:s15] =	ssyncset.done $0x0  }
0x199: {  	[sflag:s15] =	ssyncadd.s32 $0xFFFFC000  }
0x19a: {  	[spmem:s2] =	stream.indirect.scatter.add.f32 [tilespmem:s13], [sflag:$0x3], $0x80, s24, s12, $0xb8;
	[tilespmem:$0x1CC00] =	vst v63  }
0x19b: {  	_ =	swait.ge [sflag:s16], $0x4000  }
0x19c: {  	[sflag:s16] =	ssyncset.done $0x0  }
0x19d: {  	[sflag:s16] =	ssyncadd.s32 $0xFFFFC000  }
0x19e: {  	[tilespmem:s13], [sflag:$0x1] =	stream.indirect.gather [hbm4b:s4+s12], $0x80, s25, s12, $0xb8;
	[tilespmem:$0x1CC00] =	vst v63  }
0x19f: {  	_ =	swait.ge [sflag:s17], $0x4000  }
0x1a0: {  	[sflag:s17] =	ssyncset.done $0x0  }
0x1a1: {  	[sflag:s17] =	ssyncadd.s32 $0xFFFFC000  }
0x1a2: {  	[spmem:s2] =	stream.indirect.scatter.add.f32 [tilespmem:s14], [sflag:$0x4], $0x80, s26, s12, $0xb8;
	[tilespmem:$0x1CC00] =	vst v63  }
0x1a3: {  	_ =	swait.ge [sflag:s18], $0x4000  }
0x1a4: {  	[sflag:s18] =	ssyncset.done $0x0  }
0x1a5: {  	[sflag:s18] =	ssyncadd.s32 $0xFFFFC000  }
0x1a6: {  	[tilespmem:s14], [sflag:$0x2] =	stream.indirect.gather [hbm4b:s4+s12], $0x80, s28, s12, $0xb8;
	[tilespmem:$0x1CC00] =	vst v63  }
0x1a7: {  	_ =	swait.ge [sflag:s15], $0x4000  }
0x1a8: {  	[sflag:s15] =	ssyncset.done $0x0  }
0x1a9: {  	[sflag:s15] =	ssyncadd.s32 $0xFFFFC000  }
0x1aa: {  	[spmem:s2] =	stream.indirect.scatter.add.f32 [tilespmem:s13], [sflag:$0x3], $0x80, s29, s12, $0xb8;
	[tilespmem:$0x1CC00] =	vst v63  }
0x1ab: {  	_ =	swait.ge [sflag:s16], $0x4000  }
0x1ac: {  	[sflag:s16] =	ssyncset.done $0x0  }
0x1ad: {  	[sflag:s16] =	ssyncadd.s32 $0xFFFFC000  }
0x1ae: {  	[tilespmem:s13], [sflag:$0x1] =	stream.indirect.gather [hbm4b:s4+s12], $0x80, s30, s12, $0xb8;
	[tilespmem:$0x1CC00] =	vst v63  }
0x1af: {  	_ =	swait.ge [sflag:s17], $0x4000  }
0x1b0: {  	[sflag:s17] =	ssyncset.done $0x0  }
0x1b1: {  	[sflag:s17] =	ssyncadd.s32 $0xFFFFC000  }
0x1b2: {  	[spmem:s2] =	stream.indirect.scatter.add.f32 [tilespmem:s14], [sflag:$0x4], $0x80, s31, s12, $0xb8;
	[tilespmem:$0x1CC00] =	vst v63  }
0x1b3: {  	_ =	swait.ge [sflag:s18], $0x4000  }
0x1b4: {  	[sflag:s18] =	ssyncset.done $0x0  }
0x1b5: {  	[sflag:s18] =	ssyncadd.s32 $0xFFFFC000  }
0x1b6: {  	[tilespmem:s14], [sflag:$0x2] =	stream.indirect.gather [hbm4b:s4+s12], $0x80, s1, s12, $0xb8;
	[tilespmem:$0x1CC00] =	vst v63  }
0x1b7: {  	_ =	swait.ge [sflag:s15], $0x4000  }
0x1b8: {  	[sflag:s15] =	ssyncset.done $0x0  }
0x1b9: {  	[sflag:s15] =	ssyncadd.s32 $0xFFFFC000  }
0x1ba: {  	[spmem:s2] =	stream.indirect.scatter.add.f32 [tilespmem:s13], [sflag:$0x3], $0x80, s0, s12, $0xb8;
	[tilespmem:$0x1CC00] =	vst v63  }
0x1bb: {  	_ =	swait.ge [sflag:s16], $0x4000  }
0x1bc: {  	[sflag:s16] =	ssyncset.done $0x0  }
0x1bd: {  	[sflag:s16] =	ssyncadd.s32 $0xFFFFC000  }
0x1be: {  	_ =	swait.ge [sflag:s17], $0x4000  }
0x1bf: {  	[sflag:s17] =	ssyncset.done $0x0  }
0x1c0: {  	[sflag:s17] =	ssyncadd.s32 $0xFFFFC000  }
0x1c1: {  	[spmem:s2] =	stream.indirect.scatter.add.f32 [tilespmem:s14], [sflag:$0x4], $0x80, s5, s12, $0xb8;
	[tilespmem:$0x1CC00] =	vst v63  }
0x1c2: {  	_ =	swait.ge [sflag:s18], $0x4000  }
0x1c3: {  	[sflag:s18] =	ssyncset.done $0x0  }
0x1c4: {  	[sflag:s18] =	ssyncadd.s32 $0xFFFFC000  }
0x1c5: {  	[bflag:$0x0] =	sbarrier.arrive $0xFFFF  }
0x1c6: {  	s7 =	rddreg [dreg:$0x14]  }
0x1c7: {  	s9 =	rddreg [dreg:$0x15]  }
0x1c8: {  	s8 =	rddreg [dreg:$0x17]  }
0x1c9: {  	[hbm:s9], [sflag:s7] =	dma.local [spmem:s8], $0x2780  }
0x1ca: {  	_ =	swait.ge [sflag:s10], $0x2780  }
0x1cb: {  	s6 =	rddreg [dreg:$0x18]  }
0x1cc: {  	s9 =	sadd.s32 $0x1, s6;
	s6 =	rddreg [dreg:$0x16]  }
0x1cd: {  	p0 =	sne.s32 s9, s6  }
.Ltmp1:
0x1ce: {  	_ = 	snop;
	(pc) =	sbr.rel @p0 .LBB2_1-.Ltmp1, $3  }
0x1cf: {  	_ =	sdelay $0x1  }
0x1d0: {  	[sflag:s10] =	ssyncset.done $0x0  }
0x1d1: {  	[sflag:s10] =	ssyncadd.s32 $0xFFFFD880  }
0x1d2: {  	_ =	sfence.sel $0x180000  }
0x1d3: {  	[bflag:$0x0] =	sbarrier.arrive $0xFFFF  }
0x1d4: {  	_ =	strace $0x9000004D  }
0x1d5: {  	s0 =	stileid.u32;
	[bflag:$0x2] =	sbarrier.arrive $0xFFFF  }
0x1d6: {  	p0 =	sne.s32 s0, $0x0;
	s0 =	rddreg [dreg:$0x2]  }
0x1d7: {  	s0 =	sadd.s32 @!p0 $0x100000, s0  }
0x1d8: {  	[sflag:s0] =	ssyncadd.tile.s32 @!p0 $0x1;
	_ =	shalt  }
.Lfunc_end2:
_tile_overlayer_lowered:
.L_overlay_start_2:
0x1d9: {  	(tag) =	ssettag $0x2  }
0x1da: {  	s0 =	rddreg [dreg:$0x0];
	s2 =	stileid.u32  }
0x1db: {  	s1 =	rddreg [dreg:$0x1];
	p0 =	sne.s32 s2, $0x0  }
0x1dc: {  	s3 =	rddreg [dreg:$0x2];
	[bflag:$0x3] =	sbarrier.arrive $0xFFFF;
	s2 =	simm.s32 @!p0 $0x1C05  }
0x1dd: {  	[timem:s3], [sflag:s2] =	dma.local @!p0 [hbm:s0], s1  }
0x1de: {  	s0 =	simm.s32 @!p0 $0x5  }
0x1df: {  	_ =	swait.ge @!p0 [sflag:s0], s1  }
0x1e0: {  	s1 =	ssub.s32 @!p0 $0x0, s1;
	[sflag:s0] =	ssyncset.done @!p0 $0x0  }
0x1e1: {  	[sflag:s0] =	ssyncadd.s32 @!p0 s1  }
0x1e2: {  	[bflag:$0x3] =	sbarrier.arrive $0xFFFF  }
0x1e3: {  	_ =	shalt  }

</sc_bundles>
